<compile_context>
chip_gen: v7x
topology: tpu7x:2x2x1
jax: 0.10.2.dev20260603
libtpu: 0.0.44.dev20260713+nightly
codegen_flags: <defaults>
</compile_context>

<pallas_src>
import jax
import jax.numpy as jnp
from jax import lax
from jax.experimental import pallas as pl
from jax.experimental.pallas import tpu as pltpu
from jax.experimental.pallas import tpu_sc as plsc

D = 128
S = 10
NC, NS, L = 2, 16, 16
NW = NC * NS
CHUNK = 32
NR = CHUNK * S
IPG = 80
NG = NR // IPG


def _sc_body(idxs_hbm, idxn_hbm, table_hbm, out_hbm,
             idxs_v, idxn_v, srows0, srows1, nrows0, nrows1, outc0, outc1,
             gsem0, gsem1, osem0, osem1, *, bpw, nchunks):
    wid = lax.axis_index("s") * NC + lax.axis_index("c")
    base = wid * bpw
    srows = (srows0, srows1)
    nrows = (nrows0, nrows1)
    outc = (outc0, outc1)
    gsem = (gsem0, gsem1)
    osem = (osem0, osem1)

    pltpu.sync_copy(idxs_hbm.at[pl.ds(base, bpw)], idxs_v)
    pltpu.sync_copy(idxn_hbm.at[pl.ds(base * S, bpw * S)], idxn_v)

    def fire_gathers(b, c):
        pltpu.async_copy(
            table_hbm.at[idxs_v.at[pl.ds(c * CHUNK, CHUNK)]],
            srows[b], gsem[b])
        for j in range(NG):
            pltpu.async_copy(
                table_hbm.at[idxn_v.at[pl.ds(c * NR + j * IPG, IPG)]],
                nrows[b].at[pl.ds(j * IPG, IPG)], gsem[b])

    def drain_gathers(b):
        pltpu.make_async_copy(
            table_hbm.at[idxs_v.at[pl.ds(0, CHUNK)]], srows[b],
            gsem[b]).wait()
        for j in range(NG):
            pltpu.make_async_copy(
                table_hbm.at[idxn_v.at[pl.ds(j * IPG, IPG)]],
                nrows[b].at[pl.ds(j * IPG, IPG)], gsem[b]).wait()

    def compute(b):
        def node_body(i, carry):
            r0 = i * S
            for v in range(D // L):
                sl = pl.ds(v * L, L)
                acc = srows[b][i, sl]
                for s in range(S):
                    acc = acc + nrows[b][r0 + s, sl]
                outc[b][i, sl] = jnp.maximum(acc, 0.0)
            return carry
        lax.fori_loop(0, CHUNK, node_body, 0)

    def fire_out(b, c):
        pltpu.async_copy(outc[b], out_hbm.at[pl.ds(base + c * CHUNK, CHUNK)],
                         osem[b])

    def drain_out(b):
        pltpu.make_async_copy(outc[b], out_hbm.at[pl.ds(base, CHUNK)],
                              osem[b]).wait()

    fire_gathers(0, 0)

    def superstep(ss, carry):
        c0 = 2 * ss

        @pl.when(ss > 0)
        def _():
            drain_out(1)
        fire_gathers(1, c0 + 1)
        drain_gathers(0)

        @pl.when(ss > 0)
        def _():
            drain_out(0)
        compute(0)
        fire_out(0, c0)

        @pl.when(c0 + 2 < nchunks)
        def _():
            fire_gathers(0, c0 + 2)
        drain_gathers(1)
        compute(1)
        fire_out(1, c0 + 1)
        return carry

    lax.fori_loop(0, nchunks // 2, superstep, 0)
    drain_out(0)
    drain_out(1)


def _make_sc(Bp):
    bpw = Bp // NW
    nchunks = bpw // CHUNK
    assert nchunks % 2 == 0
    mesh = plsc.VectorSubcoreMesh(core_axis_name="c", subcore_axis_name="s")

    def body(idxs_hbm, idxn_hbm, table_hbm, out_hbm, *scratch):
        _sc_body(idxs_hbm, idxn_hbm, table_hbm, out_hbm, *scratch,
                 bpw=bpw, nchunks=nchunks)

    return pl.kernel(
        body,
        out_type=jax.ShapeDtypeStruct((Bp, D), jnp.float32),
        mesh=mesh,
        scratch_types=[
            pltpu.VMEM((bpw,), jnp.int32),
            pltpu.VMEM((bpw * S,), jnp.int32),
            pltpu.VMEM((CHUNK, D), jnp.float32),
            pltpu.VMEM((CHUNK, D), jnp.float32),
            pltpu.VMEM((NR, D), jnp.float32),
            pltpu.VMEM((NR, D), jnp.float32),
            pltpu.VMEM((CHUNK, D), jnp.float32),
            pltpu.VMEM((CHUNK, D), jnp.float32),
            pltpu.SemaphoreType.DMA,
            pltpu.SemaphoreType.DMA,
            pltpu.SemaphoreType.DMA,
            pltpu.SemaphoreType.DMA,
        ],
    )


def _table_body(w_ref, f_ref, out_ref):
    f = f_ref[...].astype(jnp.bfloat16)
    w = w_ref[0].astype(jnp.bfloat16)
    scale = jnp.where(pl.program_id(1) == 1, 1.0 / S, 1.0)
    d = lax.dot_general(f, w, (((1,), (1,)), ((), ())),
                        preferred_element_type=jnp.float32)
    out_ref[...] = d * scale


def kernel(nodes, neigh_idx, features, W):
    B = nodes.shape[0]
    N = features.shape[0]

    FBLK = 2000
    fgrid = N // FBLK
    w3 = jnp.transpose(W.reshape(128, 2, D), (1, 0, 2))
    table = pl.pallas_call(
        _table_body,
        grid=(fgrid, 2),
        in_specs=[
            pl.BlockSpec((1, 128, D), lambda i, j: (j, 0, 0)),
            pl.BlockSpec((FBLK, D), lambda i, j: (i, 0)),
        ],
        out_specs=pl.BlockSpec((FBLK, D), lambda i, j: (j * fgrid + i, 0)),
        out_shape=jax.ShapeDtypeStruct((2 * N, D), jnp.float32),
    )(w3, features)

    Bp = -(-B // (NW * 2 * CHUNK)) * (NW * 2 * CHUNK)
    npad = Bp - B
    pad_nodes = (jnp.arange(npad, dtype=nodes.dtype) * 1031) % N
    pad_neigh = (jnp.arange(npad * S, dtype=nodes.dtype) * 523) % N
    idx_self = jnp.concatenate([nodes, pad_nodes])
    idx_neigh = jnp.concatenate([neigh_idx.reshape(B * S), pad_neigh]) + N

    out_bt = _make_sc(Bp)(idx_self, idx_neigh, table)
    return out_bt[:B].T

# --- scband reference (transcript-rebuilt; emitter-appended) ---
"""Pipeline reference for scband-encoder-43052752175741 (READ-ONLY COPY).

The authoritative reference and input builder live on the scoring server;
editing this copy changes nothing except your own understanding.
"""

import jax, jax.numpy as jnp
import numpy as np

N_NODES = 50000
D_FEAT = 128
EMBED_DIM = 128
NUM_SAMPLE = 10


def setup_inputs(seed: int = 0) -> dict:
    key = jax.random.key(seed)
    k1, k2, k3, k4 = jax.random.split(key, 4)
    # batch of node ids (the Encoder processes a list of node ids)
    nodes = jax.random.randint(k1, (N_NODES,), 0, N_NODES, dtype=jnp.int32)
    # pre-sampled neighbor ids per node (MeanAggregator samples num_sample neighbors
    # from adj_lists; fixed-shape equivalent of the python set-sampling)
    neigh_idx = jax.random.randint(k2, (N_NODES, NUM_SAMPLE), 0, N_NODES, dtype=jnp.int32)
    # feature lookup table (stands in for the `features` embedding function)
    features = jax.random.normal(k3, (N_NODES, D_FEAT), dtype=jnp.float32)
    # Encoder weight: [embed_dim, 2*feat_dim] since gcn=False (concat self + neigh)
    fan_in = 2 * D_FEAT
    bound = float(np.sqrt(6.0 / (EMBED_DIM + fan_in)))
    W = jax.random.uniform(k4, (EMBED_DIM, 2 * D_FEAT), dtype=jnp.float32,
                           minval=-bound, maxval=bound)
    return {"nodes": nodes, "neigh_idx": neigh_idx, "features": features, "W": W}


def reference(nodes, neigh_idx, features, W):
    # MeanAggregator: mean of sampled neighbors' features.
    # The original builds a normalized 0/1 mask and does mask.mm(embed_matrix);
    # that is exactly a mean over each node's sampled neighbor feature rows.
    neigh_feats = jnp.take(features, neigh_idx, axis=0)      # [B, S, d]
    neigh_feats = jnp.mean(neigh_feats, axis=1)              # [B, d]
    # gcn=False: concat self features with aggregated neighbor features
    self_feats = jnp.take(features, nodes, axis=0)           # [B, d]
    combined = jnp.concatenate([self_feats, neigh_feats], axis=1)  # [B, 2d]
    # combined = F.relu(self.weight.mm(combined.t())) -> [embed_dim, B]
    out = jax.nn.relu(W @ combined.T)
    return out

if __name__ == "__main__":
    import jax
    _d = setup_inputs()
    print(jax.jit(kernel)(*tuple(_d.values())))

</pallas_src>

<mosaic_0001>
#map = affine_map<(d0, d1) -> (0)>
#map1 = affine_map<(d0, d1) -> (0, 0)>
module attributes {stable_mosaic.version = 14 : i64} {
  func.func @body(%arg0: i32, %arg1: i32, %arg2: memref<51200xi32, #tpu.memory_space<hbm>>, %arg3: memref<512000xi32, #tpu.memory_space<hbm>>, %arg4: memref<100000x128xf32, #tpu.memory_space<hbm>>, %arg5: memref<51200x128xf32, #tpu.memory_space<hbm>>, %arg6: memref<1600xi32, #tpu.memory_space<vmem>>, %arg7: memref<16000xi32, #tpu.memory_space<vmem>>, %arg8: memref<32x128xf32, #tpu.memory_space<vmem>>, %arg9: memref<32x128xf32, #tpu.memory_space<vmem>>, %arg10: memref<320x128xf32, #tpu.memory_space<vmem>>, %arg11: memref<320x128xf32, #tpu.memory_space<vmem>>, %arg12: memref<32x128xf32, #tpu.memory_space<vmem>>, %arg13: memref<32x128xf32, #tpu.memory_space<vmem>>, %arg14: memref<!tpu.dma_semaphore, #tpu.memory_space<semaphore_mem>>, %arg15: memref<!tpu.dma_semaphore, #tpu.memory_space<semaphore_mem>>, %arg16: memref<!tpu.dma_semaphore, #tpu.memory_space<semaphore_mem>>, %arg17: memref<!tpu.dma_semaphore, #tpu.memory_space<semaphore_mem>>) attributes {dimension_semantics = [#tpu.dimension_semantics<core_parallel>, #tpu.dimension_semantics<subcore_parallel>], iteration_bounds = array<i64: 2, 16>, scalar_prefetch = 0 : i64, scratch_operands = 12 : i64, tpu.core_type = #tpu.core_type<sc_vector_subcore>, window_params = [{transform_indices = #map}, {transform_indices = #map}, {transform_indices = #map1}, {transform_indices = #map1}]} {
    %mul3A = arith.constant 2 : i32
    %mul3A_0 = arith.muli %arg1, %mul3A : i32
    %add3A = arith.addi %mul3A_0, %arg0 : i32
    %mul3A_1 = arith.constant 1600 : i32
    %mul3A_2 = arith.muli %add3A, %mul3A_1 : i32
    "tpu.region"() ({
      %run_scoped3A = tpu.sem_alloc : memref<!tpu.dma_semaphore, #tpu.memory_space<semaphore_mem>>
      %dma_start3A_53 = tpu.memref_slice %arg2[%mul3A_2] : memref<51200xi32, #tpu.memory_space<hbm>> -> memref<1600xi32, #tpu.memory_space<hbm>>
      %dma_start3A_54 = tpu.memref_slice %arg2[%mul3A_2] : memref<51200xi32, #tpu.memory_space<hbm>> -> memref<1600xi32, #tpu.memory_space<hbm>>
      tpu.enqueue_dma source(%dma_start3A_54 : memref<1600xi32, #tpu.memory_space<hbm>>) target(%arg6 : memref<1600xi32, #tpu.memory_space<vmem>>) target_semaphore(%run_scoped3A : memref<!tpu.dma_semaphore, #tpu.memory_space<semaphore_mem>>)
      %dma_wait3A_55 = tpu.memref_slice %arg2[%mul3A_2] : memref<51200xi32, #tpu.memory_space<hbm>> -> memref<1600xi32, #tpu.memory_space<hbm>>
      %dma_wait3A_56 = tpu.memref_slice %arg2[%mul3A_2] : memref<51200xi32, #tpu.memory_space<hbm>> -> memref<1600xi32, #tpu.memory_space<hbm>>
      tpu.wait_dma2 semaphore(%run_scoped3A : memref<!tpu.dma_semaphore, #tpu.memory_space<semaphore_mem>>) src(%dma_wait3A_56 : memref<1600xi32, #tpu.memory_space<hbm>>) dst(%arg6 : memref<1600xi32, #tpu.memory_space<vmem>>)
      tpu.yield
    }) : () -> ()
    %mul3A_3 = arith.constant 10 : i32
    %mul3A_4 = arith.muli %mul3A_2, %mul3A_3 : i32
    "tpu.region"() ({
      %run_scoped3A = tpu.sem_alloc : memref<!tpu.dma_semaphore, #tpu.memory_space<semaphore_mem>>
      %dma_start3A_53 = tpu.memref_slice %arg3[%mul3A_4] : memref<512000xi32, #tpu.memory_space<hbm>> -> memref<16000xi32, #tpu.memory_space<hbm>>
      %dma_start3A_54 = tpu.memref_slice %arg3[%mul3A_4] : memref<512000xi32, #tpu.memory_space<hbm>> -> memref<16000xi32, #tpu.memory_space<hbm>>
      tpu.enqueue_dma source(%dma_start3A_54 : memref<16000xi32, #tpu.memory_space<hbm>>) target(%arg7 : memref<16000xi32, #tpu.memory_space<vmem>>) target_semaphore(%run_scoped3A : memref<!tpu.dma_semaphore, #tpu.memory_space<semaphore_mem>>)
      %dma_wait3A_55 = tpu.memref_slice %arg3[%mul3A_4] : memref<512000xi32, #tpu.memory_space<hbm>> -> memref<16000xi32, #tpu.memory_space<hbm>>
      %dma_wait3A_56 = tpu.memref_slice %arg3[%mul3A_4] : memref<512000xi32, #tpu.memory_space<hbm>> -> memref<16000xi32, #tpu.memory_space<hbm>>
      tpu.wait_dma2 semaphore(%run_scoped3A : memref<!tpu.dma_semaphore, #tpu.memory_space<semaphore_mem>>) src(%dma_wait3A_56 : memref<16000xi32, #tpu.memory_space<hbm>>) dst(%arg7 : memref<16000xi32, #tpu.memory_space<vmem>>)
      tpu.yield
    }) : () -> ()
    %dma_start3A = arith.constant 0 : i32
    %dma_start3A_5 = tpu.memref_slice %arg6[%dma_start3A] : memref<1600xi32, #tpu.memory_space<vmem>> -> memref<32xi32, #tpu.memory_space<vmem>>
    %dma_start3A_6 = arith.constant 0 : i32
    %dma_start3A_7 = arith.constant 0 : i32
    %dma_start3A_8 = tpu.memref_slice %arg4[%dma_start3A_6, %dma_start3A_7] : memref<100000x128xf32, #tpu.memory_space<hbm>> -> memref<100000x128xf32, #tpu.memory_space<hbm>>
    tpu.enqueue_indirect_dma source(%dma_start3A_8 : memref<100000x128xf32, #tpu.memory_space<hbm>>) target(%arg8 : memref<32x128xf32, #tpu.memory_space<vmem>>) offsets(%dma_start3A_5 : memref<32xi32, #tpu.memory_space<vmem>>) semaphore(%arg14 : memref<!tpu.dma_semaphore, #tpu.memory_space<semaphore_mem>>)
    %dma_start3A_9 = arith.constant 0 : i32
    %dma_start3A_10 = arith.constant 0 : i32
    %dma_start3A_11 = tpu.memref_slice %arg10[%dma_start3A_9, %dma_start3A_10] : memref<320x128xf32, #tpu.memory_space<vmem>> -> memref<80x128xf32, #tpu.memory_space<vmem>>
    %dma_start3A_12 = arith.constant 0 : i32
    %dma_start3A_13 = tpu.memref_slice %arg7[%dma_start3A_12] : memref<16000xi32, #tpu.memory_space<vmem>> -> memref<80xi32, #tpu.memory_space<vmem>>
    %dma_start3A_14 = arith.constant 0 : i32
    %dma_start3A_15 = arith.constant 0 : i32
    %dma_start3A_16 = tpu.memref_slice %arg4[%dma_start3A_14, %dma_start3A_15] : memref<100000x128xf32, #tpu.memory_space<hbm>> -> memref<100000x128xf32, #tpu.memory_space<hbm>>
    tpu.enqueue_indirect_dma source(%dma_start3A_16 : memref<100000x128xf32, #tpu.memory_space<hbm>>) target(%dma_start3A_11 : memref<80x128xf32, #tpu.memory_space<vmem>>) offsets(%dma_start3A_13 : memref<80xi32, #tpu.memory_space<vmem>>) semaphore(%arg14 : memref<!tpu.dma_semaphore, #tpu.memory_space<semaphore_mem>>)
    %dma_start3A_17 = arith.constant 80 : i32
    %dma_start3A_18 = arith.constant 0 : i32
    %dma_start3A_19 = tpu.memref_slice %arg10[%dma_start3A_17, %dma_start3A_18] : memref<320x128xf32, #tpu.memory_space<vmem>> -> memref<80x128xf32, #tpu.memory_space<vmem>>
    %dma_start3A_20 = arith.constant 80 : i32
    %dma_start3A_21 = tpu.memref_slice %arg7[%dma_start3A_20] : memref<16000xi32, #tpu.memory_space<vmem>> -> memref<80xi32, #tpu.memory_space<vmem>>
    %dma_start3A_22 = arith.constant 0 : i32
    %dma_start3A_23 = arith.constant 0 : i32
    %dma_start3A_24 = tpu.memref_slice %arg4[%dma_start3A_22, %dma_start3A_23] : memref<100000x128xf32, #tpu.memory_space<hbm>> -> memref<100000x128xf32, #tpu.memory_space<hbm>>
    tpu.enqueue_indirect_dma source(%dma_start3A_24 : memref<100000x128xf32, #tpu.memory_space<hbm>>) target(%dma_start3A_19 : memref<80x128xf32, #tpu.memory_space<vmem>>) offsets(%dma_start3A_21 : memref<80xi32, #tpu.memory_space<vmem>>) semaphore(%arg14 : memref<!tpu.dma_semaphore, #tpu.memory_space<semaphore_mem>>)
    %dma_start3A_25 = arith.constant 160 : i32
    %dma_start3A_26 = arith.constant 0 : i32
    %dma_start3A_27 = tpu.memref_slice %arg10[%dma_start3A_25, %dma_start3A_26] : memref<320x128xf32, #tpu.memory_space<vmem>> -> memref<80x128xf32, #tpu.memory_space<vmem>>
    %dma_start3A_28 = arith.constant 160 : i32
    %dma_start3A_29 = tpu.memref_slice %arg7[%dma_start3A_28] : memref<16000xi32, #tpu.memory_space<vmem>> -> memref<80xi32, #tpu.memory_space<vmem>>
    %dma_start3A_30 = arith.constant 0 : i32
    %dma_start3A_31 = arith.constant 0 : i32
    %dma_start3A_32 = tpu.memref_slice %arg4[%dma_start3A_30, %dma_start3A_31] : memref<100000x128xf32, #tpu.memory_space<hbm>> -> memref<100000x128xf32, #tpu.memory_space<hbm>>
    tpu.enqueue_indirect_dma source(%dma_start3A_32 : memref<100000x128xf32, #tpu.memory_space<hbm>>) target(%dma_start3A_27 : memref<80x128xf32, #tpu.memory_space<vmem>>) offsets(%dma_start3A_29 : memref<80xi32, #tpu.memory_space<vmem>>) semaphore(%arg14 : memref<!tpu.dma_semaphore, #tpu.memory_space<semaphore_mem>>)
    %dma_start3A_33 = arith.constant 240 : i32
    %dma_start3A_34 = arith.constant 0 : i32
    %dma_start3A_35 = tpu.memref_slice %arg10[%dma_start3A_33, %dma_start3A_34] : memref<320x128xf32, #tpu.memory_space<vmem>> -> memref<80x128xf32, #tpu.memory_space<vmem>>
    %dma_start3A_36 = arith.constant 240 : i32
    %dma_start3A_37 = tpu.memref_slice %arg7[%dma_start3A_36] : memref<16000xi32, #tpu.memory_space<vmem>> -> memref<80xi32, #tpu.memory_space<vmem>>
    %dma_start3A_38 = arith.constant 0 : i32
    %dma_start3A_39 = arith.constant 0 : i32
    %dma_start3A_40 = tpu.memref_slice %arg4[%dma_start3A_38, %dma_start3A_39] : memref<100000x128xf32, #tpu.memory_space<hbm>> -> memref<100000x128xf32, #tpu.memory_space<hbm>>
    tpu.enqueue_indirect_dma source(%dma_start3A_40 : memref<100000x128xf32, #tpu.memory_space<hbm>>) target(%dma_start3A_35 : memref<80x128xf32, #tpu.memory_space<vmem>>) offsets(%dma_start3A_37 : memref<80xi32, #tpu.memory_space<vmem>>) semaphore(%arg14 : memref<!tpu.dma_semaphore, #tpu.memory_space<semaphore_mem>>)
    %scan3A = arith.constant 0 : i32
    %scan3A_41 = arith.constant 0 : i32
    %scan3A_42 = arith.constant 25 : i32
    %scan3A_43 = arith.addi %scan3A_41, %scan3A_42 : i32
    %scan3A_44 = arith.constant 1 : i32
    scf.for %scan3A_53 = %scan3A_41 to %scan3A_43 step %scan3A_44  : i32 {
      %mul3A_54 = arith.constant 2 : i32
      %mul3A_55 = arith.muli %mul3A_54, %scan3A_53 : i32
      %gt3A = arith.constant 0 : i32
      %gt3A_56 = arith.cmpi sgt, %scan3A_53, %gt3A : i32
      %convert_element_type3A = arith.extui %gt3A_56 : i1 to i32
      %cond3A = arith.constant 0 : i32
      %cond3A_57 = arith.cmpi ne, %convert_element_type3A, %cond3A : i32
      scf.if %cond3A_57 {
        %dma_wait3A_223 = arith.constant 0 : i32
        %dma_wait3A_224 = tpu.memref_slice %arg5[%mul3A_2, %dma_wait3A_223] : memref<51200x128xf32, #tpu.memory_space<hbm>> -> memref<32x128xf32, #tpu.memory_space<hbm>>
        %dma_wait3A_225 = arith.constant 0 : i32
        %dma_wait3A_226 = tpu.memref_slice %arg5[%mul3A_2, %dma_wait3A_225] : memref<51200x128xf32, #tpu.memory_space<hbm>> -> memref<32x128xf32, #tpu.memory_space<hbm>>
        tpu.wait_dma2 semaphore(%arg17 : memref<!tpu.dma_semaphore, #tpu.memory_space<semaphore_mem>>) src(%arg13 : memref<32x128xf32, #tpu.memory_space<vmem>>) dst(%dma_wait3A_226 : memref<32x128xf32, #tpu.memory_space<hbm>>)
      } else {
      }
      %add3A_58 = arith.constant 1 : i32
      %add3A_59 = arith.addi %mul3A_55, %add3A_58 : i32
      %mul3A_60 = arith.constant 32 : i32
      %mul3A_61 = arith.muli %add3A_59, %mul3A_60 : i32
      %dma_start3A_62 = tpu.memref_slice %arg6[%mul3A_61] : memref<1600xi32, #tpu.memory_space<vmem>> -> memref<32xi32, #tpu.memory_space<vmem>>
      %dma_start3A_63 = arith.constant 0 : i32
      %dma_start3A_64 = arith.constant 0 : i32
      %dma_start3A_65 = tpu.memref_slice %arg4[%dma_start3A_63, %dma_start3A_64] : memref<100000x128xf32, #tpu.memory_space<hbm>> -> memref<100000x128xf32, #tpu.memory_space<hbm>>
      tpu.enqueue_indirect_dma source(%dma_start3A_65 : memref<100000x128xf32, #tpu.memory_space<hbm>>) target(%arg9 : memref<32x128xf32, #tpu.memory_space<vmem>>) offsets(%dma_start3A_62 : memref<32xi32, #tpu.memory_space<vmem>>) semaphore(%arg15 : memref<!tpu.dma_semaphore, #tpu.memory_space<semaphore_mem>>)
      %mul3A_66 = arith.constant 320 : i32
      %mul3A_67 = arith.muli %add3A_59, %mul3A_66 : i32
      %add3A_68 = arith.constant 0 : i32
      %add3A_69 = arith.addi %mul3A_67, %add3A_68 : i32
      %dma_start3A_70 = arith.constant 0 : i32
      %dma_start3A_71 = arith.constant 0 : i32
      %dma_start3A_72 = tpu.memref_slice %arg11[%dma_start3A_70, %dma_start3A_71] : memref<320x128xf32, #tpu.memory_space<vmem>> -> memref<80x128xf32, #tpu.memory_space<vmem>>
      %dma_start3A_73 = tpu.memref_slice %arg7[%add3A_69] : memref<16000xi32, #tpu.memory_space<vmem>> -> memref<80xi32, #tpu.memory_space<vmem>>
      %dma_start3A_74 = arith.constant 0 : i32
      %dma_start3A_75 = arith.constant 0 : i32
      %dma_start3A_76 = tpu.memref_slice %arg4[%dma_start3A_74, %dma_start3A_75] : memref<100000x128xf32, #tpu.memory_space<hbm>> -> memref<100000x128xf32, #tpu.memory_space<hbm>>
      tpu.enqueue_indirect_dma source(%dma_start3A_76 : memref<100000x128xf32, #tpu.memory_space<hbm>>) target(%dma_start3A_72 : memref<80x128xf32, #tpu.memory_space<vmem>>) offsets(%dma_start3A_73 : memref<80xi32, #tpu.memory_space<vmem>>) semaphore(%arg15 : memref<!tpu.dma_semaphore, #tpu.memory_space<semaphore_mem>>)
      %mul3A_77 = arith.constant 320 : i32
      %mul3A_78 = arith.muli %add3A_59, %mul3A_77 : i32
      %add3A_79 = arith.constant 80 : i32
      %add3A_80 = arith.addi %mul3A_78, %add3A_79 : i32
      %dma_start3A_81 = arith.constant 80 : i32
      %dma_start3A_82 = arith.constant 0 : i32
      %dma_start3A_83 = tpu.memref_slice %arg11[%dma_start3A_81, %dma_start3A_82] : memref<320x128xf32, #tpu.memory_space<vmem>> -> memref<80x128xf32, #tpu.memory_space<vmem>>
      %dma_start3A_84 = tpu.memref_slice %arg7[%add3A_80] : memref<16000xi32, #tpu.memory_space<vmem>> -> memref<80xi32, #tpu.memory_space<vmem>>
      %dma_start3A_85 = arith.constant 0 : i32
      %dma_start3A_86 = arith.constant 0 : i32
      %dma_start3A_87 = tpu.memref_slice %arg4[%dma_start3A_85, %dma_start3A_86] : memref<100000x128xf32, #tpu.memory_space<hbm>> -> memref<100000x128xf32, #tpu.memory_space<hbm>>
      tpu.enqueue_indirect_dma source(%dma_start3A_87 : memref<100000x128xf32, #tpu.memory_space<hbm>>) target(%dma_start3A_83 : memref<80x128xf32, #tpu.memory_space<vmem>>) offsets(%dma_start3A_84 : memref<80xi32, #tpu.memory_space<vmem>>) semaphore(%arg15 : memref<!tpu.dma_semaphore, #tpu.memory_space<semaphore_mem>>)
      %mul3A_88 = arith.constant 320 : i32
      %mul3A_89 = arith.muli %add3A_59, %mul3A_88 : i32
      %add3A_90 = arith.constant 160 : i32
      %add3A_91 = arith.addi %mul3A_89, %add3A_90 : i32
      %dma_start3A_92 = arith.constant 160 : i32
      %dma_start3A_93 = arith.constant 0 : i32
      %dma_start3A_94 = tpu.memref_slice %arg11[%dma_start3A_92, %dma_start3A_93] : memref<320x128xf32, #tpu.memory_space<vmem>> -> memref<80x128xf32, #tpu.memory_space<vmem>>
      %dma_start3A_95 = tpu.memref_slice %arg7[%add3A_91] : memref<16000xi32, #tpu.memory_space<vmem>> -> memref<80xi32, #tpu.memory_space<vmem>>
      %dma_start3A_96 = arith.constant 0 : i32
      %dma_start3A_97 = arith.constant 0 : i32
      %dma_start3A_98 = tpu.memref_slice %arg4[%dma_start3A_96, %dma_start3A_97] : memref<100000x128xf32, #tpu.memory_space<hbm>> -> memref<100000x128xf32, #tpu.memory_space<hbm>>
      tpu.enqueue_indirect_dma source(%dma_start3A_98 : memref<100000x128xf32, #tpu.memory_space<hbm>>) target(%dma_start3A_94 : memref<80x128xf32, #tpu.memory_space<vmem>>) offsets(%dma_start3A_95 : memref<80xi32, #tpu.memory_space<vmem>>) semaphore(%arg15 : memref<!tpu.dma_semaphore, #tpu.memory_space<semaphore_mem>>)
      %mul3A_99 = arith.constant 320 : i32
      %mul3A_100 = arith.muli %add3A_59, %mul3A_99 : i32
      %add3A_101 = arith.constant 240 : i32
      %add3A_102 = arith.addi %mul3A_100, %add3A_101 : i32
      %dma_start3A_103 = arith.constant 240 : i32
      %dma_start3A_104 = arith.constant 0 : i32
      %dma_start3A_105 = tpu.memref_slice %arg11[%dma_start3A_103, %dma_start3A_104] : memref<320x128xf32, #tpu.memory_space<vmem>> -> memref<80x128xf32, #tpu.memory_space<vmem>>
      %dma_start3A_106 = tpu.memref_slice %arg7[%add3A_102] : memref<16000xi32, #tpu.memory_space<vmem>> -> memref<80xi32, #tpu.memory_space<vmem>>
      %dma_start3A_107 = arith.constant 0 : i32
      %dma_start3A_108 = arith.constant 0 : i32
      %dma_start3A_109 = tpu.memref_slice %arg4[%dma_start3A_107, %dma_start3A_108] : memref<100000x128xf32, #tpu.memory_space<hbm>> -> memref<100000x128xf32, #tpu.memory_space<hbm>>
      tpu.enqueue_indirect_dma source(%dma_start3A_109 : memref<100000x128xf32, #tpu.memory_space<hbm>>) target(%dma_start3A_105 : memref<80x128xf32, #tpu.memory_space<vmem>>) offsets(%dma_start3A_106 : memref<80xi32, #tpu.memory_space<vmem>>) semaphore(%arg15 : memref<!tpu.dma_semaphore, #tpu.memory_space<semaphore_mem>>)
      %dma_wait3A_110 = arith.constant 0 : i32
      %dma_wait3A_111 = tpu.memref_slice %arg6[%dma_wait3A_110] : memref<1600xi32, #tpu.memory_space<vmem>> -> memref<32xi32, #tpu.memory_space<vmem>>
      %dma_wait3A_112 = arith.constant 0 : i32
      %dma_wait3A_113 = arith.constant 0 : i32
      %dma_wait3A_114 = tpu.memref_slice %arg4[%dma_wait3A_112, %dma_wait3A_113] : memref<100000x128xf32, #tpu.memory_space<hbm>> -> memref<100000x128xf32, #tpu.memory_space<hbm>>
      tpu.wait_indirect_dma semaphore(%arg14 : memref<!tpu.dma_semaphore, #tpu.memory_space<semaphore_mem>>) src(%dma_wait3A_114 : memref<100000x128xf32, #tpu.memory_space<hbm>>) dst(%arg8 : memref<32x128xf32, #tpu.memory_space<vmem>>)
      %dma_wait3A_115 = arith.constant 0 : i32
      %dma_wait3A_116 = arith.constant 0 : i32
      %dma_wait3A_117 = tpu.memref_slice %arg10[%dma_wait3A_115, %dma_wait3A_116] : memref<320x128xf32, #tpu.memory_space<vmem>> -> memref<80x128xf32, #tpu.memory_space<vmem>>
      %dma_wait3A_118 = arith.constant 0 : i32
      %dma_wait3A_119 = tpu.memref_slice %arg7[%dma_wait3A_118] : memref<16000xi32, #tpu.memory_space<vmem>> -> memref<80xi32, #tpu.memory_space<vmem>>
      %dma_wait3A_120 = arith.constant 0 : i32
      %dma_wait3A_121 = arith.constant 0 : i32
      %dma_wait3A_122 = tpu.memref_slice %arg4[%dma_wait3A_120, %dma_wait3A_121] : memref<100000x128xf32, #tpu.memory_space<hbm>> -> memref<100000x128xf32, #tpu.memory_space<hbm>>
      tpu.wait_indirect_dma semaphore(%arg14 : memref<!tpu.dma_semaphore, #tpu.memory_space<semaphore_mem>>) src(%dma_wait3A_122 : memref<100000x128xf32, #tpu.memory_space<hbm>>) dst(%dma_wait3A_117 : memref<80x128xf32, #tpu.memory_space<vmem>>)
      %dma_wait3A_123 = arith.constant 80 : i32
      %dma_wait3A_124 = arith.constant 0 : i32
      %dma_wait3A_125 = tpu.memref_slice %arg10[%dma_wait3A_123, %dma_wait3A_124] : memref<320x128xf32, #tpu.memory_space<vmem>> -> memref<80x128xf32, #tpu.memory_space<vmem>>
      %dma_wait3A_126 = arith.constant 80 : i32
      %dma_wait3A_127 = tpu.memref_slice %arg7[%dma_wait3A_126] : memref<16000xi32, #tpu.memory_space<vmem>> -> memref<80xi32, #tpu.memory_space<vmem>>
      %dma_wait3A_128 = arith.constant 0 : i32
      %dma_wait3A_129 = arith.constant 0 : i32
      %dma_wait3A_130 = tpu.memref_slice %arg4[%dma_wait3A_128, %dma_wait3A_129] : memref<100000x128xf32, #tpu.memory_space<hbm>> -> memref<100000x128xf32, #tpu.memory_space<hbm>>
      tpu.wait_indirect_dma semaphore(%arg14 : memref<!tpu.dma_semaphore, #tpu.memory_space<semaphore_mem>>) src(%dma_wait3A_130 : memref<100000x128xf32, #tpu.memory_space<hbm>>) dst(%dma_wait3A_125 : memref<80x128xf32, #tpu.memory_space<vmem>>)
      %dma_wait3A_131 = arith.constant 160 : i32
      %dma_wait3A_132 = arith.constant 0 : i32
      %dma_wait3A_133 = tpu.memref_slice %arg10[%dma_wait3A_131, %dma_wait3A_132] : memref<320x128xf32, #tpu.memory_space<vmem>> -> memref<80x128xf32, #tpu.memory_space<vmem>>
      %dma_wait3A_134 = arith.constant 160 : i32
      %dma_wait3A_135 = tpu.memref_slice %arg7[%dma_wait3A_134] : memref<16000xi32, #tpu.memory_space<vmem>> -> memref<80xi32, #tpu.memory_space<vmem>>
      %dma_wait3A_136 = arith.constant 0 : i32
      %dma_wait3A_137 = arith.constant 0 : i32
      %dma_wait3A_138 = tpu.memref_slice %arg4[%dma_wait3A_136, %dma_wait3A_137] : memref<100000x128xf32, #tpu.memory_space<hbm>> -> memref<100000x128xf32, #tpu.memory_space<hbm>>
      tpu.wait_indirect_dma semaphore(%arg14 : memref<!tpu.dma_semaphore, #tpu.memory_space<semaphore_mem>>) src(%dma_wait3A_138 : memref<100000x128xf32, #tpu.memory_space<hbm>>) dst(%dma_wait3A_133 : memref<80x128xf32, #tpu.memory_space<vmem>>)
      %dma_wait3A_139 = arith.constant 240 : i32
      %dma_wait3A_140 = arith.constant 0 : i32
      %dma_wait3A_141 = tpu.memref_slice %arg10[%dma_wait3A_139, %dma_wait3A_140] : memref<320x128xf32, #tpu.memory_space<vmem>> -> memref<80x128xf32, #tpu.memory_space<vmem>>
      %dma_wait3A_142 = arith.constant 240 : i32
      %dma_wait3A_143 = tpu.memref_slice %arg7[%dma_wait3A_142] : memref<16000xi32, #tpu.memory_space<vmem>> -> memref<80xi32, #tpu.memory_space<vmem>>
      %dma_wait3A_144 = arith.constant 0 : i32
      %dma_wait3A_145 = arith.constant 0 : i32
      %dma_wait3A_146 = tpu.memref_slice %arg4[%dma_wait3A_144, %dma_wait3A_145] : memref<100000x128xf32, #tpu.memory_space<hbm>> -> memref<100000x128xf32, #tpu.memory_space<hbm>>
      tpu.wait_indirect_dma semaphore(%arg14 : memref<!tpu.dma_semaphore, #tpu.memory_space<semaphore_mem>>) src(%dma_wait3A_146 : memref<100000x128xf32, #tpu.memory_space<hbm>>) dst(%dma_wait3A_141 : memref<80x128xf32, #tpu.memory_space<vmem>>)
      %gt3A_147 = arith.constant 0 : i32
      %gt3A_148 = arith.cmpi sgt, %scan3A_53, %gt3A_147 : i32
      %convert_element_type3A_149 = arith.extui %gt3A_148 : i1 to i32
      %cond3A_150 = arith.constant 0 : i32
      %cond3A_151 = arith.cmpi ne, %convert_element_type3A_149, %cond3A_150 : i32
      scf.if %cond3A_151 {
        %dma_wait3A_223 = arith.constant 0 : i32
        %dma_wait3A_224 = tpu.memref_slice %arg5[%mul3A_2, %dma_wait3A_223] : memref<51200x128xf32, #tpu.memory_space<hbm>> -> memref<32x128xf32, #tpu.memory_space<hbm>>
        %dma_wait3A_225 = arith.constant 0 : i32
        %dma_wait3A_226 = tpu.memref_slice %arg5[%mul3A_2, %dma_wait3A_225] : memref<51200x128xf32, #tpu.memory_space<hbm>> -> memref<32x128xf32, #tpu.memory_space<hbm>>
        tpu.wait_dma2 semaphore(%arg16 : memref<!tpu.dma_semaphore, #tpu.memory_space<semaphore_mem>>) src(%arg12 : memref<32x128xf32, #tpu.memory_space<vmem>>) dst(%dma_wait3A_226 : memref<32x128xf32, #tpu.memory_space<hbm>>)
      } else {
      }
      %scan3A_152 = arith.constant 0 : i32
      %scan3A_153 = arith.constant 0 : i32
      %scan3A_154 = arith.constant 32 : i32
      %scan3A_155 = arith.addi %scan3A_153, %scan3A_154 : i32
      %scan3A_156 = arith.constant 1 : i32
      scf.for %scan3A_223 = %scan3A_153 to %scan3A_155 step %scan3A_156  : i32 {
        %mul3A_224 = arith.constant 10 : i32
        %mul3A_225 = arith.muli %scan3A_223, %mul3A_224 : i32
        %get3A = arith.index_cast %scan3A_223 : i32 to index
        %get3A_226 = arith.constant 0 : index
        %get3A_227 = tpu.vector_load %arg8[%get3A, %get3A_226] {strides = array<i32>} : memref<32x128xf32, #tpu.memory_space<vmem>>, vector<1x16xf32>,
        %get3A_228 = vector.shape_cast %get3A_227 : vector<1x16xf32> to vector<16xf32>
        %add3A_229 = arith.constant 0 : i32
        %add3A_230 = arith.addi %mul3A_225, %add3A_229 : i32
        %get3A_231 = arith.index_cast %add3A_230 : i32 to index
        %get3A_232 = arith.constant 0 : index
        %get3A_233 = tpu.vector_load %arg10[%get3A_231, %get3A_232] {strides = array<i32>} : memref<320x128xf32, #tpu.memory_space<vmem>>, vector<1x16xf32>,
        %get3A_234 = vector.shape_cast %get3A_233 : vector<1x16xf32> to vector<16xf32>
        %add3A_235 = arith.addf %get3A_228, %get3A_234 : vector<16xf32>
        %add3A_236 = arith.constant 1 : i32
        %add3A_237 = arith.addi %mul3A_225, %add3A_236 : i32
        %get3A_238 = arith.index_cast %add3A_237 : i32 to index
        %get3A_239 = arith.constant 0 : index
        %get3A_240 = tpu.vector_load %arg10[%get3A_238, %get3A_239] {strides = array<i32>} : memref<320x128xf32, #tpu.memory_space<vmem>>, vector<1x16xf32>,
        %get3A_241 = vector.shape_cast %get3A_240 : vector<1x16xf32> to vector<16xf32>
        %add3A_242 = arith.addf %add3A_235, %get3A_241 : vector<16xf32>
        %add3A_243 = arith.constant 2 : i32
        %add3A_244 = arith.addi %mul3A_225, %add3A_243 : i32
        %get3A_245 = arith.index_cast %add3A_244 : i32 to index
        %get3A_246 = arith.constant 0 : index
        %get3A_247 = tpu.vector_load %arg10[%get3A_245, %get3A_246] {strides = array<i32>} : memref<320x128xf32, #tpu.memory_space<vmem>>, vector<1x16xf32>,
        %get3A_248 = vector.shape_cast %get3A_247 : vector<1x16xf32> to vector<16xf32>
        %add3A_249 = arith.addf %add3A_242, %get3A_248 : vector<16xf32>
        %add3A_250 = arith.constant 3 : i32
        %add3A_251 = arith.addi %mul3A_225, %add3A_250 : i32
        %get3A_252 = arith.index_cast %add3A_251 : i32 to index
        %get3A_253 = arith.constant 0 : index
        %get3A_254 = tpu.vector_load %arg10[%get3A_252, %get3A_253] {strides = array<i32>} : memref<320x128xf32, #tpu.memory_space<vmem>>, vector<1x16xf32>,
        %get3A_255 = vector.shape_cast %get3A_254 : vector<1x16xf32> to vector<16xf32>
        %add3A_256 = arith.addf %add3A_249, %get3A_255 : vector<16xf32>
        %add3A_257 = arith.constant 4 : i32
        %add3A_258 = arith.addi %mul3A_225, %add3A_257 : i32
        %get3A_259 = arith.index_cast %add3A_258 : i32 to index
        %get3A_260 = arith.constant 0 : index
        %get3A_261 = tpu.vector_load %arg10[%get3A_259, %get3A_260] {strides = array<i32>} : memref<320x128xf32, #tpu.memory_space<vmem>>, vector<1x16xf32>,
        %get3A_262 = vector.shape_cast %get3A_261 : vector<1x16xf32> to vector<16xf32>
        %add3A_263 = arith.addf %add3A_256, %get3A_262 : vector<16xf32>
        %add3A_264 = arith.constant 5 : i32
        %add3A_265 = arith.addi %mul3A_225, %add3A_264 : i32
        %get3A_266 = arith.index_cast %add3A_265 : i32 to index
        %get3A_267 = arith.constant 0 : index
        %get3A_268 = tpu.vector_load %arg10[%get3A_266, %get3A_267] {strides = array<i32>} : memref<320x128xf32, #tpu.memory_space<vmem>>, vector<1x16xf32>,
        %get3A_269 = vector.shape_cast %get3A_268 : vector<1x16xf32> to vector<16xf32>
        %add3A_270 = arith.addf %add3A_263, %get3A_269 : vector<16xf32>
        %add3A_271 = arith.constant 6 : i32
        %add3A_272 = arith.addi %mul3A_225, %add3A_271 : i32
        %get3A_273 = arith.index_cast %add3A_272 : i32 to index
        %get3A_274 = arith.constant 0 : index
        %get3A_275 = tpu.vector_load %arg10[%get3A_273, %get3A_274] {strides = array<i32>} : memref<320x128xf32, #tpu.memory_space<vmem>>, vector<1x16xf32>,
        %get3A_276 = vector.shape_cast %get3A_275 : vector<1x16xf32> to vector<16xf32>
        %add3A_277 = arith.addf %add3A_270, %get3A_276 : vector<16xf32>
        %add3A_278 = arith.constant 7 : i32
        %add3A_279 = arith.addi %mul3A_225, %add3A_278 : i32
        %get3A_280 = arith.index_cast %add3A_279 : i32 to index
        %get3A_281 = arith.constant 0 : index
        %get3A_282 = tpu.vector_load %arg10[%get3A_280, %get3A_281] {strides = array<i32>} : memref<320x128xf32, #tpu.memory_space<vmem>>, vector<1x16xf32>,
        %get3A_283 = vector.shape_cast %get3A_282 : vector<1x16xf32> to vector<16xf32>
        %add3A_284 = arith.addf %add3A_277, %get3A_283 : vector<16xf32>
        %add3A_285 = arith.constant 8 : i32
        %add3A_286 = arith.addi %mul3A_225, %add3A_285 : i32
        %get3A_287 = arith.index_cast %add3A_286 : i32 to index
        %get3A_288 = arith.constant 0 : index
        %get3A_289 = tpu.vector_load %arg10[%get3A_287, %get3A_288] {strides = array<i32>} : memref<320x128xf32, #tpu.memory_space<vmem>>, vector<1x16xf32>,
        %get3A_290 = vector.shape_cast %get3A_289 : vector<1x16xf32> to vector<16xf32>
        %add3A_291 = arith.addf %add3A_284, %get3A_290 : vector<16xf32>
        %add3A_292 = arith.constant 9 : i32
        %add3A_293 = arith.addi %mul3A_225, %add3A_292 : i32
        %get3A_294 = arith.index_cast %add3A_293 : i32 to index
        %get3A_295 = arith.constant 0 : index
        %get3A_296 = tpu.vector_load %arg10[%get3A_294, %get3A_295] {strides = array<i32>} : memref<320x128xf32, #tpu.memory_space<vmem>>, vector<1x16xf32>,
        %get3A_297 = vector.shape_cast %get3A_296 : vector<1x16xf32> to vector<16xf32>
        %add3A_298 = arith.addf %add3A_291, %get3A_297 : vector<16xf32>
        %max3A = arith.constant 0.000000e+00 : f32
        %max3A_299 = vector.broadcast %max3A : f32 to vector<16xf32>
        %max3A_300 = arith.maximumf %add3A_298, %max3A_299 : vector<16xf32>
        %swap3A = arith.index_cast %scan3A_223 : i32 to index
        %swap3A_301 = arith.constant 0 : index
        %swap3A_302 = tpu.vector_load %arg12[%swap3A, %swap3A_301] {strides = array<i32>} : memref<32x128xf32, #tpu.memory_space<vmem>>, vector<1x16xf32>,
        %swap3A_303 = vector.shape_cast %swap3A_302 : vector<1x16xf32> to vector<16xf32>
        %swap3A_304 = vector.shape_cast %max3A_300 : vector<16xf32> to vector<1x16xf32>
        tpu.vector_store %arg12[%swap3A, %swap3A_301], %swap3A_304 {strides = array<i32>} : memref<32x128xf32, #tpu.memory_space<vmem>>, vector<1x16xf32>,
        %get3A_305 = arith.index_cast %scan3A_223 : i32 to index
        %get3A_306 = arith.constant 16 : index
        %get3A_307 = tpu.vector_load %arg8[%get3A_305, %get3A_306] {strides = array<i32>} : memref<32x128xf32, #tpu.memory_space<vmem>>, vector<1x16xf32>,
        %get3A_308 = vector.shape_cast %get3A_307 : vector<1x16xf32> to vector<16xf32>
        %add3A_309 = arith.constant 0 : i32
        %add3A_310 = arith.addi %mul3A_225, %add3A_309 : i32
        %get3A_311 = arith.index_cast %add3A_310 : i32 to index
        %get3A_312 = arith.constant 16 : index
        %get3A_313 = tpu.vector_load %arg10[%get3A_311, %get3A_312] {strides = array<i32>} : memref<320x128xf32, #tpu.memory_space<vmem>>, vector<1x16xf32>,
        %get3A_314 = vector.shape_cast %get3A_313 : vector<1x16xf32> to vector<16xf32>
        %add3A_315 = arith.addf %get3A_308, %get3A_314 : vector<16xf32>
        %add3A_316 = arith.constant 1 : i32
        %add3A_317 = arith.addi %mul3A_225, %add3A_316 : i32
        %get3A_318 = arith.index_cast %add3A_317 : i32 to index
        %get3A_319 = arith.constant 16 : index
        %get3A_320 = tpu.vector_load %arg10[%get3A_318, %get3A_319] {strides = array<i32>} : memref<320x128xf32, #tpu.memory_space<vmem>>, vector<1x16xf32>,
        %get3A_321 = vector.shape_cast %get3A_320 : vector<1x16xf32> to vector<16xf32>
        %add3A_322 = arith.addf %add3A_315, %get3A_321 : vector<16xf32>
        %add3A_323 = arith.constant 2 : i32
        %add3A_324 = arith.addi %mul3A_225, %add3A_323 : i32
        %get3A_325 = arith.index_cast %add3A_324 : i32 to index
        %get3A_326 = arith.constant 16 : index
        %get3A_327 = tpu.vector_load %arg10[%get3A_325, %get3A_326] {strides = array<i32>} : memref<320x128xf32, #tpu.memory_space<vmem>>, vector<1x16xf32>,
        %get3A_328 = vector.shape_cast %get3A_327 : vector<1x16xf32> to vector<16xf32>
        %add3A_329 = arith.addf %add3A_322, %get3A_328 : vector<16xf32>
        %add3A_330 = arith.constant 3 : i32
        %add3A_331 = arith.addi %mul3A_225, %add3A_330 : i32
        %get3A_332 = arith.index_cast %add3A_331 : i32 to index
        %get3A_333 = arith.constant 16 : index
        %get3A_334 = tpu.vector_load %arg10[%get3A_332, %get3A_333] {strides = array<i32>} : memref<320x128xf32, #tpu.memory_space<vmem>>, vector<1x16xf32>,
        %get3A_335 = vector.shape_cast %get3A_334 : vector<1x16xf32> to vector<16xf32>
        %add3A_336 = arith.addf %add3A_329, %get3A_335 : vector<16xf32>
        %add3A_337 = arith.constant 4 : i32
        %add3A_338 = arith.addi %mul3A_225, %add3A_337 : i32
        %get3A_339 = arith.index_cast %add3A_338 : i32 to index
        %get3A_340 = arith.constant 16 : index
        %get3A_341 = tpu.vector_load %arg10[%get3A_339, %get3A_340] {strides = array<i32>} : memref<320x128xf32, #tpu.memory_space<vmem>>, vector<1x16xf32>,
        %get3A_342 = vector.shape_cast %get3A_341 : vector<1x16xf32> to vector<16xf32>
        %add3A_343 = arith.addf %add3A_336, %get3A_342 : vector<16xf32>
        %add3A_344 = arith.constant 5 : i32
        %add3A_345 = arith.addi %mul3A_225, %add3A_344 : i32
        %get3A_346 = arith.index_cast %add3A_345 : i32 to index
        %get3A_347 = arith.constant 16 : index
        %get3A_348 = tpu.vector_load %arg10[%get3A_346, %get3A_347] {strides = array<i32>} : memref<320x128xf32, #tpu.memory_space<vmem>>, vector<1x16xf32>,
        %get3A_349 = vector.shape_cast %get3A_348 : vector<1x16xf32> to vector<16xf32>
        %add3A_350 = arith.addf %add3A_343, %get3A_349 : vector<16xf32>
        %add3A_351 = arith.constant 6 : i32
        %add3A_352 = arith.addi %mul3A_225, %add3A_351 : i32
        %get3A_353 = arith.index_cast %add3A_352 : i32 to index
        %get3A_354 = arith.constant 16 : index
        %get3A_355 = tpu.vector_load %arg10[%get3A_353, %get3A_354] {strides = array<i32>} : memref<320x128xf32, #tpu.memory_space<vmem>>, vector<1x16xf32>,
        %get3A_356 = vector.shape_cast %get3A_355 : vector<1x16xf32> to vector<16xf32>
        %add3A_357 = arith.addf %add3A_350, %get3A_356 : vector<16xf32>
        %add3A_358 = arith.constant 7 : i32
        %add3A_359 = arith.addi %mul3A_225, %add3A_358 : i32
        %get3A_360 = arith.index_cast %add3A_359 : i32 to index
        %get3A_361 = arith.constant 16 : index
        %get3A_362 = tpu.vector_load %arg10[%get3A_360, %get3A_361] {strides = array<i32>} : memref<320x128xf32, #tpu.memory_space<vmem>>, vector<1x16xf32>,
        %get3A_363 = vector.shape_cast %get3A_362 : vector<1x16xf32> to vector<16xf32>
        %add3A_364 = arith.addf %add3A_357, %get3A_363 : vector<16xf32>
        %add3A_365 = arith.constant 8 : i32
        %add3A_366 = arith.addi %mul3A_225, %add3A_365 : i32
        %get3A_367 = arith.index_cast %add3A_366 : i32 to index
        %get3A_368 = arith.constant 16 : index
        %get3A_369 = tpu.vector_load %arg10[%get3A_367, %get3A_368] {strides = array<i32>} : memref<320x128xf32, #tpu.memory_space<vmem>>, vector<1x16xf32>,
        %get3A_370 = vector.shape_cast %get3A_369 : vector<1x16xf32> to vector<16xf32>
        %add3A_371 = arith.addf %add3A_364, %get3A_370 : vector<16xf32>
        %add3A_372 = arith.constant 9 : i32
        %add3A_373 = arith.addi %mul3A_225, %add3A_372 : i32
        %get3A_374 = arith.index_cast %add3A_373 : i32 to index
        %get3A_375 = arith.constant 16 : index
        %get3A_376 = tpu.vector_load %arg10[%get3A_374, %get3A_375] {strides = array<i32>} : memref<320x128xf32, #tpu.memory_space<vmem>>, vector<1x16xf32>,
        %get3A_377 = vector.shape_cast %get3A_376 : vector<1x16xf32> to vector<16xf32>
        %add3A_378 = arith.addf %add3A_371, %get3A_377 : vector<16xf32>
        %max3A_379 = arith.constant 0.000000e+00 : f32
        %max3A_380 = vector.broadcast %max3A_379 : f32 to vector<16xf32>
        %max3A_381 = arith.maximumf %add3A_378, %max3A_380 : vector<16xf32>
        %swap3A_382 = arith.index_cast %scan3A_223 : i32 to index
        %swap3A_383 = arith.constant 16 : index
        %swap3A_384 = tpu.vector_load %arg12[%swap3A_382, %swap3A_383] {strides = array<i32>} : memref<32x128xf32, #tpu.memory_space<vmem>>, vector<1x16xf32>,
        %swap3A_385 = vector.shape_cast %swap3A_384 : vector<1x16xf32> to vector<16xf32>
        %swap3A_386 = vector.shape_cast %max3A_381 : vector<16xf32> to vector<1x16xf32>
        tpu.vector_store %arg12[%swap3A_382, %swap3A_383], %swap3A_386 {strides = array<i32>} : memref<32x128xf32, #tpu.memory_space<vmem>>, vector<1x16xf32>,
        %get3A_387 = arith.index_cast %scan3A_223 : i32 to index
        %get3A_388 = arith.constant 32 : index
        %get3A_389 = tpu.vector_load %arg8[%get3A_387, %get3A_388] {strides = array<i32>} : memref<32x128xf32, #tpu.memory_space<vmem>>, vector<1x16xf32>,
        %get3A_390 = vector.shape_cast %get3A_389 : vector<1x16xf32> to vector<16xf32>
        %add3A_391 = arith.constant 0 : i32
        %add3A_392 = arith.addi %mul3A_225, %add3A_391 : i32
        %get3A_393 = arith.index_cast %add3A_392 : i32 to index
        %get3A_394 = arith.constant 32 : index
        %get3A_395 = tpu.vector_load %arg10[%get3A_393, %get3A_394] {strides = array<i32>} : memref<320x128xf32, #tpu.memory_space<vmem>>, vector<1x16xf32>,
        %get3A_396 = vector.shape_cast %get3A_395 : vector<1x16xf32> to vector<16xf32>
        %add3A_397 = arith.addf %get3A_390, %get3A_396 : vector<16xf32>
        %add3A_398 = arith.constant 1 : i32
        %add3A_399 = arith.addi %mul3A_225, %add3A_398 : i32
        %get3A_400 = arith.index_cast %add3A_399 : i32 to index
        %get3A_401 = arith.constant 32 : index
        %get3A_402 = tpu.vector_load %arg10[%get3A_400, %get3A_401] {strides = array<i32>} : memref<320x128xf32, #tpu.memory_space<vmem>>, vector<1x16xf32>,
        %get3A_403 = vector.shape_cast %get3A_402 : vector<1x16xf32> to vector<16xf32>
        %add3A_404 = arith.addf %add3A_397, %get3A_403 : vector<16xf32>
        %add3A_405 = arith.constant 2 : i32
        %add3A_406 = arith.addi %mul3A_225, %add3A_405 : i32
        %get3A_407 = arith.index_cast %add3A_406 : i32 to index
        %get3A_408 = arith.constant 32 : index
        %get3A_409 = tpu.vector_load %arg10[%get3A_407, %get3A_408] {strides = array<i32>} : memref<320x128xf32, #tpu.memory_space<vmem>>, vector<1x16xf32>,
        %get3A_410 = vector.shape_cast %get3A_409 : vector<1x16xf32> to vector<16xf32>
        %add3A_411 = arith.addf %add3A_404, %get3A_410 : vector<16xf32>
        %add3A_412 = arith.constant 3 : i32
        %add3A_413 = arith.addi %mul3A_225, %add3A_412 : i32
        %get3A_414 = arith.index_cast %add3A_413 : i32 to index
        %get3A_415 = arith.constant 32 : index
        %get3A_416 = tpu.vector_load %arg10[%get3A_414, %get3A_415] {strides = array<i32>} : memref<320x128xf32, #tpu.memory_space<vmem>>, vector<1x16xf32>,
        %get3A_417 = vector.shape_cast %get3A_416 : vector<1x16xf32> to vector<16xf32>
        %add3A_418 = arith.addf %add3A_411, %get3A_417 : vector<16xf32>
        %add3A_419 = arith.constant 4 : i32
        %add3A_420 = arith.addi %mul3A_225, %add3A_419 : i32
        %get3A_421 = arith.index_cast %add3A_420 : i32 to index
        %get3A_422 = arith.constant 32 : index
        %get3A_423 = tpu.vector_load %arg10[%get3A_421, %get3A_422] {strides = array<i32>} : memref<320x128xf32, #tpu.memory_space<vmem>>, vector<1x16xf32>,
        %get3A_424 = vector.shape_cast %get3A_423 : vector<1x16xf32> to vector<16xf32>
        %add3A_425 = arith.addf %add3A_418, %get3A_424 : vector<16xf32>
        %add3A_426 = arith.constant 5 : i32
        %add3A_427 = arith.addi %mul3A_225, %add3A_426 : i32
        %get3A_428 = arith.index_cast %add3A_427 : i32 to index
        %get3A_429 = arith.constant 32 : index
        %get3A_430 = tpu.vector_load %arg10[%get3A_428, %get3A_429] {strides = array<i32>} : memref<320x128xf32, #tpu.memory_space<vmem>>, vector<1x16xf32>,
        %get3A_431 = vector.shape_cast %get3A_430 : vector<1x16xf32> to vector<16xf32>
        %add3A_432 = arith.addf %add3A_425, %get3A_431 : vector<16xf32>
        %add3A_433 = arith.constant 6 : i32
        %add3A_434 = arith.addi %mul3A_225, %add3A_433 : i32
        %get3A_435 = arith.index_cast %add3A_434 : i32 to index
        %get3A_436 = arith.constant 32 : index
        %get3A_437 = tpu.vector_load %arg10[%get3A_435, %get3A_436] {strides = array<i32>} : memref<320x128xf32, #tpu.memory_space<vmem>>, vector<1x16xf32>,
        %get3A_438 = vector.shape_cast %get3A_437 : vector<1x16xf32> to vector<16xf32>
        %add3A_439 = arith.addf %add3A_432, %get3A_438 : vector<16xf32>
        %add3A_440 = arith.constant 7 : i32
        %add3A_441 = arith.addi %mul3A_225, %add3A_440 : i32
        %get3A_442 = arith.index_cast %add3A_441 : i32 to index
        %get3A_443 = arith.constant 32 : index
        %get3A_444 = tpu.vector_load %arg10[%get3A_442, %get3A_443] {strides = array<i32>} : memref<320x128xf32, #tpu.memory_space<vmem>>, vector<1x16xf32>,
        %get3A_445 = vector.shape_cast %get3A_444 : vector<1x16xf32> to vector<16xf32>
        %add3A_446 = arith.addf %add3A_439, %get3A_445 : vector<16xf32>
        %add3A_447 = arith.constant 8 : i32
        %add3A_448 = arith.addi %mul3A_225, %add3A_447 : i32
        %get3A_449 = arith.index_cast %add3A_448 : i32 to index
        %get3A_450 = arith.constant 32 : index
        %get3A_451 = tpu.vector_load %arg10[%get3A_449, %get3A_450] {strides = array<i32>} : memref<320x128xf32, #tpu.memory_space<vmem>>, vector<1x16xf32>,
        %get3A_452 = vector.shape_cast %get3A_451 : vector<1x16xf32> to vector<16xf32>
        %add3A_453 = arith.addf %add3A_446, %get3A_452 : vector<16xf32>
        %add3A_454 = arith.constant 9 : i32
        %add3A_455 = arith.addi %mul3A_225, %add3A_454 : i32
        %get3A_456 = arith.index_cast %add3A_455 : i32 to index
        %get3A_457 = arith.constant 32 : index
        %get3A_458 = tpu.vector_load %arg10[%get3A_456, %get3A_457] {strides = array<i32>} : memref<320x128xf32, #tpu.memory_space<vmem>>, vector<1x16xf32>,
        %get3A_459 = vector.shape_cast %get3A_458 : vector<1x16xf32> to vector<16xf32>
        %add3A_460 = arith.addf %add3A_453, %get3A_459 : vector<16xf32>
        %max3A_461 = arith.constant 0.000000e+00 : f32
        %max3A_462 = vector.broadcast %max3A_461 : f32 to vector<16xf32>
        %max3A_463 = arith.maximumf %add3A_460, %max3A_462 : vector<16xf32>
        %swap3A_464 = arith.index_cast %scan3A_223 : i32 to index
        %swap3A_465 = arith.constant 32 : index
        %swap3A_466 = tpu.vector_load %arg12[%swap3A_464, %swap3A_465] {strides = array<i32>} : memref<32x128xf32, #tpu.memory_space<vmem>>, vector<1x16xf32>,
        %swap3A_467 = vector.shape_cast %swap3A_466 : vector<1x16xf32> to vector<16xf32>
        %swap3A_468 = vector.shape_cast %max3A_463 : vector<16xf32> to vector<1x16xf32>
        tpu.vector_store %arg12[%swap3A_464, %swap3A_465], %swap3A_468 {strides = array<i32>} : memref<32x128xf32, #tpu.memory_space<vmem>>, vector<1x16xf32>,
        %get3A_469 = arith.index_cast %scan3A_223 : i32 to index
        %get3A_470 = arith.constant 48 : index
        %get3A_471 = tpu.vector_load %arg8[%get3A_469, %get3A_470] {strides = array<i32>} : memref<32x128xf32, #tpu.memory_space<vmem>>, vector<1x16xf32>,
        %get3A_472 = vector.shape_cast %get3A_471 : vector<1x16xf32> to vector<16xf32>
        %add3A_473 = arith.constant 0 : i32
        %add3A_474 = arith.addi %mul3A_225, %add3A_473 : i32
        %get3A_475 = arith.index_cast %add3A_474 : i32 to index
        %get3A_476 = arith.constant 48 : index
        %get3A_477 = tpu.vector_load %arg10[%get3A_475, %get3A_476] {strides = array<i32>} : memref<320x128xf32, #tpu.memory_space<vmem>>, vector<1x16xf32>,
        %get3A_478 = vector.shape_cast %get3A_477 : vector<1x16xf32> to vector<16xf32>
        %add3A_479 = arith.addf %get3A_472, %get3A_478 : vector<16xf32>
        %add3A_480 = arith.constant 1 : i32
        %add3A_481 = arith.addi %mul3A_225, %add3A_480 : i32
        %get3A_482 = arith.index_cast %add3A_481 : i32 to index
        %get3A_483 = arith.constant 48 : index
        %get3A_484 = tpu.vector_load %arg10[%get3A_482, %get3A_483] {strides = array<i32>} : memref<320x128xf32, #tpu.memory_space<vmem>>, vector<1x16xf32>,
        %get3A_485 = vector.shape_cast %get3A_484 : vector<1x16xf32> to vector<16xf32>
        %add3A_486 = arith.addf %add3A_479, %get3A_485 : vector<16xf32>
        %add3A_487 = arith.constant 2 : i32
        %add3A_488 = arith.addi %mul3A_225, %add3A_487 : i32
        %get3A_489 = arith.index_cast %add3A_488 : i32 to index
        %get3A_490 = arith.constant 48 : index
        %get3A_491 = tpu.vector_load %arg10[%get3A_489, %get3A_490] {strides = array<i32>} : memref<320x128xf32, #tpu.memory_space<vmem>>, vector<1x16xf32>,
        %get3A_492 = vector.shape_cast %get3A_491 : vector<1x16xf32> to vector<16xf32>
        %add3A_493 = arith.addf %add3A_486, %get3A_492 : vector<16xf32>
        %add3A_494 = arith.constant 3 : i32
        %add3A_495 = arith.addi %mul3A_225, %add3A_494 : i32
        %get3A_496 = arith.index_cast %add3A_495 : i32 to index
        %get3A_497 = arith.constant 48 : index
        %get3A_498 = tpu.vector_load %arg10[%get3A_496, %get3A_497] {strides = array<i32>} : memref<320x128xf32, #tpu.memory_space<vmem>>, vector<1x16xf32>,
        %get3A_499 = vector.shape_cast %get3A_498 : vector<1x16xf32> to vector<16xf32>
        %add3A_500 = arith.addf %add3A_493, %get3A_499 : vector<16xf32>
        %add3A_501 = arith.constant 4 : i32
        %add3A_502 = arith.addi %mul3A_225, %add3A_501 : i32
        %get3A_503 = arith.index_cast %add3A_502 : i32 to index
        %get3A_504 = arith.constant 48 : index
        %get3A_505 = tpu.vector_load %arg10[%get3A_503, %get3A_504] {strides = array<i32>} : memref<320x128xf32, #tpu.memory_space<vmem>>, vector<1x16xf32>,
        %get3A_506 = vector.shape_cast %get3A_505 : vector<1x16xf32> to vector<16xf32>
        %add3A_507 = arith.addf %add3A_500, %get3A_506 : vector<16xf32>
        %add3A_508 = arith.constant 5 : i32
        %add3A_509 = arith.addi %mul3A_225, %add3A_508 : i32
        %get3A_510 = arith.index_cast %add3A_509 : i32 to index
        %get3A_511 = arith.constant 48 : index
        %get3A_512 = tpu.vector_load %arg10[%get3A_510, %get3A_511] {strides = array<i32>} : memref<320x128xf32, #tpu.memory_space<vmem>>, vector<1x16xf32>,
        %get3A_513 = vector.shape_cast %get3A_512 : vector<1x16xf32> to vector<16xf32>
        %add3A_514 = arith.addf %add3A_507, %get3A_513 : vector<16xf32>
        %add3A_515 = arith.constant 6 : i32
        %add3A_516 = arith.addi %mul3A_225, %add3A_515 : i32
        %get3A_517 = arith.index_cast %add3A_516 : i32 to index
        %get3A_518 = arith.constant 48 : index
        %get3A_519 = tpu.vector_load %arg10[%get3A_517, %get3A_518] {strides = array<i32>} : memref<320x128xf32, #tpu.memory_space<vmem>>, vector<1x16xf32>,
        %get3A_520 = vector.shape_cast %get3A_519 : vector<1x16xf32> to vector<16xf32>
        %add3A_521 = arith.addf %add3A_514, %get3A_520 : vector<16xf32>
        %add3A_522 = arith.constant 7 : i32
        %add3A_523 = arith.addi %mul3A_225, %add3A_522 : i32
        %get3A_524 = arith.index_cast %add3A_523 : i32 to index
        %get3A_525 = arith.constant 48 : index
        %get3A_526 = tpu.vector_load %arg10[%get3A_524, %get3A_525] {strides = array<i32>} : memref<320x128xf32, #tpu.memory_space<vmem>>, vector<1x16xf32>,
        %get3A_527 = vector.shape_cast %get3A_526 : vector<1x16xf32> to vector<16xf32>
        %add3A_528 = arith.addf %add3A_521, %get3A_527 : vector<16xf32>
        %add3A_529 = arith.constant 8 : i32
        %add3A_530 = arith.addi %mul3A_225, %add3A_529 : i32
        %get3A_531 = arith.index_cast %add3A_530 : i32 to index
        %get3A_532 = arith.constant 48 : index
        %get3A_533 = tpu.vector_load %arg10[%get3A_531, %get3A_532] {strides = array<i32>} : memref<320x128xf32, #tpu.memory_space<vmem>>, vector<1x16xf32>,
        %get3A_534 = vector.shape_cast %get3A_533 : vector<1x16xf32> to vector<16xf32>
        %add3A_535 = arith.addf %add3A_528, %get3A_534 : vector<16xf32>
        %add3A_536 = arith.constant 9 : i32
        %add3A_537 = arith.addi %mul3A_225, %add3A_536 : i32
        %get3A_538 = arith.index_cast %add3A_537 : i32 to index
        %get3A_539 = arith.constant 48 : index
        %get3A_540 = tpu.vector_load %arg10[%get3A_538, %get3A_539] {strides = array<i32>} : memref<320x128xf32, #tpu.memory_space<vmem>>, vector<1x16xf32>,
        %get3A_541 = vector.shape_cast %get3A_540 : vector<1x16xf32> to vector<16xf32>
        %add3A_542 = arith.addf %add3A_535, %get3A_541 : vector<16xf32>
        %max3A_543 = arith.constant 0.000000e+00 : f32
        %max3A_544 = vector.broadcast %max3A_543 : f32 to vector<16xf32>
        %max3A_545 = arith.maximumf %add3A_542, %max3A_544 : vector<16xf32>
        %swap3A_546 = arith.index_cast %scan3A_223 : i32 to index
        %swap3A_547 = arith.constant 48 : index
        %swap3A_548 = tpu.vector_load %arg12[%swap3A_546, %swap3A_547] {strides = array<i32>} : memref<32x128xf32, #tpu.memory_space<vmem>>, vector<1x16xf32>,
        %swap3A_549 = vector.shape_cast %swap3A_548 : vector<1x16xf32> to vector<16xf32>
        %swap3A_550 = vector.shape_cast %max3A_545 : vector<16xf32> to vector<1x16xf32>
        tpu.vector_store %arg12[%swap3A_546, %swap3A_547], %swap3A_550 {strides = array<i32>} : memref<32x128xf32, #tpu.memory_space<vmem>>, vector<1x16xf32>,
        %get3A_551 = arith.index_cast %scan3A_223 : i32 to index
        %get3A_552 = arith.constant 64 : index
        %get3A_553 = tpu.vector_load %arg8[%get3A_551, %get3A_552] {strides = array<i32>} : memref<32x128xf32, #tpu.memory_space<vmem>>, vector<1x16xf32>,
        %get3A_554 = vector.shape_cast %get3A_553 : vector<1x16xf32> to vector<16xf32>
        %add3A_555 = arith.constant 0 : i32
        %add3A_556 = arith.addi %mul3A_225, %add3A_555 : i32
        %get3A_557 = arith.index_cast %add3A_556 : i32 to index
        %get3A_558 = arith.constant 64 : index
        %get3A_559 = tpu.vector_load %arg10[%get3A_557, %get3A_558] {strides = array<i32>} : memref<320x128xf32, #tpu.memory_space<vmem>>, vector<1x16xf32>,
        %get3A_560 = vector.shape_cast %get3A_559 : vector<1x16xf32> to vector<16xf32>
        %add3A_561 = arith.addf %get3A_554, %get3A_560 : vector<16xf32>
        %add3A_562 = arith.constant 1 : i32
        %add3A_563 = arith.addi %mul3A_225, %add3A_562 : i32
        %get3A_564 = arith.index_cast %add3A_563 : i32 to index
        %get3A_565 = arith.constant 64 : index
        %get3A_566 = tpu.vector_load %arg10[%get3A_564, %get3A_565] {strides = array<i32>} : memref<320x128xf32, #tpu.memory_space<vmem>>, vector<1x16xf32>,
        %get3A_567 = vector.shape_cast %get3A_566 : vector<1x16xf32> to vector<16xf32>
        %add3A_568 = arith.addf %add3A_561, %get3A_567 : vector<16xf32>
        %add3A_569 = arith.constant 2 : i32
        %add3A_570 = arith.addi %mul3A_225, %add3A_569 : i32
        %get3A_571 = arith.index_cast %add3A_570 : i32 to index
        %get3A_572 = arith.constant 64 : index
        %get3A_573 = tpu.vector_load %arg10[%get3A_571, %get3A_572] {strides = array<i32>} : memref<320x128xf32, #tpu.memory_space<vmem>>, vector<1x16xf32>,
        %get3A_574 = vector.shape_cast %get3A_573 : vector<1x16xf32> to vector<16xf32>
        %add3A_575 = arith.addf %add3A_568, %get3A_574 : vector<16xf32>
        %add3A_576 = arith.constant 3 : i32
        %add3A_577 = arith.addi %mul3A_225, %add3A_576 : i32
        %get3A_578 = arith.index_cast %add3A_577 : i32 to index
        %get3A_579 = arith.constant 64 : index
        %get3A_580 = tpu.vector_load %arg10[%get3A_578, %get3A_579] {strides = array<i32>} : memref<320x128xf32, #tpu.memory_space<vmem>>, vector<1x16xf32>,
        %get3A_581 = vector.shape_cast %get3A_580 : vector<1x16xf32> to vector<16xf32>
        %add3A_582 = arith.addf %add3A_575, %get3A_581 : vector<16xf32>
        %add3A_583 = arith.constant 4 : i32
        %add3A_584 = arith.addi %mul3A_225, %add3A_583 : i32
        %get3A_585 = arith.index_cast %add3A_584 : i32 to index
        %get3A_586 = arith.constant 64 : index
        %get3A_587 = tpu.vector_load %arg10[%get3A_585, %get3A_586] {strides = array<i32>} : memref<320x128xf32, #tpu.memory_space<vmem>>, vector<1x16xf32>,
        %get3A_588 = vector.shape_cast %get3A_587 : vector<1x16xf32> to vector<16xf32>
        %add3A_589 = arith.addf %add3A_582, %get3A_588 : vector<16xf32>
        %add3A_590 = arith.constant 5 : i32
        %add3A_591 = arith.addi %mul3A_225, %add3A_590 : i32
        %get3A_592 = arith.index_cast %add3A_591 : i32 to index
        %get3A_593 = arith.constant 64 : index
        %get3A_594 = tpu.vector_load %arg10[%get3A_592, %get3A_593] {strides = array<i32>} : memref<320x128xf32, #tpu.memory_space<vmem>>, vector<1x16xf32>,
        %get3A_595 = vector.shape_cast %get3A_594 : vector<1x16xf32> to vector<16xf32>
        %add3A_596 = arith.addf %add3A_589, %get3A_595 : vector<16xf32>
        %add3A_597 = arith.constant 6 : i32
        %add3A_598 = arith.addi %mul3A_225, %add3A_597 : i32
        %get3A_599 = arith.index_cast %add3A_598 : i32 to index
        %get3A_600 = arith.constant 64 : index
        %get3A_601 = tpu.vector_load %arg10[%get3A_599, %get3A_600] {strides = array<i32>} : memref<320x128xf32, #tpu.memory_space<vmem>>, vector<1x16xf32>,
        %get3A_602 = vector.shape_cast %get3A_601 : vector<1x16xf32> to vector<16xf32>
        %add3A_603 = arith.addf %add3A_596, %get3A_602 : vector<16xf32>
        %add3A_604 = arith.constant 7 : i32
        %add3A_605 = arith.addi %mul3A_225, %add3A_604 : i32
        %get3A_606 = arith.index_cast %add3A_605 : i32 to index
        %get3A_607 = arith.constant 64 : index
        %get3A_608 = tpu.vector_load %arg10[%get3A_606, %get3A_607] {strides = array<i32>} : memref<320x128xf32, #tpu.memory_space<vmem>>, vector<1x16xf32>,
        %get3A_609 = vector.shape_cast %get3A_608 : vector<1x16xf32> to vector<16xf32>
        %add3A_610 = arith.addf %add3A_603, %get3A_609 : vector<16xf32>
        %add3A_611 = arith.constant 8 : i32
        %add3A_612 = arith.addi %mul3A_225, %add3A_611 : i32
        %get3A_613 = arith.index_cast %add3A_612 : i32 to index
        %get3A_614 = arith.constant 64 : index
        %get3A_615 = tpu.vector_load %arg10[%get3A_613, %get3A_614] {strides = array<i32>} : memref<320x128xf32, #tpu.memory_space<vmem>>, vector<1x16xf32>,
        %get3A_616 = vector.shape_cast %get3A_615 : vector<1x16xf32> to vector<16xf32>
        %add3A_617 = arith.addf %add3A_610, %get3A_616 : vector<16xf32>
        %add3A_618 = arith.constant 9 : i32
        %add3A_619 = arith.addi %mul3A_225, %add3A_618 : i32
        %get3A_620 = arith.index_cast %add3A_619 : i32 to index
        %get3A_621 = arith.constant 64 : index
        %get3A_622 = tpu.vector_load %arg10[%get3A_620, %get3A_621] {strides = array<i32>} : memref<320x128xf32, #tpu.memory_space<vmem>>, vector<1x16xf32>,
        %get3A_623 = vector.shape_cast %get3A_622 : vector<1x16xf32> to vector<16xf32>
        %add3A_624 = arith.addf %add3A_617, %get3A_623 : vector<16xf32>
        %max3A_625 = arith.constant 0.000000e+00 : f32
        %max3A_626 = vector.broadcast %max3A_625 : f32 to vector<16xf32>
        %max3A_627 = arith.maximumf %add3A_624, %max3A_626 : vector<16xf32>
        %swap3A_628 = arith.index_cast %scan3A_223 : i32 to index
        %swap3A_629 = arith.constant 64 : index
        %swap3A_630 = tpu.vector_load %arg12[%swap3A_628, %swap3A_629] {strides = array<i32>} : memref<32x128xf32, #tpu.memory_space<vmem>>, vector<1x16xf32>,
        %swap3A_631 = vector.shape_cast %swap3A_630 : vector<1x16xf32> to vector<16xf32>
        %swap3A_632 = vector.shape_cast %max3A_627 : vector<16xf32> to vector<1x16xf32>
        tpu.vector_store %arg12[%swap3A_628, %swap3A_629], %swap3A_632 {strides = array<i32>} : memref<32x128xf32, #tpu.memory_space<vmem>>, vector<1x16xf32>,
        %get3A_633 = arith.index_cast %scan3A_223 : i32 to index
        %get3A_634 = arith.constant 80 : index
        %get3A_635 = tpu.vector_load %arg8[%get3A_633, %get3A_634] {strides = array<i32>} : memref<32x128xf32, #tpu.memory_space<vmem>>, vector<1x16xf32>,
        %get3A_636 = vector.shape_cast %get3A_635 : vector<1x16xf32> to vector<16xf32>
        %add3A_637 = arith.constant 0 : i32
        %add3A_638 = arith.addi %mul3A_225, %add3A_637 : i32
        %get3A_639 = arith.index_cast %add3A_638 : i32 to index
        %get3A_640 = arith.constant 80 : index
        %get3A_641 = tpu.vector_load %arg10[%get3A_639, %get3A_640] {strides = array<i32>} : memref<320x128xf32, #tpu.memory_space<vmem>>, vector<1x16xf32>,
        %get3A_642 = vector.shape_cast %get3A_641 : vector<1x16xf32> to vector<16xf32>
        %add3A_643 = arith.addf %get3A_636, %get3A_642 : vector<16xf32>
        %add3A_644 = arith.constant 1 : i32
        %add3A_645 = arith.addi %mul3A_225, %add3A_644 : i32
        %get3A_646 = arith.index_cast %add3A_645 : i32 to index
        %get3A_647 = arith.constant 80 : index
        %get3A_648 = tpu.vector_load %arg10[%get3A_646, %get3A_647] {strides = array<i32>} : memref<320x128xf32, #tpu.memory_space<vmem>>, vector<1x16xf32>,
        %get3A_649 = vector.shape_cast %get3A_648 : vector<1x16xf32> to vector<16xf32>
        %add3A_650 = arith.addf %add3A_643, %get3A_649 : vector<16xf32>
        %add3A_651 = arith.constant 2 : i32
        %add3A_652 = arith.addi %mul3A_225, %add3A_651 : i32
        %get3A_653 = arith.index_cast %add3A_652 : i32 to index
        %get3A_654 = arith.constant 80 : index
        %get3A_655 = tpu.vector_load %arg10[%get3A_653, %get3A_654] {strides = array<i32>} : memref<320x128xf32, #tpu.memory_space<vmem>>, vector<1x16xf32>,
        %get3A_656 = vector.shape_cast %get3A_655 : vector<1x16xf32> to vector<16xf32>
        %add3A_657 = arith.addf %add3A_650, %get3A_656 : vector<16xf32>
        %add3A_658 = arith.constant 3 : i32
        %add3A_659 = arith.addi %mul3A_225, %add3A_658 : i32
        %get3A_660 = arith.index_cast %add3A_659 : i32 to index
        %get3A_661 = arith.constant 80 : index
        %get3A_662 = tpu.vector_load %arg10[%get3A_660, %get3A_661] {strides = array<i32>} : memref<320x128xf32, #tpu.memory_space<vmem>>, vector<1x16xf32>,
        %get3A_663 = vector.shape_cast %get3A_662 : vector<1x16xf32> to vector<16xf32>
        %add3A_664 = arith.addf %add3A_657, %get3A_663 : vector<16xf32>
        %add3A_665 = arith.constant 4 : i32
        %add3A_666 = arith.addi %mul3A_225, %add3A_665 : i32
        %get3A_667 = arith.index_cast %add3A_666 : i32 to index
        %get3A_668 = arith.constant 80 : index
        %get3A_669 = tpu.vector_load %arg10[%get3A_667, %get3A_668] {strides = array<i32>} : memref<320x128xf32, #tpu.memory_space<vmem>>, vector<1x16xf32>,
        %get3A_670 = vector.shape_cast %get3A_669 : vector<1x16xf32> to vector<16xf32>
        %add3A_671 = arith.addf %add3A_664, %get3A_670 : vector<16xf32>
        %add3A_672 = arith.constant 5 : i32
        %add3A_673 = arith.addi %mul3A_225, %add3A_672 : i32
        %get3A_674 = arith.index_cast %add3A_673 : i32 to index
        %get3A_675 = arith.constant 80 : index
        %get3A_676 = tpu.vector_load %arg10[%get3A_674, %get3A_675] {strides = array<i32>} : memref<320x128xf32, #tpu.memory_space<vmem>>, vector<1x16xf32>,
        %get3A_677 = vector.shape_cast %get3A_676 : vector<1x16xf32> to vector<16xf32>
        %add3A_678 = arith.addf %add3A_671, %get3A_677 : vector<16xf32>
        %add3A_679 = arith.constant 6 : i32
        %add3A_680 = arith.addi %mul3A_225, %add3A_679 : i32
        %get3A_681 = arith.index_cast %add3A_680 : i32 to index
        %get3A_682 = arith.constant 80 : index
        %get3A_683 = tpu.vector_load %arg10[%get3A_681, %get3A_682] {strides = array<i32>} : memref<320x128xf32, #tpu.memory_space<vmem>>, vector<1x16xf32>,
        %get3A_684 = vector.shape_cast %get3A_683 : vector<1x16xf32> to vector<16xf32>
        %add3A_685 = arith.addf %add3A_678, %get3A_684 : vector<16xf32>
        %add3A_686 = arith.constant 7 : i32
        %add3A_687 = arith.addi %mul3A_225, %add3A_686 : i32
        %get3A_688 = arith.index_cast %add3A_687 : i32 to index
        %get3A_689 = arith.constant 80 : index
        %get3A_690 = tpu.vector_load %arg10[%get3A_688, %get3A_689] {strides = array<i32>} : memref<320x128xf32, #tpu.memory_space<vmem>>, vector<1x16xf32>,
        %get3A_691 = vector.shape_cast %get3A_690 : vector<1x16xf32> to vector<16xf32>
        %add3A_692 = arith.addf %add3A_685, %get3A_691 : vector<16xf32>
        %add3A_693 = arith.constant 8 : i32
        %add3A_694 = arith.addi %mul3A_225, %add3A_693 : i32
        %get3A_695 = arith.index_cast %add3A_694 : i32 to index
        %get3A_696 = arith.constant 80 : index
        %get3A_697 = tpu.vector_load %arg10[%get3A_695, %get3A_696] {strides = array<i32>} : memref<320x128xf32, #tpu.memory_space<vmem>>, vector<1x16xf32>,
        %get3A_698 = vector.shape_cast %get3A_697 : vector<1x16xf32> to vector<16xf32>
        %add3A_699 = arith.addf %add3A_692, %get3A_698 : vector<16xf32>
        %add3A_700 = arith.constant 9 : i32
        %add3A_701 = arith.addi %mul3A_225, %add3A_700 : i32
        %get3A_702 = arith.index_cast %add3A_701 : i32 to index
        %get3A_703 = arith.constant 80 : index
        %get3A_704 = tpu.vector_load %arg10[%get3A_702, %get3A_703] {strides = array<i32>} : memref<320x128xf32, #tpu.memory_space<vmem>>, vector<1x16xf32>,
        %get3A_705 = vector.shape_cast %get3A_704 : vector<1x16xf32> to vector<16xf32>
        %add3A_706 = arith.addf %add3A_699, %get3A_705 : vector<16xf32>
        %max3A_707 = arith.constant 0.000000e+00 : f32
        %max3A_708 = vector.broadcast %max3A_707 : f32 to vector<16xf32>
        %max3A_709 = arith.maximumf %add3A_706, %max3A_708 : vector<16xf32>
        %swap3A_710 = arith.index_cast %scan3A_223 : i32 to index
        %swap3A_711 = arith.constant 80 : index
        %swap3A_712 = tpu.vector_load %arg12[%swap3A_710, %swap3A_711] {strides = array<i32>} : memref<32x128xf32, #tpu.memory_space<vmem>>, vector<1x16xf32>,
        %swap3A_713 = vector.shape_cast %swap3A_712 : vector<1x16xf32> to vector<16xf32>
        %swap3A_714 = vector.shape_cast %max3A_709 : vector<16xf32> to vector<1x16xf32>
        tpu.vector_store %arg12[%swap3A_710, %swap3A_711], %swap3A_714 {strides = array<i32>} : memref<32x128xf32, #tpu.memory_space<vmem>>, vector<1x16xf32>,
        %get3A_715 = arith.index_cast %scan3A_223 : i32 to index
        %get3A_716 = arith.constant 96 : index
        %get3A_717 = tpu.vector_load %arg8[%get3A_715, %get3A_716] {strides = array<i32>} : memref<32x128xf32, #tpu.memory_space<vmem>>, vector<1x16xf32>,
        %get3A_718 = vector.shape_cast %get3A_717 : vector<1x16xf32> to vector<16xf32>
        %add3A_719 = arith.constant 0 : i32
        %add3A_720 = arith.addi %mul3A_225, %add3A_719 : i32
        %get3A_721 = arith.index_cast %add3A_720 : i32 to index
        %get3A_722 = arith.constant 96 : index
        %get3A_723 = tpu.vector_load %arg10[%get3A_721, %get3A_722] {strides = array<i32>} : memref<320x128xf32, #tpu.memory_space<vmem>>, vector<1x16xf32>,
        %get3A_724 = vector.shape_cast %get3A_723 : vector<1x16xf32> to vector<16xf32>
        %add3A_725 = arith.addf %get3A_718, %get3A_724 : vector<16xf32>
        %add3A_726 = arith.constant 1 : i32
        %add3A_727 = arith.addi %mul3A_225, %add3A_726 : i32
        %get3A_728 = arith.index_cast %add3A_727 : i32 to index
        %get3A_729 = arith.constant 96 : index
        %get3A_730 = tpu.vector_load %arg10[%get3A_728, %get3A_729] {strides = array<i32>} : memref<320x128xf32, #tpu.memory_space<vmem>>, vector<1x16xf32>,
        %get3A_731 = vector.shape_cast %get3A_730 : vector<1x16xf32> to vector<16xf32>
        %add3A_732 = arith.addf %add3A_725, %get3A_731 : vector<16xf32>
        %add3A_733 = arith.constant 2 : i32
        %add3A_734 = arith.addi %mul3A_225, %add3A_733 : i32
        %get3A_735 = arith.index_cast %add3A_734 : i32 to index
        %get3A_736 = arith.constant 96 : index
        %get3A_737 = tpu.vector_load %arg10[%get3A_735, %get3A_736] {strides = array<i32>} : memref<320x128xf32, #tpu.memory_space<vmem>>, vector<1x16xf32>,
        %get3A_738 = vector.shape_cast %get3A_737 : vector<1x16xf32> to vector<16xf32>
        %add3A_739 = arith.addf %add3A_732, %get3A_738 : vector<16xf32>
        %add3A_740 = arith.constant 3 : i32
        %add3A_741 = arith.addi %mul3A_225, %add3A_740 : i32
        %get3A_742 = arith.index_cast %add3A_741 : i32 to index
        %get3A_743 = arith.constant 96 : index
        %get3A_744 = tpu.vector_load %arg10[%get3A_742, %get3A_743] {strides = array<i32>} : memref<320x128xf32, #tpu.memory_space<vmem>>, vector<1x16xf32>,
        %get3A_745 = vector.shape_cast %get3A_744 : vector<1x16xf32> to vector<16xf32>
        %add3A_746 = arith.addf %add3A_739, %get3A_745 : vector<16xf32>
        %add3A_747 = arith.constant 4 : i32
        %add3A_748 = arith.addi %mul3A_225, %add3A_747 : i32
        %get3A_749 = arith.index_cast %add3A_748 : i32 to index
        %get3A_750 = arith.constant 96 : index
        %get3A_751 = tpu.vector_load %arg10[%get3A_749, %get3A_750] {strides = array<i32>} : memref<320x128xf32, #tpu.memory_space<vmem>>, vector<1x16xf32>,
        %get3A_752 = vector.shape_cast %get3A_751 : vector<1x16xf32> to vector<16xf32>
        %add3A_753 = arith.addf %add3A_746, %get3A_752 : vector<16xf32>
        %add3A_754 = arith.constant 5 : i32
        %add3A_755 = arith.addi %mul3A_225, %add3A_754 : i32
        %get3A_756 = arith.index_cast %add3A_755 : i32 to index
        %get3A_757 = arith.constant 96 : index
        %get3A_758 = tpu.vector_load %arg10[%get3A_756, %get3A_757] {strides = array<i32>} : memref<320x128xf32, #tpu.memory_space<vmem>>, vector<1x16xf32>,
        %get3A_759 = vector.shape_cast %get3A_758 : vector<1x16xf32> to vector<16xf32>
        %add3A_760 = arith.addf %add3A_753, %get3A_759 : vector<16xf32>
        %add3A_761 = arith.constant 6 : i32
        %add3A_762 = arith.addi %mul3A_225, %add3A_761 : i32
        %get3A_763 = arith.index_cast %add3A_762 : i32 to index
        %get3A_764 = arith.constant 96 : index
        %get3A_765 = tpu.vector_load %arg10[%get3A_763, %get3A_764] {strides = array<i32>} : memref<320x128xf32, #tpu.memory_space<vmem>>, vector<1x16xf32>,
        %get3A_766 = vector.shape_cast %get3A_765 : vector<1x16xf32> to vector<16xf32>
        %add3A_767 = arith.addf %add3A_760, %get3A_766 : vector<16xf32>
        %add3A_768 = arith.constant 7 : i32
        %add3A_769 = arith.addi %mul3A_225, %add3A_768 : i32
        %get3A_770 = arith.index_cast %add3A_769 : i32 to index
        %get3A_771 = arith.constant 96 : index
        %get3A_772 = tpu.vector_load %arg10[%get3A_770, %get3A_771] {strides = array<i32>} : memref<320x128xf32, #tpu.memory_space<vmem>>, vector<1x16xf32>,
        %get3A_773 = vector.shape_cast %get3A_772 : vector<1x16xf32> to vector<16xf32>
        %add3A_774 = arith.addf %add3A_767, %get3A_773 : vector<16xf32>
        %add3A_775 = arith.constant 8 : i32
        %add3A_776 = arith.addi %mul3A_225, %add3A_775 : i32
        %get3A_777 = arith.index_cast %add3A_776 : i32 to index
        %get3A_778 = arith.constant 96 : index
        %get3A_779 = tpu.vector_load %arg10[%get3A_777, %get3A_778] {strides = array<i32>} : memref<320x128xf32, #tpu.memory_space<vmem>>, vector<1x16xf32>,
        %get3A_780 = vector.shape_cast %get3A_779 : vector<1x16xf32> to vector<16xf32>
        %add3A_781 = arith.addf %add3A_774, %get3A_780 : vector<16xf32>
        %add3A_782 = arith.constant 9 : i32
        %add3A_783 = arith.addi %mul3A_225, %add3A_782 : i32
        %get3A_784 = arith.index_cast %add3A_783 : i32 to index
        %get3A_785 = arith.constant 96 : index
        %get3A_786 = tpu.vector_load %arg10[%get3A_784, %get3A_785] {strides = array<i32>} : memref<320x128xf32, #tpu.memory_space<vmem>>, vector<1x16xf32>,
        %get3A_787 = vector.shape_cast %get3A_786 : vector<1x16xf32> to vector<16xf32>
        %add3A_788 = arith.addf %add3A_781, %get3A_787 : vector<16xf32>
        %max3A_789 = arith.constant 0.000000e+00 : f32
        %max3A_790 = vector.broadcast %max3A_789 : f32 to vector<16xf32>
        %max3A_791 = arith.maximumf %add3A_788, %max3A_790 : vector<16xf32>
        %swap3A_792 = arith.index_cast %scan3A_223 : i32 to index
        %swap3A_793 = arith.constant 96 : index
        %swap3A_794 = tpu.vector_load %arg12[%swap3A_792, %swap3A_793] {strides = array<i32>} : memref<32x128xf32, #tpu.memory_space<vmem>>, vector<1x16xf32>,
        %swap3A_795 = vector.shape_cast %swap3A_794 : vector<1x16xf32> to vector<16xf32>
        %swap3A_796 = vector.shape_cast %max3A_791 : vector<16xf32> to vector<1x16xf32>
        tpu.vector_store %arg12[%swap3A_792, %swap3A_793], %swap3A_796 {strides = array<i32>} : memref<32x128xf32, #tpu.memory_space<vmem>>, vector<1x16xf32>,
        %get3A_797 = arith.index_cast %scan3A_223 : i32 to index
        %get3A_798 = arith.constant 112 : index
        %get3A_799 = tpu.vector_load %arg8[%get3A_797, %get3A_798] {strides = array<i32>} : memref<32x128xf32, #tpu.memory_space<vmem>>, vector<1x16xf32>,
        %get3A_800 = vector.shape_cast %get3A_799 : vector<1x16xf32> to vector<16xf32>
        %add3A_801 = arith.constant 0 : i32
        %add3A_802 = arith.addi %mul3A_225, %add3A_801 : i32
        %get3A_803 = arith.index_cast %add3A_802 : i32 to index
        %get3A_804 = arith.constant 112 : index
        %get3A_805 = tpu.vector_load %arg10[%get3A_803, %get3A_804] {strides = array<i32>} : memref<320x128xf32, #tpu.memory_space<vmem>>, vector<1x16xf32>,
        %get3A_806 = vector.shape_cast %get3A_805 : vector<1x16xf32> to vector<16xf32>
        %add3A_807 = arith.addf %get3A_800, %get3A_806 : vector<16xf32>
        %add3A_808 = arith.constant 1 : i32
        %add3A_809 = arith.addi %mul3A_225, %add3A_808 : i32
        %get3A_810 = arith.index_cast %add3A_809 : i32 to index
        %get3A_811 = arith.constant 112 : index
        %get3A_812 = tpu.vector_load %arg10[%get3A_810, %get3A_811] {strides = array<i32>} : memref<320x128xf32, #tpu.memory_space<vmem>>, vector<1x16xf32>,
        %get3A_813 = vector.shape_cast %get3A_812 : vector<1x16xf32> to vector<16xf32>
        %add3A_814 = arith.addf %add3A_807, %get3A_813 : vector<16xf32>
        %add3A_815 = arith.constant 2 : i32
        %add3A_816 = arith.addi %mul3A_225, %add3A_815 : i32
        %get3A_817 = arith.index_cast %add3A_816 : i32 to index
        %get3A_818 = arith.constant 112 : index
        %get3A_819 = tpu.vector_load %arg10[%get3A_817, %get3A_818] {strides = array<i32>} : memref<320x128xf32, #tpu.memory_space<vmem>>, vector<1x16xf32>,
        %get3A_820 = vector.shape_cast %get3A_819 : vector<1x16xf32> to vector<16xf32>
        %add3A_821 = arith.addf %add3A_814, %get3A_820 : vector<16xf32>
        %add3A_822 = arith.constant 3 : i32
        %add3A_823 = arith.addi %mul3A_225, %add3A_822 : i32
        %get3A_824 = arith.index_cast %add3A_823 : i32 to index
        %get3A_825 = arith.constant 112 : index
        %get3A_826 = tpu.vector_load %arg10[%get3A_824, %get3A_825] {strides = array<i32>} : memref<320x128xf32, #tpu.memory_space<vmem>>, vector<1x16xf32>,
        %get3A_827 = vector.shape_cast %get3A_826 : vector<1x16xf32> to vector<16xf32>
        %add3A_828 = arith.addf %add3A_821, %get3A_827 : vector<16xf32>
        %add3A_829 = arith.constant 4 : i32
        %add3A_830 = arith.addi %mul3A_225, %add3A_829 : i32
        %get3A_831 = arith.index_cast %add3A_830 : i32 to index
        %get3A_832 = arith.constant 112 : index
        %get3A_833 = tpu.vector_load %arg10[%get3A_831, %get3A_832] {strides = array<i32>} : memref<320x128xf32, #tpu.memory_space<vmem>>, vector<1x16xf32>,
        %get3A_834 = vector.shape_cast %get3A_833 : vector<1x16xf32> to vector<16xf32>
        %add3A_835 = arith.addf %add3A_828, %get3A_834 : vector<16xf32>
        %add3A_836 = arith.constant 5 : i32
        %add3A_837 = arith.addi %mul3A_225, %add3A_836 : i32
        %get3A_838 = arith.index_cast %add3A_837 : i32 to index
        %get3A_839 = arith.constant 112 : index
        %get3A_840 = tpu.vector_load %arg10[%get3A_838, %get3A_839] {strides = array<i32>} : memref<320x128xf32, #tpu.memory_space<vmem>>, vector<1x16xf32>,
        %get3A_841 = vector.shape_cast %get3A_840 : vector<1x16xf32> to vector<16xf32>
        %add3A_842 = arith.addf %add3A_835, %get3A_841 : vector<16xf32>
        %add3A_843 = arith.constant 6 : i32
        %add3A_844 = arith.addi %mul3A_225, %add3A_843 : i32
        %get3A_845 = arith.index_cast %add3A_844 : i32 to index
        %get3A_846 = arith.constant 112 : index
        %get3A_847 = tpu.vector_load %arg10[%get3A_845, %get3A_846] {strides = array<i32>} : memref<320x128xf32, #tpu.memory_space<vmem>>, vector<1x16xf32>,
        %get3A_848 = vector.shape_cast %get3A_847 : vector<1x16xf32> to vector<16xf32>
        %add3A_849 = arith.addf %add3A_842, %get3A_848 : vector<16xf32>
        %add3A_850 = arith.constant 7 : i32
        %add3A_851 = arith.addi %mul3A_225, %add3A_850 : i32
        %get3A_852 = arith.index_cast %add3A_851 : i32 to index
        %get3A_853 = arith.constant 112 : index
        %get3A_854 = tpu.vector_load %arg10[%get3A_852, %get3A_853] {strides = array<i32>} : memref<320x128xf32, #tpu.memory_space<vmem>>, vector<1x16xf32>,
        %get3A_855 = vector.shape_cast %get3A_854 : vector<1x16xf32> to vector<16xf32>
        %add3A_856 = arith.addf %add3A_849, %get3A_855 : vector<16xf32>
        %add3A_857 = arith.constant 8 : i32
        %add3A_858 = arith.addi %mul3A_225, %add3A_857 : i32
        %get3A_859 = arith.index_cast %add3A_858 : i32 to index
        %get3A_860 = arith.constant 112 : index
        %get3A_861 = tpu.vector_load %arg10[%get3A_859, %get3A_860] {strides = array<i32>} : memref<320x128xf32, #tpu.memory_space<vmem>>, vector<1x16xf32>,
        %get3A_862 = vector.shape_cast %get3A_861 : vector<1x16xf32> to vector<16xf32>
        %add3A_863 = arith.addf %add3A_856, %get3A_862 : vector<16xf32>
        %add3A_864 = arith.constant 9 : i32
        %add3A_865 = arith.addi %mul3A_225, %add3A_864 : i32
        %get3A_866 = arith.index_cast %add3A_865 : i32 to index
        %get3A_867 = arith.constant 112 : index
        %get3A_868 = tpu.vector_load %arg10[%get3A_866, %get3A_867] {strides = array<i32>} : memref<320x128xf32, #tpu.memory_space<vmem>>, vector<1x16xf32>,
        %get3A_869 = vector.shape_cast %get3A_868 : vector<1x16xf32> to vector<16xf32>
        %add3A_870 = arith.addf %add3A_863, %get3A_869 : vector<16xf32>
        %max3A_871 = arith.constant 0.000000e+00 : f32
        %max3A_872 = vector.broadcast %max3A_871 : f32 to vector<16xf32>
        %max3A_873 = arith.maximumf %add3A_870, %max3A_872 : vector<16xf32>
        %swap3A_874 = arith.index_cast %scan3A_223 : i32 to index
        %swap3A_875 = arith.constant 112 : index
        %swap3A_876 = tpu.vector_load %arg12[%swap3A_874, %swap3A_875] {strides = array<i32>} : memref<32x128xf32, #tpu.memory_space<vmem>>, vector<1x16xf32>,
        %swap3A_877 = vector.shape_cast %swap3A_876 : vector<1x16xf32> to vector<16xf32>
        %swap3A_878 = vector.shape_cast %max3A_873 : vector<16xf32> to vector<1x16xf32>
        tpu.vector_store %arg12[%swap3A_874, %swap3A_875], %swap3A_878 {strides = array<i32>} : memref<32x128xf32, #tpu.memory_space<vmem>>, vector<1x16xf32>,
      }
      %scan3A_157 = arith.constant 32 : i32
      %mul3A_158 = arith.constant 32 : i32
      %mul3A_159 = arith.muli %mul3A_55, %mul3A_158 : i32
      %add3A_160 = arith.addi %mul3A_2, %mul3A_159 : i32
      %dma_start3A_161 = arith.constant 0 : i32
      %dma_start3A_162 = tpu.memref_slice %arg5[%add3A_160, %dma_start3A_161] : memref<51200x128xf32, #tpu.memory_space<hbm>> -> memref<32x128xf32, #tpu.memory_space<hbm>>
      %dma_start3A_163 = arith.constant 0 : i32
      %dma_start3A_164 = tpu.memref_slice %arg5[%add3A_160, %dma_start3A_163] : memref<51200x128xf32, #tpu.memory_space<hbm>> -> memref<32x128xf32, #tpu.memory_space<hbm>>
      tpu.enqueue_dma source(%arg12 : memref<32x128xf32, #tpu.memory_space<vmem>>) target(%dma_start3A_164 : memref<32x128xf32, #tpu.memory_space<hbm>>) target_semaphore(%arg16 : memref<!tpu.dma_semaphore, #tpu.memory_space<semaphore_mem>>)
      %add3A_165 = arith.constant 2 : i32
      %add3A_166 = arith.addi %mul3A_55, %add3A_165 : i32
      %lt3A = arith.constant 50 : i32
      %lt3A_167 = arith.cmpi slt, %add3A_166, %lt3A : i32
      %convert_element_type3A_168 = arith.extui %lt3A_167 : i1 to i32
      %cond3A_169 = arith.constant 0 : i32
      %cond3A_170 = arith.cmpi ne, %convert_element_type3A_168, %cond3A_169 : i32
      scf.if %cond3A_170 {
        %add3A_223 = arith.constant 2 : i32
        %add3A_224 = arith.addi %mul3A_55, %add3A_223 : i32
        %mul3A_225 = arith.constant 32 : i32
        %mul3A_226 = arith.muli %add3A_224, %mul3A_225 : i32
        %dma_start3A_227 = tpu.memref_slice %arg6[%mul3A_226] : memref<1600xi32, #tpu.memory_space<vmem>> -> memref<32xi32, #tpu.memory_space<vmem>>
        %dma_start3A_228 = arith.constant 0 : i32
        %dma_start3A_229 = arith.constant 0 : i32
        %dma_start3A_230 = tpu.memref_slice %arg4[%dma_start3A_228, %dma_start3A_229] : memref<100000x128xf32, #tpu.memory_space<hbm>> -> memref<100000x128xf32, #tpu.memory_space<hbm>>
        tpu.enqueue_indirect_dma source(%dma_start3A_230 : memref<100000x128xf32, #tpu.memory_space<hbm>>) target(%arg8 : memref<32x128xf32, #tpu.memory_space<vmem>>) offsets(%dma_start3A_227 : memref<32xi32, #tpu.memory_space<vmem>>) semaphore(%arg14 : memref<!tpu.dma_semaphore, #tpu.memory_space<semaphore_mem>>)
        %mul3A_231 = arith.constant 320 : i32
        %mul3A_232 = arith.muli %add3A_224, %mul3A_231 : i32
        %add3A_233 = arith.constant 0 : i32
        %add3A_234 = arith.addi %mul3A_232, %add3A_233 : i32
        %dma_start3A_235 = arith.constant 0 : i32
        %dma_start3A_236 = arith.constant 0 : i32
        %dma_start3A_237 = tpu.memref_slice %arg10[%dma_start3A_235, %dma_start3A_236] : memref<320x128xf32, #tpu.memory_space<vmem>> -> memref<80x128xf32, #tpu.memory_space<vmem>>
        %dma_start3A_238 = tpu.memref_slice %arg7[%add3A_234] : memref<16000xi32, #tpu.memory_space<vmem>> -> memref<80xi32, #tpu.memory_space<vmem>>
        %dma_start3A_239 = arith.constant 0 : i32
        %dma_start3A_240 = arith.constant 0 : i32
        %dma_start3A_241 = tpu.memref_slice %arg4[%dma_start3A_239, %dma_start3A_240] : memref<100000x128xf32, #tpu.memory_space<hbm>> -> memref<100000x128xf32, #tpu.memory_space<hbm>>
        tpu.enqueue_indirect_dma source(%dma_start3A_241 : memref<100000x128xf32, #tpu.memory_space<hbm>>) target(%dma_start3A_237 : memref<80x128xf32, #tpu.memory_space<vmem>>) offsets(%dma_start3A_238 : memref<80xi32, #tpu.memory_space<vmem>>) semaphore(%arg14 : memref<!tpu.dma_semaphore, #tpu.memory_space<semaphore_mem>>)
        %mul3A_242 = arith.constant 320 : i32
        %mul3A_243 = arith.muli %add3A_224, %mul3A_242 : i32
        %add3A_244 = arith.constant 80 : i32
        %add3A_245 = arith.addi %mul3A_243, %add3A_244 : i32
        %dma_start3A_246 = arith.constant 80 : i32
        %dma_start3A_247 = arith.constant 0 : i32
        %dma_start3A_248 = tpu.memref_slice %arg10[%dma_start3A_246, %dma_start3A_247] : memref<320x128xf32, #tpu.memory_space<vmem>> -> memref<80x128xf32, #tpu.memory_space<vmem>>
        %dma_start3A_249 = tpu.memref_slice %arg7[%add3A_245] : memref<16000xi32, #tpu.memory_space<vmem>> -> memref<80xi32, #tpu.memory_space<vmem>>
        %dma_start3A_250 = arith.constant 0 : i32
        %dma_start3A_251 = arith.constant 0 : i32
        %dma_start3A_252 = tpu.memref_slice %arg4[%dma_start3A_250, %dma_start3A_251] : memref<100000x128xf32, #tpu.memory_space<hbm>> -> memref<100000x128xf32, #tpu.memory_space<hbm>>
        tpu.enqueue_indirect_dma source(%dma_start3A_252 : memref<100000x128xf32, #tpu.memory_space<hbm>>) target(%dma_start3A_248 : memref<80x128xf32, #tpu.memory_space<vmem>>) offsets(%dma_start3A_249 : memref<80xi32, #tpu.memory_space<vmem>>) semaphore(%arg14 : memref<!tpu.dma_semaphore, #tpu.memory_space<semaphore_mem>>)
        %mul3A_253 = arith.constant 320 : i32
        %mul3A_254 = arith.muli %add3A_224, %mul3A_253 : i32
        %add3A_255 = arith.constant 160 : i32
        %add3A_256 = arith.addi %mul3A_254, %add3A_255 : i32
        %dma_start3A_257 = arith.constant 160 : i32
        %dma_start3A_258 = arith.constant 0 : i32
        %dma_start3A_259 = tpu.memref_slice %arg10[%dma_start3A_257, %dma_start3A_258] : memref<320x128xf32, #tpu.memory_space<vmem>> -> memref<80x128xf32, #tpu.memory_space<vmem>>
        %dma_start3A_260 = tpu.memref_slice %arg7[%add3A_256] : memref<16000xi32, #tpu.memory_space<vmem>> -> memref<80xi32, #tpu.memory_space<vmem>>
        %dma_start3A_261 = arith.constant 0 : i32
        %dma_start3A_262 = arith.constant 0 : i32
        %dma_start3A_263 = tpu.memref_slice %arg4[%dma_start3A_261, %dma_start3A_262] : memref<100000x128xf32, #tpu.memory_space<hbm>> -> memref<100000x128xf32, #tpu.memory_space<hbm>>
        tpu.enqueue_indirect_dma source(%dma_start3A_263 : memref<100000x128xf32, #tpu.memory_space<hbm>>) target(%dma_start3A_259 : memref<80x128xf32, #tpu.memory_space<vmem>>) offsets(%dma_start3A_260 : memref<80xi32, #tpu.memory_space<vmem>>) semaphore(%arg14 : memref<!tpu.dma_semaphore, #tpu.memory_space<semaphore_mem>>)
        %mul3A_264 = arith.constant 320 : i32
        %mul3A_265 = arith.muli %add3A_224, %mul3A_264 : i32
        %add3A_266 = arith.constant 240 : i32
        %add3A_267 = arith.addi %mul3A_265, %add3A_266 : i32
        %dma_start3A_268 = arith.constant 240 : i32
        %dma_start3A_269 = arith.constant 0 : i32
        %dma_start3A_270 = tpu.memref_slice %arg10[%dma_start3A_268, %dma_start3A_269] : memref<320x128xf32, #tpu.memory_space<vmem>> -> memref<80x128xf32, #tpu.memory_space<vmem>>
        %dma_start3A_271 = tpu.memref_slice %arg7[%add3A_267] : memref<16000xi32, #tpu.memory_space<vmem>> -> memref<80xi32, #tpu.memory_space<vmem>>
        %dma_start3A_272 = arith.constant 0 : i32
        %dma_start3A_273 = arith.constant 0 : i32
        %dma_start3A_274 = tpu.memref_slice %arg4[%dma_start3A_272, %dma_start3A_273] : memref<100000x128xf32, #tpu.memory_space<hbm>> -> memref<100000x128xf32, #tpu.memory_space<hbm>>
        tpu.enqueue_indirect_dma source(%dma_start3A_274 : memref<100000x128xf32, #tpu.memory_space<hbm>>) target(%dma_start3A_270 : memref<80x128xf32, #tpu.memory_space<vmem>>) offsets(%dma_start3A_271 : memref<80xi32, #tpu.memory_space<vmem>>) semaphore(%arg14 : memref<!tpu.dma_semaphore, #tpu.memory_space<semaphore_mem>>)
      } else {
      }
      %dma_wait3A_171 = arith.constant 0 : i32
      %dma_wait3A_172 = tpu.memref_slice %arg6[%dma_wait3A_171] : memref<1600xi32, #tpu.memory_space<vmem>> -> memref<32xi32, #tpu.memory_space<vmem>>
      %dma_wait3A_173 = arith.constant 0 : i32
      %dma_wait3A_174 = arith.constant 0 : i32
      %dma_wait3A_175 = tpu.memref_slice %arg4[%dma_wait3A_173, %dma_wait3A_174] : memref<100000x128xf32, #tpu.memory_space<hbm>> -> memref<100000x128xf32, #tpu.memory_space<hbm>>
      tpu.wait_indirect_dma semaphore(%arg15 : memref<!tpu.dma_semaphore, #tpu.memory_space<semaphore_mem>>) src(%dma_wait3A_175 : memref<100000x128xf32, #tpu.memory_space<hbm>>) dst(%arg9 : memref<32x128xf32, #tpu.memory_space<vmem>>)
      %dma_wait3A_176 = arith.constant 0 : i32
      %dma_wait3A_177 = arith.constant 0 : i32
      %dma_wait3A_178 = tpu.memref_slice %arg11[%dma_wait3A_176, %dma_wait3A_177] : memref<320x128xf32, #tpu.memory_space<vmem>> -> memref<80x128xf32, #tpu.memory_space<vmem>>
      %dma_wait3A_179 = arith.constant 0 : i32
      %dma_wait3A_180 = tpu.memref_slice %arg7[%dma_wait3A_179] : memref<16000xi32, #tpu.memory_space<vmem>> -> memref<80xi32, #tpu.memory_space<vmem>>
      %dma_wait3A_181 = arith.constant 0 : i32
      %dma_wait3A_182 = arith.constant 0 : i32
      %dma_wait3A_183 = tpu.memref_slice %arg4[%dma_wait3A_181, %dma_wait3A_182] : memref<100000x128xf32, #tpu.memory_space<hbm>> -> memref<100000x128xf32, #tpu.memory_space<hbm>>
      tpu.wait_indirect_dma semaphore(%arg15 : memref<!tpu.dma_semaphore, #tpu.memory_space<semaphore_mem>>) src(%dma_wait3A_183 : memref<100000x128xf32, #tpu.memory_space<hbm>>) dst(%dma_wait3A_178 : memref<80x128xf32, #tpu.memory_space<vmem>>)
      %dma_wait3A_184 = arith.constant 80 : i32
      %dma_wait3A_185 = arith.constant 0 : i32
      %dma_wait3A_186 = tpu.memref_slice %arg11[%dma_wait3A_184, %dma_wait3A_185] : memref<320x128xf32, #tpu.memory_space<vmem>> -> memref<80x128xf32, #tpu.memory_space<vmem>>
      %dma_wait3A_187 = arith.constant 80 : i32
      %dma_wait3A_188 = tpu.memref_slice %arg7[%dma_wait3A_187] : memref<16000xi32, #tpu.memory_space<vmem>> -> memref<80xi32, #tpu.memory_space<vmem>>
      %dma_wait3A_189 = arith.constant 0 : i32
      %dma_wait3A_190 = arith.constant 0 : i32
      %dma_wait3A_191 = tpu.memref_slice %arg4[%dma_wait3A_189, %dma_wait3A_190] : memref<100000x128xf32, #tpu.memory_space<hbm>> -> memref<100000x128xf32, #tpu.memory_space<hbm>>
      tpu.wait_indirect_dma semaphore(%arg15 : memref<!tpu.dma_semaphore, #tpu.memory_space<semaphore_mem>>) src(%dma_wait3A_191 : memref<100000x128xf32, #tpu.memory_space<hbm>>) dst(%dma_wait3A_186 : memref<80x128xf32, #tpu.memory_space<vmem>>)
      %dma_wait3A_192 = arith.constant 160 : i32
      %dma_wait3A_193 = arith.constant 0 : i32
      %dma_wait3A_194 = tpu.memref_slice %arg11[%dma_wait3A_192, %dma_wait3A_193] : memref<320x128xf32, #tpu.memory_space<vmem>> -> memref<80x128xf32, #tpu.memory_space<vmem>>
      %dma_wait3A_195 = arith.constant 160 : i32
      %dma_wait3A_196 = tpu.memref_slice %arg7[%dma_wait3A_195] : memref<16000xi32, #tpu.memory_space<vmem>> -> memref<80xi32, #tpu.memory_space<vmem>>
      %dma_wait3A_197 = arith.constant 0 : i32
      %dma_wait3A_198 = arith.constant 0 : i32
      %dma_wait3A_199 = tpu.memref_slice %arg4[%dma_wait3A_197, %dma_wait3A_198] : memref<100000x128xf32, #tpu.memory_space<hbm>> -> memref<100000x128xf32, #tpu.memory_space<hbm>>
      tpu.wait_indirect_dma semaphore(%arg15 : memref<!tpu.dma_semaphore, #tpu.memory_space<semaphore_mem>>) src(%dma_wait3A_199 : memref<100000x128xf32, #tpu.memory_space<hbm>>) dst(%dma_wait3A_194 : memref<80x128xf32, #tpu.memory_space<vmem>>)
      %dma_wait3A_200 = arith.constant 240 : i32
      %dma_wait3A_201 = arith.constant 0 : i32
      %dma_wait3A_202 = tpu.memref_slice %arg11[%dma_wait3A_200, %dma_wait3A_201] : memref<320x128xf32, #tpu.memory_space<vmem>> -> memref<80x128xf32, #tpu.memory_space<vmem>>
      %dma_wait3A_203 = arith.constant 240 : i32
      %dma_wait3A_204 = tpu.memref_slice %arg7[%dma_wait3A_203] : memref<16000xi32, #tpu.memory_space<vmem>> -> memref<80xi32, #tpu.memory_space<vmem>>
      %dma_wait3A_205 = arith.constant 0 : i32
      %dma_wait3A_206 = arith.constant 0 : i32
      %dma_wait3A_207 = tpu.memref_slice %arg4[%dma_wait3A_205, %dma_wait3A_206] : memref<100000x128xf32, #tpu.memory_space<hbm>> -> memref<100000x128xf32, #tpu.memory_space<hbm>>
      tpu.wait_indirect_dma semaphore(%arg15 : memref<!tpu.dma_semaphore, #tpu.memory_space<semaphore_mem>>) src(%dma_wait3A_207 : memref<100000x128xf32, #tpu.memory_space<hbm>>) dst(%dma_wait3A_202 : memref<80x128xf32, #tpu.memory_space<vmem>>)
      %scan3A_208 = arith.constant 0 : i32
      %scan3A_209 = arith.constant 0 : i32
      %scan3A_210 = arith.constant 32 : i32
      %scan3A_211 = arith.addi %scan3A_209, %scan3A_210 : i32
      %scan3A_212 = arith.constant 1 : i32
      scf.for %scan3A_223 = %scan3A_209 to %scan3A_211 step %scan3A_212  : i32 {
        %mul3A_224 = arith.constant 10 : i32
        %mul3A_225 = arith.muli %scan3A_223, %mul3A_224 : i32
        %get3A = arith.index_cast %scan3A_223 : i32 to index
        %get3A_226 = arith.constant 0 : index
        %get3A_227 = tpu.vector_load %arg9[%get3A, %get3A_226] {strides = array<i32>} : memref<32x128xf32, #tpu.memory_space<vmem>>, vector<1x16xf32>,
        %get3A_228 = vector.shape_cast %get3A_227 : vector<1x16xf32> to vector<16xf32>
        %add3A_229 = arith.constant 0 : i32
        %add3A_230 = arith.addi %mul3A_225, %add3A_229 : i32
        %get3A_231 = arith.index_cast %add3A_230 : i32 to index
        %get3A_232 = arith.constant 0 : index
        %get3A_233 = tpu.vector_load %arg11[%get3A_231, %get3A_232] {strides = array<i32>} : memref<320x128xf32, #tpu.memory_space<vmem>>, vector<1x16xf32>,
        %get3A_234 = vector.shape_cast %get3A_233 : vector<1x16xf32> to vector<16xf32>
        %add3A_235 = arith.addf %get3A_228, %get3A_234 : vector<16xf32>
        %add3A_236 = arith.constant 1 : i32
        %add3A_237 = arith.addi %mul3A_225, %add3A_236 : i32
        %get3A_238 = arith.index_cast %add3A_237 : i32 to index
        %get3A_239 = arith.constant 0 : index
        %get3A_240 = tpu.vector_load %arg11[%get3A_238, %get3A_239] {strides = array<i32>} : memref<320x128xf32, #tpu.memory_space<vmem>>, vector<1x16xf32>,
        %get3A_241 = vector.shape_cast %get3A_240 : vector<1x16xf32> to vector<16xf32>
        %add3A_242 = arith.addf %add3A_235, %get3A_241 : vector<16xf32>
        %add3A_243 = arith.constant 2 : i32
        %add3A_244 = arith.addi %mul3A_225, %add3A_243 : i32
        %get3A_245 = arith.index_cast %add3A_244 : i32 to index
        %get3A_246 = arith.constant 0 : index
        %get3A_247 = tpu.vector_load %arg11[%get3A_245, %get3A_246] {strides = array<i32>} : memref<320x128xf32, #tpu.memory_space<vmem>>, vector<1x16xf32>,
        %get3A_248 = vector.shape_cast %get3A_247 : vector<1x16xf32> to vector<16xf32>
        %add3A_249 = arith.addf %add3A_242, %get3A_248 : vector<16xf32>
        %add3A_250 = arith.constant 3 : i32
        %add3A_251 = arith.addi %mul3A_225, %add3A_250 : i32
        %get3A_252 = arith.index_cast %add3A_251 : i32 to index
        %get3A_253 = arith.constant 0 : index
        %get3A_254 = tpu.vector_load %arg11[%get3A_252, %get3A_253] {strides = array<i32>} : memref<320x128xf32, #tpu.memory_space<vmem>>, vector<1x16xf32>,
        %get3A_255 = vector.shape_cast %get3A_254 : vector<1x16xf32> to vector<16xf32>
        %add3A_256 = arith.addf %add3A_249, %get3A_255 : vector<16xf32>
        %add3A_257 = arith.constant 4 : i32
        %add3A_258 = arith.addi %mul3A_225, %add3A_257 : i32
        %get3A_259 = arith.index_cast %add3A_258 : i32 to index
        %get3A_260 = arith.constant 0 : index
        %get3A_261 = tpu.vector_load %arg11[%get3A_259, %get3A_260] {strides = array<i32>} : memref<320x128xf32, #tpu.memory_space<vmem>>, vector<1x16xf32>,
        %get3A_262 = vector.shape_cast %get3A_261 : vector<1x16xf32> to vector<16xf32>
        %add3A_263 = arith.addf %add3A_256, %get3A_262 : vector<16xf32>
        %add3A_264 = arith.constant 5 : i32
        %add3A_265 = arith.addi %mul3A_225, %add3A_264 : i32
        %get3A_266 = arith.index_cast %add3A_265 : i32 to index
        %get3A_267 = arith.constant 0 : index
        %get3A_268 = tpu.vector_load %arg11[%get3A_266, %get3A_267] {strides = array<i32>} : memref<320x128xf32, #tpu.memory_space<vmem>>, vector<1x16xf32>,
        %get3A_269 = vector.shape_cast %get3A_268 : vector<1x16xf32> to vector<16xf32>
        %add3A_270 = arith.addf %add3A_263, %get3A_269 : vector<16xf32>
        %add3A_271 = arith.constant 6 : i32
        %add3A_272 = arith.addi %mul3A_225, %add3A_271 : i32
        %get3A_273 = arith.index_cast %add3A_272 : i32 to index
        %get3A_274 = arith.constant 0 : index
        %get3A_275 = tpu.vector_load %arg11[%get3A_273, %get3A_274] {strides = array<i32>} : memref<320x128xf32, #tpu.memory_space<vmem>>, vector<1x16xf32>,
        %get3A_276 = vector.shape_cast %get3A_275 : vector<1x16xf32> to vector<16xf32>
        %add3A_277 = arith.addf %add3A_270, %get3A_276 : vector<16xf32>
        %add3A_278 = arith.constant 7 : i32
        %add3A_279 = arith.addi %mul3A_225, %add3A_278 : i32
        %get3A_280 = arith.index_cast %add3A_279 : i32 to index
        %get3A_281 = arith.constant 0 : index
        %get3A_282 = tpu.vector_load %arg11[%get3A_280, %get3A_281] {strides = array<i32>} : memref<320x128xf32, #tpu.memory_space<vmem>>, vector<1x16xf32>,
        %get3A_283 = vector.shape_cast %get3A_282 : vector<1x16xf32> to vector<16xf32>
        %add3A_284 = arith.addf %add3A_277, %get3A_283 : vector<16xf32>
        %add3A_285 = arith.constant 8 : i32
        %add3A_286 = arith.addi %mul3A_225, %add3A_285 : i32
        %get3A_287 = arith.index_cast %add3A_286 : i32 to index
        %get3A_288 = arith.constant 0 : index
        %get3A_289 = tpu.vector_load %arg11[%get3A_287, %get3A_288] {strides = array<i32>} : memref<320x128xf32, #tpu.memory_space<vmem>>, vector<1x16xf32>,
        %get3A_290 = vector.shape_cast %get3A_289 : vector<1x16xf32> to vector<16xf32>
        %add3A_291 = arith.addf %add3A_284, %get3A_290 : vector<16xf32>
        %add3A_292 = arith.constant 9 : i32
        %add3A_293 = arith.addi %mul3A_225, %add3A_292 : i32
        %get3A_294 = arith.index_cast %add3A_293 : i32 to index
        %get3A_295 = arith.constant 0 : index
        %get3A_296 = tpu.vector_load %arg11[%get3A_294, %get3A_295] {strides = array<i32>} : memref<320x128xf32, #tpu.memory_space<vmem>>, vector<1x16xf32>,
        %get3A_297 = vector.shape_cast %get3A_296 : vector<1x16xf32> to vector<16xf32>
        %add3A_298 = arith.addf %add3A_291, %get3A_297 : vector<16xf32>
        %max3A = arith.constant 0.000000e+00 : f32
        %max3A_299 = vector.broadcast %max3A : f32 to vector<16xf32>
        %max3A_300 = arith.maximumf %add3A_298, %max3A_299 : vector<16xf32>
        %swap3A = arith.index_cast %scan3A_223 : i32 to index
        %swap3A_301 = arith.constant 0 : index
        %swap3A_302 = tpu.vector_load %arg13[%swap3A, %swap3A_301] {strides = array<i32>} : memref<32x128xf32, #tpu.memory_space<vmem>>, vector<1x16xf32>,
        %swap3A_303 = vector.shape_cast %swap3A_302 : vector<1x16xf32> to vector<16xf32>
        %swap3A_304 = vector.shape_cast %max3A_300 : vector<16xf32> to vector<1x16xf32>
        tpu.vector_store %arg13[%swap3A, %swap3A_301], %swap3A_304 {strides = array<i32>} : memref<32x128xf32, #tpu.memory_space<vmem>>, vector<1x16xf32>,
        %get3A_305 = arith.index_cast %scan3A_223 : i32 to index
        %get3A_306 = arith.constant 16 : index
        %get3A_307 = tpu.vector_load %arg9[%get3A_305, %get3A_306] {strides = array<i32>} : memref<32x128xf32, #tpu.memory_space<vmem>>, vector<1x16xf32>,
        %get3A_308 = vector.shape_cast %get3A_307 : vector<1x16xf32> to vector<16xf32>
        %add3A_309 = arith.constant 0 : i32
        %add3A_310 = arith.addi %mul3A_225, %add3A_309 : i32
        %get3A_311 = arith.index_cast %add3A_310 : i32 to index
        %get3A_312 = arith.constant 16 : index
        %get3A_313 = tpu.vector_load %arg11[%get3A_311, %get3A_312] {strides = array<i32>} : memref<320x128xf32, #tpu.memory_space<vmem>>, vector<1x16xf32>,
        %get3A_314 = vector.shape_cast %get3A_313 : vector<1x16xf32> to vector<16xf32>
        %add3A_315 = arith.addf %get3A_308, %get3A_314 : vector<16xf32>
        %add3A_316 = arith.constant 1 : i32
        %add3A_317 = arith.addi %mul3A_225, %add3A_316 : i32
        %get3A_318 = arith.index_cast %add3A_317 : i32 to index
        %get3A_319 = arith.constant 16 : index
        %get3A_320 = tpu.vector_load %arg11[%get3A_318, %get3A_319] {strides = array<i32>} : memref<320x128xf32, #tpu.memory_space<vmem>>, vector<1x16xf32>,
        %get3A_321 = vector.shape_cast %get3A_320 : vector<1x16xf32> to vector<16xf32>
        %add3A_322 = arith.addf %add3A_315, %get3A_321 : vector<16xf32>
        %add3A_323 = arith.constant 2 : i32
        %add3A_324 = arith.addi %mul3A_225, %add3A_323 : i32
        %get3A_325 = arith.index_cast %add3A_324 : i32 to index
        %get3A_326 = arith.constant 16 : index
        %get3A_327 = tpu.vector_load %arg11[%get3A_325, %get3A_326] {strides = array<i32>} : memref<320x128xf32, #tpu.memory_space<vmem>>, vector<1x16xf32>,
        %get3A_328 = vector.shape_cast %get3A_327 : vector<1x16xf32> to vector<16xf32>
        %add3A_329 = arith.addf %add3A_322, %get3A_328 : vector<16xf32>
        %add3A_330 = arith.constant 3 : i32
        %add3A_331 = arith.addi %mul3A_225, %add3A_330 : i32
        %get3A_332 = arith.index_cast %add3A_331 : i32 to index
        %get3A_333 = arith.constant 16 : index
        %get3A_334 = tpu.vector_load %arg11[%get3A_332, %get3A_333] {strides = array<i32>} : memref<320x128xf32, #tpu.memory_space<vmem>>, vector<1x16xf32>,
        %get3A_335 = vector.shape_cast %get3A_334 : vector<1x16xf32> to vector<16xf32>
        %add3A_336 = arith.addf %add3A_329, %get3A_335 : vector<16xf32>
        %add3A_337 = arith.constant 4 : i32
        %add3A_338 = arith.addi %mul3A_225, %add3A_337 : i32
        %get3A_339 = arith.index_cast %add3A_338 : i32 to index
        %get3A_340 = arith.constant 16 : index
        %get3A_341 = tpu.vector_load %arg11[%get3A_339, %get3A_340] {strides = array<i32>} : memref<320x128xf32, #tpu.memory_space<vmem>>, vector<1x16xf32>,
        %get3A_342 = vector.shape_cast %get3A_341 : vector<1x16xf32> to vector<16xf32>
        %add3A_343 = arith.addf %add3A_336, %get3A_342 : vector<16xf32>
        %add3A_344 = arith.constant 5 : i32
        %add3A_345 = arith.addi %mul3A_225, %add3A_344 : i32
        %get3A_346 = arith.index_cast %add3A_345 : i32 to index
        %get3A_347 = arith.constant 16 : index
        %get3A_348 = tpu.vector_load %arg11[%get3A_346, %get3A_347] {strides = array<i32>} : memref<320x128xf32, #tpu.memory_space<vmem>>, vector<1x16xf32>,
        %get3A_349 = vector.shape_cast %get3A_348 : vector<1x16xf32> to vector<16xf32>
        %add3A_350 = arith.addf %add3A_343, %get3A_349 : vector<16xf32>
        %add3A_351 = arith.constant 6 : i32
        %add3A_352 = arith.addi %mul3A_225, %add3A_351 : i32
        %get3A_353 = arith.index_cast %add3A_352 : i32 to index
        %get3A_354 = arith.constant 16 : index
        %get3A_355 = tpu.vector_load %arg11[%get3A_353, %get3A_354] {strides = array<i32>} : memref<320x128xf32, #tpu.memory_space<vmem>>, vector<1x16xf32>,
        %get3A_356 = vector.shape_cast %get3A_355 : vector<1x16xf32> to vector<16xf32>
        %add3A_357 = arith.addf %add3A_350, %get3A_356 : vector<16xf32>
        %add3A_358 = arith.constant 7 : i32
        %add3A_359 = arith.addi %mul3A_225, %add3A_358 : i32
        %get3A_360 = arith.index_cast %add3A_359 : i32 to index
        %get3A_361 = arith.constant 16 : index
        %get3A_362 = tpu.vector_load %arg11[%get3A_360, %get3A_361] {strides = array<i32>} : memref<320x128xf32, #tpu.memory_space<vmem>>, vector<1x16xf32>,
        %get3A_363 = vector.shape_cast %get3A_362 : vector<1x16xf32> to vector<16xf32>
        %add3A_364 = arith.addf %add3A_357, %get3A_363 : vector<16xf32>
        %add3A_365 = arith.constant 8 : i32
        %add3A_366 = arith.addi %mul3A_225, %add3A_365 : i32
        %get3A_367 = arith.index_cast %add3A_366 : i32 to index
        %get3A_368 = arith.constant 16 : index
        %get3A_369 = tpu.vector_load %arg11[%get3A_367, %get3A_368] {strides = array<i32>} : memref<320x128xf32, #tpu.memory_space<vmem>>, vector<1x16xf32>,
        %get3A_370 = vector.shape_cast %get3A_369 : vector<1x16xf32> to vector<16xf32>
        %add3A_371 = arith.addf %add3A_364, %get3A_370 : vector<16xf32>
        %add3A_372 = arith.constant 9 : i32
        %add3A_373 = arith.addi %mul3A_225, %add3A_372 : i32
        %get3A_374 = arith.index_cast %add3A_373 : i32 to index
        %get3A_375 = arith.constant 16 : index
        %get3A_376 = tpu.vector_load %arg11[%get3A_374, %get3A_375] {strides = array<i32>} : memref<320x128xf32, #tpu.memory_space<vmem>>, vector<1x16xf32>,
        %get3A_377 = vector.shape_cast %get3A_376 : vector<1x16xf32> to vector<16xf32>
        %add3A_378 = arith.addf %add3A_371, %get3A_377 : vector<16xf32>
        %max3A_379 = arith.constant 0.000000e+00 : f32
        %max3A_380 = vector.broadcast %max3A_379 : f32 to vector<16xf32>
        %max3A_381 = arith.maximumf %add3A_378, %max3A_380 : vector<16xf32>
        %swap3A_382 = arith.index_cast %scan3A_223 : i32 to index
        %swap3A_383 = arith.constant 16 : index
        %swap3A_384 = tpu.vector_load %arg13[%swap3A_382, %swap3A_383] {strides = array<i32>} : memref<32x128xf32, #tpu.memory_space<vmem>>, vector<1x16xf32>,
        %swap3A_385 = vector.shape_cast %swap3A_384 : vector<1x16xf32> to vector<16xf32>
        %swap3A_386 = vector.shape_cast %max3A_381 : vector<16xf32> to vector<1x16xf32>
        tpu.vector_store %arg13[%swap3A_382, %swap3A_383], %swap3A_386 {strides = array<i32>} : memref<32x128xf32, #tpu.memory_space<vmem>>, vector<1x16xf32>,
        %get3A_387 = arith.index_cast %scan3A_223 : i32 to index
        %get3A_388 = arith.constant 32 : index
        %get3A_389 = tpu.vector_load %arg9[%get3A_387, %get3A_388] {strides = array<i32>} : memref<32x128xf32, #tpu.memory_space<vmem>>, vector<1x16xf32>,
        %get3A_390 = vector.shape_cast %get3A_389 : vector<1x16xf32> to vector<16xf32>
        %add3A_391 = arith.constant 0 : i32
        %add3A_392 = arith.addi %mul3A_225, %add3A_391 : i32
        %get3A_393 = arith.index_cast %add3A_392 : i32 to index
        %get3A_394 = arith.constant 32 : index
        %get3A_395 = tpu.vector_load %arg11[%get3A_393, %get3A_394] {strides = array<i32>} : memref<320x128xf32, #tpu.memory_space<vmem>>, vector<1x16xf32>,
        %get3A_396 = vector.shape_cast %get3A_395 : vector<1x16xf32> to vector<16xf32>
        %add3A_397 = arith.addf %get3A_390, %get3A_396 : vector<16xf32>
        %add3A_398 = arith.constant 1 : i32
        %add3A_399 = arith.addi %mul3A_225, %add3A_398 : i32
        %get3A_400 = arith.index_cast %add3A_399 : i32 to index
        %get3A_401 = arith.constant 32 : index
        %get3A_402 = tpu.vector_load %arg11[%get3A_400, %get3A_401] {strides = array<i32>} : memref<320x128xf32, #tpu.memory_space<vmem>>, vector<1x16xf32>,
        %get3A_403 = vector.shape_cast %get3A_402 : vector<1x16xf32> to vector<16xf32>
        %add3A_404 = arith.addf %add3A_397, %get3A_403 : vector<16xf32>
        %add3A_405 = arith.constant 2 : i32
        %add3A_406 = arith.addi %mul3A_225, %add3A_405 : i32
        %get3A_407 = arith.index_cast %add3A_406 : i32 to index
        %get3A_408 = arith.constant 32 : index
        %get3A_409 = tpu.vector_load %arg11[%get3A_407, %get3A_408] {strides = array<i32>} : memref<320x128xf32, #tpu.memory_space<vmem>>, vector<1x16xf32>,
        %get3A_410 = vector.shape_cast %get3A_409 : vector<1x16xf32> to vector<16xf32>
        %add3A_411 = arith.addf %add3A_404, %get3A_410 : vector<16xf32>
        %add3A_412 = arith.constant 3 : i32
        %add3A_413 = arith.addi %mul3A_225, %add3A_412 : i32
        %get3A_414 = arith.index_cast %add3A_413 : i32 to index
        %get3A_415 = arith.constant 32 : index
        %get3A_416 = tpu.vector_load %arg11[%get3A_414, %get3A_415] {strides = array<i32>} : memref<320x128xf32, #tpu.memory_space<vmem>>, vector<1x16xf32>,
        %get3A_417 = vector.shape_cast %get3A_416 : vector<1x16xf32> to vector<16xf32>
        %add3A_418 = arith.addf %add3A_411, %get3A_417 : vector<16xf32>
        %add3A_419 = arith.constant 4 : i32
        %add3A_420 = arith.addi %mul3A_225, %add3A_419 : i32
        %get3A_421 = arith.index_cast %add3A_420 : i32 to index
        %get3A_422 = arith.constant 32 : index
        %get3A_423 = tpu.vector_load %arg11[%get3A_421, %get3A_422] {strides = array<i32>} : memref<320x128xf32, #tpu.memory_space<vmem>>, vector<1x16xf32>,
        %get3A_424 = vector.shape_cast %get3A_423 : vector<1x16xf32> to vector<16xf32>
        %add3A_425 = arith.addf %add3A_418, %get3A_424 : vector<16xf32>
        %add3A_426 = arith.constant 5 : i32
        %add3A_427 = arith.addi %mul3A_225, %add3A_426 : i32
        %get3A_428 = arith.index_cast %add3A_427 : i32 to index
        %get3A_429 = arith.constant 32 : index
        %get3A_430 = tpu.vector_load %arg11[%get3A_428, %get3A_429] {strides = array<i32>} : memref<320x128xf32, #tpu.memory_space<vmem>>, vector<1x16xf32>,
        %get3A_431 = vector.shape_cast %get3A_430 : vector<1x16xf32> to vector<16xf32>
        %add3A_432 = arith.addf %add3A_425, %get3A_431 : vector<16xf32>
        %add3A_433 = arith.constant 6 : i32
        %add3A_434 = arith.addi %mul3A_225, %add3A_433 : i32
        %get3A_435 = arith.index_cast %add3A_434 : i32 to index
        %get3A_436 = arith.constant 32 : index
        %get3A_437 = tpu.vector_load %arg11[%get3A_435, %get3A_436] {strides = array<i32>} : memref<320x128xf32, #tpu.memory_space<vmem>>, vector<1x16xf32>,
        %get3A_438 = vector.shape_cast %get3A_437 : vector<1x16xf32> to vector<16xf32>
        %add3A_439 = arith.addf %add3A_432, %get3A_438 : vector<16xf32>
        %add3A_440 = arith.constant 7 : i32
        %add3A_441 = arith.addi %mul3A_225, %add3A_440 : i32
        %get3A_442 = arith.index_cast %add3A_441 : i32 to index
        %get3A_443 = arith.constant 32 : index
        %get3A_444 = tpu.vector_load %arg11[%get3A_442, %get3A_443] {strides = array<i32>} : memref<320x128xf32, #tpu.memory_space<vmem>>, vector<1x16xf32>,
        %get3A_445 = vector.shape_cast %get3A_444 : vector<1x16xf32> to vector<16xf32>
        %add3A_446 = arith.addf %add3A_439, %get3A_445 : vector<16xf32>
        %add3A_447 = arith.constant 8 : i32
        %add3A_448 = arith.addi %mul3A_225, %add3A_447 : i32
        %get3A_449 = arith.index_cast %add3A_448 : i32 to index
        %get3A_450 = arith.constant 32 : index
        %get3A_451 = tpu.vector_load %arg11[%get3A_449, %get3A_450] {strides = array<i32>} : memref<320x128xf32, #tpu.memory_space<vmem>>, vector<1x16xf32>,
        %get3A_452 = vector.shape_cast %get3A_451 : vector<1x16xf32> to vector<16xf32>
        %add3A_453 = arith.addf %add3A_446, %get3A_452 : vector<16xf32>
        %add3A_454 = arith.constant 9 : i32
        %add3A_455 = arith.addi %mul3A_225, %add3A_454 : i32
        %get3A_456 = arith.index_cast %add3A_455 : i32 to index
        %get3A_457 = arith.constant 32 : index
        %get3A_458 = tpu.vector_load %arg11[%get3A_456, %get3A_457] {strides = array<i32>} : memref<320x128xf32, #tpu.memory_space<vmem>>, vector<1x16xf32>,
        %get3A_459 = vector.shape_cast %get3A_458 : vector<1x16xf32> to vector<16xf32>
        %add3A_460 = arith.addf %add3A_453, %get3A_459 : vector<16xf32>
        %max3A_461 = arith.constant 0.000000e+00 : f32
        %max3A_462 = vector.broadcast %max3A_461 : f32 to vector<16xf32>
        %max3A_463 = arith.maximumf %add3A_460, %max3A_462 : vector<16xf32>
        %swap3A_464 = arith.index_cast %scan3A_223 : i32 to index
        %swap3A_465 = arith.constant 32 : index
        %swap3A_466 = tpu.vector_load %arg13[%swap3A_464, %swap3A_465] {strides = array<i32>} : memref<32x128xf32, #tpu.memory_space<vmem>>, vector<1x16xf32>,
        %swap3A_467 = vector.shape_cast %swap3A_466 : vector<1x16xf32> to vector<16xf32>
        %swap3A_468 = vector.shape_cast %max3A_463 : vector<16xf32> to vector<1x16xf32>
        tpu.vector_store %arg13[%swap3A_464, %swap3A_465], %swap3A_468 {strides = array<i32>} : memref<32x128xf32, #tpu.memory_space<vmem>>, vector<1x16xf32>,
        %get3A_469 = arith.index_cast %scan3A_223 : i32 to index
        %get3A_470 = arith.constant 48 : index
        %get3A_471 = tpu.vector_load %arg9[%get3A_469, %get3A_470] {strides = array<i32>} : memref<32x128xf32, #tpu.memory_space<vmem>>, vector<1x16xf32>,
        %get3A_472 = vector.shape_cast %get3A_471 : vector<1x16xf32> to vector<16xf32>
        %add3A_473 = arith.constant 0 : i32
        %add3A_474 = arith.addi %mul3A_225, %add3A_473 : i32
        %get3A_475 = arith.index_cast %add3A_474 : i32 to index
        %get3A_476 = arith.constant 48 : index
        %get3A_477 = tpu.vector_load %arg11[%get3A_475, %get3A_476] {strides = array<i32>} : memref<320x128xf32, #tpu.memory_space<vmem>>, vector<1x16xf32>,
        %get3A_478 = vector.shape_cast %get3A_477 : vector<1x16xf32> to vector<16xf32>
        %add3A_479 = arith.addf %get3A_472, %get3A_478 : vector<16xf32>
        %add3A_480 = arith.constant 1 : i32
        %add3A_481 = arith.addi %mul3A_225, %add3A_480 : i32
        %get3A_482 = arith.index_cast %add3A_481 : i32 to index
        %get3A_483 = arith.constant 48 : index
        %get3A_484 = tpu.vector_load %arg11[%get3A_482, %get3A_483] {strides = array<i32>} : memref<320x128xf32, #tpu.memory_space<vmem>>, vector<1x16xf32>,
        %get3A_485 = vector.shape_cast %get3A_484 : vector<1x16xf32> to vector<16xf32>
        %add3A_486 = arith.addf %add3A_479, %get3A_485 : vector<16xf32>
        %add3A_487 = arith.constant 2 : i32
        %add3A_488 = arith.addi %mul3A_225, %add3A_487 : i32
        %get3A_489 = arith.index_cast %add3A_488 : i32 to index
        %get3A_490 = arith.constant 48 : index
        %get3A_491 = tpu.vector_load %arg11[%get3A_489, %get3A_490] {strides = array<i32>} : memref<320x128xf32, #tpu.memory_space<vmem>>, vector<1x16xf32>,
        %get3A_492 = vector.shape_cast %get3A_491 : vector<1x16xf32> to vector<16xf32>
        %add3A_493 = arith.addf %add3A_486, %get3A_492 : vector<16xf32>
        %add3A_494 = arith.constant 3 : i32
        %add3A_495 = arith.addi %mul3A_225, %add3A_494 : i32
        %get3A_496 = arith.index_cast %add3A_495 : i32 to index
        %get3A_497 = arith.constant 48 : index
        %get3A_498 = tpu.vector_load %arg11[%get3A_496, %get3A_497] {strides = array<i32>} : memref<320x128xf32, #tpu.memory_space<vmem>>, vector<1x16xf32>,
        %get3A_499 = vector.shape_cast %get3A_498 : vector<1x16xf32> to vector<16xf32>
        %add3A_500 = arith.addf %add3A_493, %get3A_499 : vector<16xf32>
        %add3A_501 = arith.constant 4 : i32
        %add3A_502 = arith.addi %mul3A_225, %add3A_501 : i32
        %get3A_503 = arith.index_cast %add3A_502 : i32 to index
        %get3A_504 = arith.constant 48 : index
        %get3A_505 = tpu.vector_load %arg11[%get3A_503, %get3A_504] {strides = array<i32>} : memref<320x128xf32, #tpu.memory_space<vmem>>, vector<1x16xf32>,
        %get3A_506 = vector.shape_cast %get3A_505 : vector<1x16xf32> to vector<16xf32>
        %add3A_507 = arith.addf %add3A_500, %get3A_506 : vector<16xf32>
        %add3A_508 = arith.constant 5 : i32
        %add3A_509 = arith.addi %mul3A_225, %add3A_508 : i32
        %get3A_510 = arith.index_cast %add3A_509 : i32 to index
        %get3A_511 = arith.constant 48 : index
        %get3A_512 = tpu.vector_load %arg11[%get3A_510, %get3A_511] {strides = array<i32>} : memref<320x128xf32, #tpu.memory_space<vmem>>, vector<1x16xf32>,
        %get3A_513 = vector.shape_cast %get3A_512 : vector<1x16xf32> to vector<16xf32>
        %add3A_514 = arith.addf %add3A_507, %get3A_513 : vector<16xf32>
        %add3A_515 = arith.constant 6 : i32
        %add3A_516 = arith.addi %mul3A_225, %add3A_515 : i32
        %get3A_517 = arith.index_cast %add3A_516 : i32 to index
        %get3A_518 = arith.constant 48 : index
        %get3A_519 = tpu.vector_load %arg11[%get3A_517, %get3A_518] {strides = array<i32>} : memref<320x128xf32, #tpu.memory_space<vmem>>, vector<1x16xf32>,
        %get3A_520 = vector.shape_cast %get3A_519 : vector<1x16xf32> to vector<16xf32>
        %add3A_521 = arith.addf %add3A_514, %get3A_520 : vector<16xf32>
        %add3A_522 = arith.constant 7 : i32
        %add3A_523 = arith.addi %mul3A_225, %add3A_522 : i32
        %get3A_524 = arith.index_cast %add3A_523 : i32 to index
        %get3A_525 = arith.constant 48 : index
        %get3A_526 = tpu.vector_load %arg11[%get3A_524, %get3A_525] {strides = array<i32>} : memref<320x128xf32, #tpu.memory_space<vmem>>, vector<1x16xf32>,
        %get3A_527 = vector.shape_cast %get3A_526 : vector<1x16xf32> to vector<16xf32>
        %add3A_528 = arith.addf %add3A_521, %get3A_527 : vector<16xf32>
        %add3A_529 = arith.constant 8 : i32
        %add3A_530 = arith.addi %mul3A_225, %add3A_529 : i32
        %get3A_531 = arith.index_cast %add3A_530 : i32 to index
        %get3A_532 = arith.constant 48 : index
        %get3A_533 = tpu.vector_load %arg11[%get3A_531, %get3A_532] {strides = array<i32>} : memref<320x128xf32, #tpu.memory_space<vmem>>, vector<1x16xf32>,
        %get3A_534 = vector.shape_cast %get3A_533 : vector<1x16xf32> to vector<16xf32>
        %add3A_535 = arith.addf %add3A_528, %get3A_534 : vector<16xf32>
        %add3A_536 = arith.constant 9 : i32
        %add3A_537 = arith.addi %mul3A_225, %add3A_536 : i32
        %get3A_538 = arith.index_cast %add3A_537 : i32 to index
        %get3A_539 = arith.constant 48 : index
        %get3A_540 = tpu.vector_load %arg11[%get3A_538, %get3A_539] {strides = array<i32>} : memref<320x128xf32, #tpu.memory_space<vmem>>, vector<1x16xf32>,
        %get3A_541 = vector.shape_cast %get3A_540 : vector<1x16xf32> to vector<16xf32>
        %add3A_542 = arith.addf %add3A_535, %get3A_541 : vector<16xf32>
        %max3A_543 = arith.constant 0.000000e+00 : f32
        %max3A_544 = vector.broadcast %max3A_543 : f32 to vector<16xf32>
        %max3A_545 = arith.maximumf %add3A_542, %max3A_544 : vector<16xf32>
        %swap3A_546 = arith.index_cast %scan3A_223 : i32 to index
        %swap3A_547 = arith.constant 48 : index
        %swap3A_548 = tpu.vector_load %arg13[%swap3A_546, %swap3A_547] {strides = array<i32>} : memref<32x128xf32, #tpu.memory_space<vmem>>, vector<1x16xf32>,
        %swap3A_549 = vector.shape_cast %swap3A_548 : vector<1x16xf32> to vector<16xf32>
        %swap3A_550 = vector.shape_cast %max3A_545 : vector<16xf32> to vector<1x16xf32>
        tpu.vector_store %arg13[%swap3A_546, %swap3A_547], %swap3A_550 {strides = array<i32>} : memref<32x128xf32, #tpu.memory_space<vmem>>, vector<1x16xf32>,
        %get3A_551 = arith.index_cast %scan3A_223 : i32 to index
        %get3A_552 = arith.constant 64 : index
        %get3A_553 = tpu.vector_load %arg9[%get3A_551, %get3A_552] {strides = array<i32>} : memref<32x128xf32, #tpu.memory_space<vmem>>, vector<1x16xf32>,
        %get3A_554 = vector.shape_cast %get3A_553 : vector<1x16xf32> to vector<16xf32>
        %add3A_555 = arith.constant 0 : i32
        %add3A_556 = arith.addi %mul3A_225, %add3A_555 : i32
        %get3A_557 = arith.index_cast %add3A_556 : i32 to index
        %get3A_558 = arith.constant 64 : index
        %get3A_559 = tpu.vector_load %arg11[%get3A_557, %get3A_558] {strides = array<i32>} : memref<320x128xf32, #tpu.memory_space<vmem>>, vector<1x16xf32>,
        %get3A_560 = vector.shape_cast %get3A_559 : vector<1x16xf32> to vector<16xf32>
        %add3A_561 = arith.addf %get3A_554, %get3A_560 : vector<16xf32>
        %add3A_562 = arith.constant 1 : i32
        %add3A_563 = arith.addi %mul3A_225, %add3A_562 : i32
        %get3A_564 = arith.index_cast %add3A_563 : i32 to index
        %get3A_565 = arith.constant 64 : index
        %get3A_566 = tpu.vector_load %arg11[%get3A_564, %get3A_565] {strides = array<i32>} : memref<320x128xf32, #tpu.memory_space<vmem>>, vector<1x16xf32>,
        %get3A_567 = vector.shape_cast %get3A_566 : vector<1x16xf32> to vector<16xf32>
        %add3A_568 = arith.addf %add3A_561, %get3A_567 : vector<16xf32>
        %add3A_569 = arith.constant 2 : i32
        %add3A_570 = arith.addi %mul3A_225, %add3A_569 : i32
        %get3A_571 = arith.index_cast %add3A_570 : i32 to index
        %get3A_572 = arith.constant 64 : index
        %get3A_573 = tpu.vector_load %arg11[%get3A_571, %get3A_572] {strides = array<i32>} : memref<320x128xf32, #tpu.memory_space<vmem>>, vector<1x16xf32>,
        %get3A_574 = vector.shape_cast %get3A_573 : vector<1x16xf32> to vector<16xf32>
        %add3A_575 = arith.addf %add3A_568, %get3A_574 : vector<16xf32>
        %add3A_576 = arith.constant 3 : i32
        %add3A_577 = arith.addi %mul3A_225, %add3A_576 : i32
        %get3A_578 = arith.index_cast %add3A_577 : i32 to index
        %get3A_579 = arith.constant 64 : index
        %get3A_580 = tpu.vector_load %arg11[%get3A_578, %get3A_579] {strides = array<i32>} : memref<320x128xf32, #tpu.memory_space<vmem>>, vector<1x16xf32>,
        %get3A_581 = vector.shape_cast %get3A_580 : vector<1x16xf32> to vector<16xf32>
        %add3A_582 = arith.addf %add3A_575, %get3A_581 : vector<16xf32>
        %add3A_583 = arith.constant 4 : i32
        %add3A_584 = arith.addi %mul3A_225, %add3A_583 : i32
        %get3A_585 = arith.index_cast %add3A_584 : i32 to index
        %get3A_586 = arith.constant 64 : index
        %get3A_587 = tpu.vector_load %arg11[%get3A_585, %get3A_586] {strides = array<i32>} : memref<320x128xf32, #tpu.memory_space<vmem>>, vector<1x16xf32>,
        %get3A_588 = vector.shape_cast %get3A_587 : vector<1x16xf32> to vector<16xf32>
        %add3A_589 = arith.addf %add3A_582, %get3A_588 : vector<16xf32>
        %add3A_590 = arith.constant 5 : i32
        %add3A_591 = arith.addi %mul3A_225, %add3A_590 : i32
        %get3A_592 = arith.index_cast %add3A_591 : i32 to index
        %get3A_593 = arith.constant 64 : index
        %get3A_594 = tpu.vector_load %arg11[%get3A_592, %get3A_593] {strides = array<i32>} : memref<320x128xf32, #tpu.memory_space<vmem>>, vector<1x16xf32>,
        %get3A_595 = vector.shape_cast %get3A_594 : vector<1x16xf32> to vector<16xf32>
        %add3A_596 = arith.addf %add3A_589, %get3A_595 : vector<16xf32>
        %add3A_597 = arith.constant 6 : i32
        %add3A_598 = arith.addi %mul3A_225, %add3A_597 : i32
        %get3A_599 = arith.index_cast %add3A_598 : i32 to index
        %get3A_600 = arith.constant 64 : index
        %get3A_601 = tpu.vector_load %arg11[%get3A_599, %get3A_600] {strides = array<i32>} : memref<320x128xf32, #tpu.memory_space<vmem>>, vector<1x16xf32>,
        %get3A_602 = vector.shape_cast %get3A_601 : vector<1x16xf32> to vector<16xf32>
        %add3A_603 = arith.addf %add3A_596, %get3A_602 : vector<16xf32>
        %add3A_604 = arith.constant 7 : i32
        %add3A_605 = arith.addi %mul3A_225, %add3A_604 : i32
        %get3A_606 = arith.index_cast %add3A_605 : i32 to index
        %get3A_607 = arith.constant 64 : index
        %get3A_608 = tpu.vector_load %arg11[%get3A_606, %get3A_607] {strides = array<i32>} : memref<320x128xf32, #tpu.memory_space<vmem>>, vector<1x16xf32>,
        %get3A_609 = vector.shape_cast %get3A_608 : vector<1x16xf32> to vector<16xf32>
        %add3A_610 = arith.addf %add3A_603, %get3A_609 : vector<16xf32>
        %add3A_611 = arith.constant 8 : i32
        %add3A_612 = arith.addi %mul3A_225, %add3A_611 : i32
        %get3A_613 = arith.index_cast %add3A_612 : i32 to index
        %get3A_614 = arith.constant 64 : index
        %get3A_615 = tpu.vector_load %arg11[%get3A_613, %get3A_614] {strides = array<i32>} : memref<320x128xf32, #tpu.memory_space<vmem>>, vector<1x16xf32>,
        %get3A_616 = vector.shape_cast %get3A_615 : vector<1x16xf32> to vector<16xf32>
        %add3A_617 = arith.addf %add3A_610, %get3A_616 : vector<16xf32>
        %add3A_618 = arith.constant 9 : i32
        %add3A_619 = arith.addi %mul3A_225, %add3A_618 : i32
        %get3A_620 = arith.index_cast %add3A_619 : i32 to index
        %get3A_621 = arith.constant 64 : index
        %get3A_622 = tpu.vector_load %arg11[%get3A_620, %get3A_621] {strides = array<i32>} : memref<320x128xf32, #tpu.memory_space<vmem>>, vector<1x16xf32>,
        %get3A_623 = vector.shape_cast %get3A_622 : vector<1x16xf32> to vector<16xf32>
        %add3A_624 = arith.addf %add3A_617, %get3A_623 : vector<16xf32>
        %max3A_625 = arith.constant 0.000000e+00 : f32
        %max3A_626 = vector.broadcast %max3A_625 : f32 to vector<16xf32>
        %max3A_627 = arith.maximumf %add3A_624, %max3A_626 : vector<16xf32>
        %swap3A_628 = arith.index_cast %scan3A_223 : i32 to index
        %swap3A_629 = arith.constant 64 : index
        %swap3A_630 = tpu.vector_load %arg13[%swap3A_628, %swap3A_629] {strides = array<i32>} : memref<32x128xf32, #tpu.memory_space<vmem>>, vector<1x16xf32>,
        %swap3A_631 = vector.shape_cast %swap3A_630 : vector<1x16xf32> to vector<16xf32>
        %swap3A_632 = vector.shape_cast %max3A_627 : vector<16xf32> to vector<1x16xf32>
        tpu.vector_store %arg13[%swap3A_628, %swap3A_629], %swap3A_632 {strides = array<i32>} : memref<32x128xf32, #tpu.memory_space<vmem>>, vector<1x16xf32>,
        %get3A_633 = arith.index_cast %scan3A_223 : i32 to index
        %get3A_634 = arith.constant 80 : index
        %get3A_635 = tpu.vector_load %arg9[%get3A_633, %get3A_634] {strides = array<i32>} : memref<32x128xf32, #tpu.memory_space<vmem>>, vector<1x16xf32>,
        %get3A_636 = vector.shape_cast %get3A_635 : vector<1x16xf32> to vector<16xf32>
        %add3A_637 = arith.constant 0 : i32
        %add3A_638 = arith.addi %mul3A_225, %add3A_637 : i32
        %get3A_639 = arith.index_cast %add3A_638 : i32 to index
        %get3A_640 = arith.constant 80 : index
        %get3A_641 = tpu.vector_load %arg11[%get3A_639, %get3A_640] {strides = array<i32>} : memref<320x128xf32, #tpu.memory_space<vmem>>, vector<1x16xf32>,
        %get3A_642 = vector.shape_cast %get3A_641 : vector<1x16xf32> to vector<16xf32>
        %add3A_643 = arith.addf %get3A_636, %get3A_642 : vector<16xf32>
        %add3A_644 = arith.constant 1 : i32
        %add3A_645 = arith.addi %mul3A_225, %add3A_644 : i32
        %get3A_646 = arith.index_cast %add3A_645 : i32 to index
        %get3A_647 = arith.constant 80 : index
        %get3A_648 = tpu.vector_load %arg11[%get3A_646, %get3A_647] {strides = array<i32>} : memref<320x128xf32, #tpu.memory_space<vmem>>, vector<1x16xf32>,
        %get3A_649 = vector.shape_cast %get3A_648 : vector<1x16xf32> to vector<16xf32>
        %add3A_650 = arith.addf %add3A_643, %get3A_649 : vector<16xf32>
        %add3A_651 = arith.constant 2 : i32
        %add3A_652 = arith.addi %mul3A_225, %add3A_651 : i32
        %get3A_653 = arith.index_cast %add3A_652 : i32 to index
        %get3A_654 = arith.constant 80 : index
        %get3A_655 = tpu.vector_load %arg11[%get3A_653, %get3A_654] {strides = array<i32>} : memref<320x128xf32, #tpu.memory_space<vmem>>, vector<1x16xf32>,
        %get3A_656 = vector.shape_cast %get3A_655 : vector<1x16xf32> to vector<16xf32>
        %add3A_657 = arith.addf %add3A_650, %get3A_656 : vector<16xf32>
        %add3A_658 = arith.constant 3 : i32
        %add3A_659 = arith.addi %mul3A_225, %add3A_658 : i32
        %get3A_660 = arith.index_cast %add3A_659 : i32 to index
        %get3A_661 = arith.constant 80 : index
        %get3A_662 = tpu.vector_load %arg11[%get3A_660, %get3A_661] {strides = array<i32>} : memref<320x128xf32, #tpu.memory_space<vmem>>, vector<1x16xf32>,
        %get3A_663 = vector.shape_cast %get3A_662 : vector<1x16xf32> to vector<16xf32>
        %add3A_664 = arith.addf %add3A_657, %get3A_663 : vector<16xf32>
        %add3A_665 = arith.constant 4 : i32
        %add3A_666 = arith.addi %mul3A_225, %add3A_665 : i32
        %get3A_667 = arith.index_cast %add3A_666 : i32 to index
        %get3A_668 = arith.constant 80 : index
        %get3A_669 = tpu.vector_load %arg11[%get3A_667, %get3A_668] {strides = array<i32>} : memref<320x128xf32, #tpu.memory_space<vmem>>, vector<1x16xf32>,
        %get3A_670 = vector.shape_cast %get3A_669 : vector<1x16xf32> to vector<16xf32>
        %add3A_671 = arith.addf %add3A_664, %get3A_670 : vector<16xf32>
        %add3A_672 = arith.constant 5 : i32
        %add3A_673 = arith.addi %mul3A_225, %add3A_672 : i32
        %get3A_674 = arith.index_cast %add3A_673 : i32 to index
        %get3A_675 = arith.constant 80 : index
        %get3A_676 = tpu.vector_load %arg11[%get3A_674, %get3A_675] {strides = array<i32>} : memref<320x128xf32, #tpu.memory_space<vmem>>, vector<1x16xf32>,
        %get3A_677 = vector.shape_cast %get3A_676 : vector<1x16xf32> to vector<16xf32>
        %add3A_678 = arith.addf %add3A_671, %get3A_677 : vector<16xf32>
        %add3A_679 = arith.constant 6 : i32
        %add3A_680 = arith.addi %mul3A_225, %add3A_679 : i32
        %get3A_681 = arith.index_cast %add3A_680 : i32 to index
        %get3A_682 = arith.constant 80 : index
        %get3A_683 = tpu.vector_load %arg11[%get3A_681, %get3A_682] {strides = array<i32>} : memref<320x128xf32, #tpu.memory_space<vmem>>, vector<1x16xf32>,
        %get3A_684 = vector.shape_cast %get3A_683 : vector<1x16xf32> to vector<16xf32>
        %add3A_685 = arith.addf %add3A_678, %get3A_684 : vector<16xf32>
        %add3A_686 = arith.constant 7 : i32
        %add3A_687 = arith.addi %mul3A_225, %add3A_686 : i32
        %get3A_688 = arith.index_cast %add3A_687 : i32 to index
        %get3A_689 = arith.constant 80 : index
        %get3A_690 = tpu.vector_load %arg11[%get3A_688, %get3A_689] {strides = array<i32>} : memref<320x128xf32, #tpu.memory_space<vmem>>, vector<1x16xf32>,
        %get3A_691 = vector.shape_cast %get3A_690 : vector<1x16xf32> to vector<16xf32>
        %add3A_692 = arith.addf %add3A_685, %get3A_691 : vector<16xf32>
        %add3A_693 = arith.constant 8 : i32
        %add3A_694 = arith.addi %mul3A_225, %add3A_693 : i32
        %get3A_695 = arith.index_cast %add3A_694 : i32 to index
        %get3A_696 = arith.constant 80 : index
        %get3A_697 = tpu.vector_load %arg11[%get3A_695, %get3A_696] {strides = array<i32>} : memref<320x128xf32, #tpu.memory_space<vmem>>, vector<1x16xf32>,
        %get3A_698 = vector.shape_cast %get3A_697 : vector<1x16xf32> to vector<16xf32>
        %add3A_699 = arith.addf %add3A_692, %get3A_698 : vector<16xf32>
        %add3A_700 = arith.constant 9 : i32
        %add3A_701 = arith.addi %mul3A_225, %add3A_700 : i32
        %get3A_702 = arith.index_cast %add3A_701 : i32 to index
        %get3A_703 = arith.constant 80 : index
        %get3A_704 = tpu.vector_load %arg11[%get3A_702, %get3A_703] {strides = array<i32>} : memref<320x128xf32, #tpu.memory_space<vmem>>, vector<1x16xf32>,
        %get3A_705 = vector.shape_cast %get3A_704 : vector<1x16xf32> to vector<16xf32>
        %add3A_706 = arith.addf %add3A_699, %get3A_705 : vector<16xf32>
        %max3A_707 = arith.constant 0.000000e+00 : f32
        %max3A_708 = vector.broadcast %max3A_707 : f32 to vector<16xf32>
        %max3A_709 = arith.maximumf %add3A_706, %max3A_708 : vector<16xf32>
        %swap3A_710 = arith.index_cast %scan3A_223 : i32 to index
        %swap3A_711 = arith.constant 80 : index
        %swap3A_712 = tpu.vector_load %arg13[%swap3A_710, %swap3A_711] {strides = array<i32>} : memref<32x128xf32, #tpu.memory_space<vmem>>, vector<1x16xf32>,
        %swap3A_713 = vector.shape_cast %swap3A_712 : vector<1x16xf32> to vector<16xf32>
        %swap3A_714 = vector.shape_cast %max3A_709 : vector<16xf32> to vector<1x16xf32>
        tpu.vector_store %arg13[%swap3A_710, %swap3A_711], %swap3A_714 {strides = array<i32>} : memref<32x128xf32, #tpu.memory_space<vmem>>, vector<1x16xf32>,
        %get3A_715 = arith.index_cast %scan3A_223 : i32 to index
        %get3A_716 = arith.constant 96 : index
        %get3A_717 = tpu.vector_load %arg9[%get3A_715, %get3A_716] {strides = array<i32>} : memref<32x128xf32, #tpu.memory_space<vmem>>, vector<1x16xf32>,
        %get3A_718 = vector.shape_cast %get3A_717 : vector<1x16xf32> to vector<16xf32>
        %add3A_719 = arith.constant 0 : i32
        %add3A_720 = arith.addi %mul3A_225, %add3A_719 : i32
        %get3A_721 = arith.index_cast %add3A_720 : i32 to index
        %get3A_722 = arith.constant 96 : index
        %get3A_723 = tpu.vector_load %arg11[%get3A_721, %get3A_722] {strides = array<i32>} : memref<320x128xf32, #tpu.memory_space<vmem>>, vector<1x16xf32>,
        %get3A_724 = vector.shape_cast %get3A_723 : vector<1x16xf32> to vector<16xf32>
        %add3A_725 = arith.addf %get3A_718, %get3A_724 : vector<16xf32>
        %add3A_726 = arith.constant 1 : i32
        %add3A_727 = arith.addi %mul3A_225, %add3A_726 : i32
        %get3A_728 = arith.index_cast %add3A_727 : i32 to index
        %get3A_729 = arith.constant 96 : index
        %get3A_730 = tpu.vector_load %arg11[%get3A_728, %get3A_729] {strides = array<i32>} : memref<320x128xf32, #tpu.memory_space<vmem>>, vector<1x16xf32>,
        %get3A_731 = vector.shape_cast %get3A_730 : vector<1x16xf32> to vector<16xf32>
        %add3A_732 = arith.addf %add3A_725, %get3A_731 : vector<16xf32>
        %add3A_733 = arith.constant 2 : i32
        %add3A_734 = arith.addi %mul3A_225, %add3A_733 : i32
        %get3A_735 = arith.index_cast %add3A_734 : i32 to index
        %get3A_736 = arith.constant 96 : index
        %get3A_737 = tpu.vector_load %arg11[%get3A_735, %get3A_736] {strides = array<i32>} : memref<320x128xf32, #tpu.memory_space<vmem>>, vector<1x16xf32>,
        %get3A_738 = vector.shape_cast %get3A_737 : vector<1x16xf32> to vector<16xf32>
        %add3A_739 = arith.addf %add3A_732, %get3A_738 : vector<16xf32>
        %add3A_740 = arith.constant 3 : i32
        %add3A_741 = arith.addi %mul3A_225, %add3A_740 : i32
        %get3A_742 = arith.index_cast %add3A_741 : i32 to index
        %get3A_743 = arith.constant 96 : index
        %get3A_744 = tpu.vector_load %arg11[%get3A_742, %get3A_743] {strides = array<i32>} : memref<320x128xf32, #tpu.memory_space<vmem>>, vector<1x16xf32>,
        %get3A_745 = vector.shape_cast %get3A_744 : vector<1x16xf32> to vector<16xf32>
        %add3A_746 = arith.addf %add3A_739, %get3A_745 : vector<16xf32>
        %add3A_747 = arith.constant 4 : i32
        %add3A_748 = arith.addi %mul3A_225, %add3A_747 : i32
        %get3A_749 = arith.index_cast %add3A_748 : i32 to index
        %get3A_750 = arith.constant 96 : index
        %get3A_751 = tpu.vector_load %arg11[%get3A_749, %get3A_750] {strides = array<i32>} : memref<320x128xf32, #tpu.memory_space<vmem>>, vector<1x16xf32>,
        %get3A_752 = vector.shape_cast %get3A_751 : vector<1x16xf32> to vector<16xf32>
        %add3A_753 = arith.addf %add3A_746, %get3A_752 : vector<16xf32>
        %add3A_754 = arith.constant 5 : i32
        %add3A_755 = arith.addi %mul3A_225, %add3A_754 : i32
        %get3A_756 = arith.index_cast %add3A_755 : i32 to index
        %get3A_757 = arith.constant 96 : index
        %get3A_758 = tpu.vector_load %arg11[%get3A_756, %get3A_757] {strides = array<i32>} : memref<320x128xf32, #tpu.memory_space<vmem>>, vector<1x16xf32>,
        %get3A_759 = vector.shape_cast %get3A_758 : vector<1x16xf32> to vector<16xf32>
        %add3A_760 = arith.addf %add3A_753, %get3A_759 : vector<16xf32>
        %add3A_761 = arith.constant 6 : i32
        %add3A_762 = arith.addi %mul3A_225, %add3A_761 : i32
        %get3A_763 = arith.index_cast %add3A_762 : i32 to index
        %get3A_764 = arith.constant 96 : index
        %get3A_765 = tpu.vector_load %arg11[%get3A_763, %get3A_764] {strides = array<i32>} : memref<320x128xf32, #tpu.memory_space<vmem>>, vector<1x16xf32>,
        %get3A_766 = vector.shape_cast %get3A_765 : vector<1x16xf32> to vector<16xf32>
        %add3A_767 = arith.addf %add3A_760, %get3A_766 : vector<16xf32>
        %add3A_768 = arith.constant 7 : i32
        %add3A_769 = arith.addi %mul3A_225, %add3A_768 : i32
        %get3A_770 = arith.index_cast %add3A_769 : i32 to index
        %get3A_771 = arith.constant 96 : index
        %get3A_772 = tpu.vector_load %arg11[%get3A_770, %get3A_771] {strides = array<i32>} : memref<320x128xf32, #tpu.memory_space<vmem>>, vector<1x16xf32>,
        %get3A_773 = vector.shape_cast %get3A_772 : vector<1x16xf32> to vector<16xf32>
        %add3A_774 = arith.addf %add3A_767, %get3A_773 : vector<16xf32>
        %add3A_775 = arith.constant 8 : i32
        %add3A_776 = arith.addi %mul3A_225, %add3A_775 : i32
        %get3A_777 = arith.index_cast %add3A_776 : i32 to index
        %get3A_778 = arith.constant 96 : index
        %get3A_779 = tpu.vector_load %arg11[%get3A_777, %get3A_778] {strides = array<i32>} : memref<320x128xf32, #tpu.memory_space<vmem>>, vector<1x16xf32>,
        %get3A_780 = vector.shape_cast %get3A_779 : vector<1x16xf32> to vector<16xf32>
        %add3A_781 = arith.addf %add3A_774, %get3A_780 : vector<16xf32>
        %add3A_782 = arith.constant 9 : i32
        %add3A_783 = arith.addi %mul3A_225, %add3A_782 : i32
        %get3A_784 = arith.index_cast %add3A_783 : i32 to index
        %get3A_785 = arith.constant 96 : index
        %get3A_786 = tpu.vector_load %arg11[%get3A_784, %get3A_785] {strides = array<i32>} : memref<320x128xf32, #tpu.memory_space<vmem>>, vector<1x16xf32>,
        %get3A_787 = vector.shape_cast %get3A_786 : vector<1x16xf32> to vector<16xf32>
        %add3A_788 = arith.addf %add3A_781, %get3A_787 : vector<16xf32>
        %max3A_789 = arith.constant 0.000000e+00 : f32
        %max3A_790 = vector.broadcast %max3A_789 : f32 to vector<16xf32>
        %max3A_791 = arith.maximumf %add3A_788, %max3A_790 : vector<16xf32>
        %swap3A_792 = arith.index_cast %scan3A_223 : i32 to index
        %swap3A_793 = arith.constant 96 : index
        %swap3A_794 = tpu.vector_load %arg13[%swap3A_792, %swap3A_793] {strides = array<i32>} : memref<32x128xf32, #tpu.memory_space<vmem>>, vector<1x16xf32>,
        %swap3A_795 = vector.shape_cast %swap3A_794 : vector<1x16xf32> to vector<16xf32>
        %swap3A_796 = vector.shape_cast %max3A_791 : vector<16xf32> to vector<1x16xf32>
        tpu.vector_store %arg13[%swap3A_792, %swap3A_793], %swap3A_796 {strides = array<i32>} : memref<32x128xf32, #tpu.memory_space<vmem>>, vector<1x16xf32>,
        %get3A_797 = arith.index_cast %scan3A_223 : i32 to index
        %get3A_798 = arith.constant 112 : index
        %get3A_799 = tpu.vector_load %arg9[%get3A_797, %get3A_798] {strides = array<i32>} : memref<32x128xf32, #tpu.memory_space<vmem>>, vector<1x16xf32>,
        %get3A_800 = vector.shape_cast %get3A_799 : vector<1x16xf32> to vector<16xf32>
        %add3A_801 = arith.constant 0 : i32
        %add3A_802 = arith.addi %mul3A_225, %add3A_801 : i32
        %get3A_803 = arith.index_cast %add3A_802 : i32 to index
        %get3A_804 = arith.constant 112 : index
        %get3A_805 = tpu.vector_load %arg11[%get3A_803, %get3A_804] {strides = array<i32>} : memref<320x128xf32, #tpu.memory_space<vmem>>, vector<1x16xf32>,
        %get3A_806 = vector.shape_cast %get3A_805 : vector<1x16xf32> to vector<16xf32>
        %add3A_807 = arith.addf %get3A_800, %get3A_806 : vector<16xf32>
        %add3A_808 = arith.constant 1 : i32
        %add3A_809 = arith.addi %mul3A_225, %add3A_808 : i32
        %get3A_810 = arith.index_cast %add3A_809 : i32 to index
        %get3A_811 = arith.constant 112 : index
        %get3A_812 = tpu.vector_load %arg11[%get3A_810, %get3A_811] {strides = array<i32>} : memref<320x128xf32, #tpu.memory_space<vmem>>, vector<1x16xf32>,
        %get3A_813 = vector.shape_cast %get3A_812 : vector<1x16xf32> to vector<16xf32>
        %add3A_814 = arith.addf %add3A_807, %get3A_813 : vector<16xf32>
        %add3A_815 = arith.constant 2 : i32
        %add3A_816 = arith.addi %mul3A_225, %add3A_815 : i32
        %get3A_817 = arith.index_cast %add3A_816 : i32 to index
        %get3A_818 = arith.constant 112 : index
        %get3A_819 = tpu.vector_load %arg11[%get3A_817, %get3A_818] {strides = array<i32>} : memref<320x128xf32, #tpu.memory_space<vmem>>, vector<1x16xf32>,
        %get3A_820 = vector.shape_cast %get3A_819 : vector<1x16xf32> to vector<16xf32>
        %add3A_821 = arith.addf %add3A_814, %get3A_820 : vector<16xf32>
        %add3A_822 = arith.constant 3 : i32
        %add3A_823 = arith.addi %mul3A_225, %add3A_822 : i32
        %get3A_824 = arith.index_cast %add3A_823 : i32 to index
        %get3A_825 = arith.constant 112 : index
        %get3A_826 = tpu.vector_load %arg11[%get3A_824, %get3A_825] {strides = array<i32>} : memref<320x128xf32, #tpu.memory_space<vmem>>, vector<1x16xf32>,
        %get3A_827 = vector.shape_cast %get3A_826 : vector<1x16xf32> to vector<16xf32>
        %add3A_828 = arith.addf %add3A_821, %get3A_827 : vector<16xf32>
        %add3A_829 = arith.constant 4 : i32
        %add3A_830 = arith.addi %mul3A_225, %add3A_829 : i32
        %get3A_831 = arith.index_cast %add3A_830 : i32 to index
        %get3A_832 = arith.constant 112 : index
        %get3A_833 = tpu.vector_load %arg11[%get3A_831, %get3A_832] {strides = array<i32>} : memref<320x128xf32, #tpu.memory_space<vmem>>, vector<1x16xf32>,
        %get3A_834 = vector.shape_cast %get3A_833 : vector<1x16xf32> to vector<16xf32>
        %add3A_835 = arith.addf %add3A_828, %get3A_834 : vector<16xf32>
        %add3A_836 = arith.constant 5 : i32
        %add3A_837 = arith.addi %mul3A_225, %add3A_836 : i32
        %get3A_838 = arith.index_cast %add3A_837 : i32 to index
        %get3A_839 = arith.constant 112 : index
        %get3A_840 = tpu.vector_load %arg11[%get3A_838, %get3A_839] {strides = array<i32>} : memref<320x128xf32, #tpu.memory_space<vmem>>, vector<1x16xf32>,
        %get3A_841 = vector.shape_cast %get3A_840 : vector<1x16xf32> to vector<16xf32>
        %add3A_842 = arith.addf %add3A_835, %get3A_841 : vector<16xf32>
        %add3A_843 = arith.constant 6 : i32
        %add3A_844 = arith.addi %mul3A_225, %add3A_843 : i32
        %get3A_845 = arith.index_cast %add3A_844 : i32 to index
        %get3A_846 = arith.constant 112 : index
        %get3A_847 = tpu.vector_load %arg11[%get3A_845, %get3A_846] {strides = array<i32>} : memref<320x128xf32, #tpu.memory_space<vmem>>, vector<1x16xf32>,
        %get3A_848 = vector.shape_cast %get3A_847 : vector<1x16xf32> to vector<16xf32>
        %add3A_849 = arith.addf %add3A_842, %get3A_848 : vector<16xf32>
        %add3A_850 = arith.constant 7 : i32
        %add3A_851 = arith.addi %mul3A_225, %add3A_850 : i32
        %get3A_852 = arith.index_cast %add3A_851 : i32 to index
        %get3A_853 = arith.constant 112 : index
        %get3A_854 = tpu.vector_load %arg11[%get3A_852, %get3A_853] {strides = array<i32>} : memref<320x128xf32, #tpu.memory_space<vmem>>, vector<1x16xf32>,
        %get3A_855 = vector.shape_cast %get3A_854 : vector<1x16xf32> to vector<16xf32>
        %add3A_856 = arith.addf %add3A_849, %get3A_855 : vector<16xf32>
        %add3A_857 = arith.constant 8 : i32
        %add3A_858 = arith.addi %mul3A_225, %add3A_857 : i32
        %get3A_859 = arith.index_cast %add3A_858 : i32 to index
        %get3A_860 = arith.constant 112 : index
        %get3A_861 = tpu.vector_load %arg11[%get3A_859, %get3A_860] {strides = array<i32>} : memref<320x128xf32, #tpu.memory_space<vmem>>, vector<1x16xf32>,
        %get3A_862 = vector.shape_cast %get3A_861 : vector<1x16xf32> to vector<16xf32>
        %add3A_863 = arith.addf %add3A_856, %get3A_862 : vector<16xf32>
        %add3A_864 = arith.constant 9 : i32
        %add3A_865 = arith.addi %mul3A_225, %add3A_864 : i32
        %get3A_866 = arith.index_cast %add3A_865 : i32 to index
        %get3A_867 = arith.constant 112 : index
        %get3A_868 = tpu.vector_load %arg11[%get3A_866, %get3A_867] {strides = array<i32>} : memref<320x128xf32, #tpu.memory_space<vmem>>, vector<1x16xf32>,
        %get3A_869 = vector.shape_cast %get3A_868 : vector<1x16xf32> to vector<16xf32>
        %add3A_870 = arith.addf %add3A_863, %get3A_869 : vector<16xf32>
        %max3A_871 = arith.constant 0.000000e+00 : f32
        %max3A_872 = vector.broadcast %max3A_871 : f32 to vector<16xf32>
        %max3A_873 = arith.maximumf %add3A_870, %max3A_872 : vector<16xf32>
        %swap3A_874 = arith.index_cast %scan3A_223 : i32 to index
        %swap3A_875 = arith.constant 112 : index
        %swap3A_876 = tpu.vector_load %arg13[%swap3A_874, %swap3A_875] {strides = array<i32>} : memref<32x128xf32, #tpu.memory_space<vmem>>, vector<1x16xf32>,
        %swap3A_877 = vector.shape_cast %swap3A_876 : vector<1x16xf32> to vector<16xf32>
        %swap3A_878 = vector.shape_cast %max3A_873 : vector<16xf32> to vector<1x16xf32>
        tpu.vector_store %arg13[%swap3A_874, %swap3A_875], %swap3A_878 {strides = array<i32>} : memref<32x128xf32, #tpu.memory_space<vmem>>, vector<1x16xf32>,
      }
      %scan3A_213 = arith.constant 32 : i32
      %add3A_214 = arith.constant 1 : i32
      %add3A_215 = arith.addi %mul3A_55, %add3A_214 : i32
      %mul3A_216 = arith.constant 32 : i32
      %mul3A_217 = arith.muli %add3A_215, %mul3A_216 : i32
      %add3A_218 = arith.addi %mul3A_2, %mul3A_217 : i32
      %dma_start3A_219 = arith.constant 0 : i32
      %dma_start3A_220 = tpu.memref_slice %arg5[%add3A_218, %dma_start3A_219] : memref<51200x128xf32, #tpu.memory_space<hbm>> -> memref<32x128xf32, #tpu.memory_space<hbm>>
      %dma_start3A_221 = arith.constant 0 : i32
      %dma_start3A_222 = tpu.memref_slice %arg5[%add3A_218, %dma_start3A_221] : memref<51200x128xf32, #tpu.memory_space<hbm>> -> memref<32x128xf32, #tpu.memory_space<hbm>>
      tpu.enqueue_dma source(%arg13 : memref<32x128xf32, #tpu.memory_space<vmem>>) target(%dma_start3A_222 : memref<32x128xf32, #tpu.memory_space<hbm>>) target_semaphore(%arg17 : memref<!tpu.dma_semaphore, #tpu.memory_space<semaphore_mem>>)
    }
    %scan3A_45 = arith.constant 25 : i32
    %dma_wait3A = arith.constant 0 : i32
    %dma_wait3A_46 = tpu.memref_slice %arg5[%mul3A_2, %dma_wait3A] : memref<51200x128xf32, #tpu.memory_space<hbm>> -> memref<32x128xf32, #tpu.memory_space<hbm>>
    %dma_wait3A_47 = arith.constant 0 : i32
    %dma_wait3A_48 = tpu.memref_slice %arg5[%mul3A_2, %dma_wait3A_47] : memref<51200x128xf32, #tpu.memory_space<hbm>> -> memref<32x128xf32, #tpu.memory_space<hbm>>
    tpu.wait_dma2 semaphore(%arg16 : memref<!tpu.dma_semaphore, #tpu.memory_space<semaphore_mem>>) src(%arg12 : memref<32x128xf32, #tpu.memory_space<vmem>>) dst(%dma_wait3A_48 : memref<32x128xf32, #tpu.memory_space<hbm>>)
    %dma_wait3A_49 = arith.constant 0 : i32
    %dma_wait3A_50 = tpu.memref_slice %arg5[%mul3A_2, %dma_wait3A_49] : memref<51200x128xf32, #tpu.memory_space<hbm>> -> memref<32x128xf32, #tpu.memory_space<hbm>>
    %dma_wait3A_51 = arith.constant 0 : i32
    %dma_wait3A_52 = tpu.memref_slice %arg5[%mul3A_2, %dma_wait3A_51] : memref<51200x128xf32, #tpu.memory_space<hbm>> -> memref<32x128xf32, #tpu.memory_space<hbm>>
    tpu.wait_dma2 semaphore(%arg17 : memref<!tpu.dma_semaphore, #tpu.memory_space<semaphore_mem>>) src(%arg13 : memref<32x128xf32, #tpu.memory_space<vmem>>) dst(%dma_wait3A_52 : memref<32x128xf32, #tpu.memory_space<hbm>>)
    return
  }
}

module attributes {stable_mosaic.version = 14 : i64} {
  func.func @_table_body(%arg0: i32, %arg1: i32, %arg2: memref<1x128x128xf32, #tpu.memory_space<vmem>>, %arg3: memref<2000x128xf32, #tpu.memory_space<vmem>>, %arg4: memref<2000x128xf32, #tpu.memory_space<vmem>>) attributes {dimension_semantics = [#tpu.dimension_semantics<arbitrary>, #tpu.dimension_semantics<arbitrary>], iteration_bounds = array<i64: 25, 2>, scalar_prefetch = 0 : i64, scratch_operands = 0 : i64, tpu.core_type = #tpu.core_type<tc>, window_params = [{transform_indices = @transform_0, window_bounds = array<i64: 1, 128, 128>}, {transform_indices = @transform_1, window_bounds = array<i64: 2000, 128>}, {transform_indices = @transform_2, window_bounds = array<i64: 2000, 128>}]} {
    %get3A = arith.constant 0 : index
    %get3A_0 = arith.constant 0 : index
    %get3A_1 = vector.load %arg3[%get3A, %get3A_0] : memref<2000x128xf32, #tpu.memory_space<vmem>>, vector<2000x128xf32>
    %convert_element_type3A = arith.truncf %get3A_1 : vector<2000x128xf32> to vector<2000x128xbf16>
    %get3A_2 = arith.constant 0 : index
    %get3A_3 = arith.constant 0 : index
    %get3A_4 = arith.constant 0 : index
    %get3A_5 = vector.load %arg2[%get3A_2, %get3A_3, %get3A_4] : memref<1x128x128xf32, #tpu.memory_space<vmem>>, vector<1x128x128xf32>
    %get3A_6 = vector.shape_cast %get3A_5 : vector<1x128x128xf32> to vector<128x128xf32>
    %convert_element_type3A_7 = arith.truncf %get3A_6 : vector<128x128xf32> to vector<128x128xbf16>
    %eq3A = arith.constant 1 : i32
    %eq3A_8 = arith.cmpi eq, %arg1, %eq3A : i32
    %jit3A = arith.constant 1.000000e-01 : f32
    %jit3A_9 = arith.constant 1.000000e+00 : f32
    %select_n3A = arith.select %eq3A_8, %jit3A, %jit3A_9 : f32
    %dot_general3A = arith.constant dense<0.000000e+00> : vector<2000x128xf32>
    %dot_general3A_10 = tpu.matmul %convert_element_type3A, %convert_element_type3A_7, %dot_general3A {dimension_numbers = #tpu.dot_dimension_numbers<[1], [1], [0], [0], [0, 0, 1, 0], [], []>, transpose_lhs_hint = false} : vector<2000x128xbf16>, vector<128x128xbf16>, vector<2000x128xf32> -> vector<2000x128xf32>
    %mul3A = vector.broadcast %select_n3A : f32 to vector<2000x128xf32>
    %mul3A_11 = arith.mulf %dot_general3A_10, %mul3A : vector<2000x128xf32>
    %swap3A = arith.constant 0 : index
    %swap3A_12 = arith.constant 0 : index
    %swap3A_13 = vector.load %arg4[%swap3A, %swap3A_12] : memref<2000x128xf32, #tpu.memory_space<vmem>>, vector<2000x128xf32>
    tpu.vector_store %arg4[%swap3A, %swap3A_12], %mul3A_11 {strides = array<i32>} : memref<2000x128xf32, #tpu.memory_space<vmem>>, vector<2000x128xf32>,
    return
  }
  func.func @transform_0(%arg0: i32, %arg1: i32) -> (i32, i32, i32) {
    %c0_i32 = arith.constant 0 : i32
    %c0_i32_0 = arith.constant 0 : i32
    %c0_i32_1 = arith.constant 0 : i32
    return %arg1, %c0_i32, %c0_i32_0 : i32, i32, i32
  }
  func.func @transform_1(%arg0: i32, %arg1: i32) -> (i32, i32) {
    %c0_i32 = arith.constant 0 : i32
    %c0_i32_0 = arith.constant 0 : i32
    return %arg0, %c0_i32 : i32, i32
  }
  func.func @transform_2(%arg0: i32, %arg1: i32) -> (i32, i32) {
    %mul3A = arith.constant 25 : i32
    %mul3A_0 = arith.muli %arg1, %mul3A : i32
    %add3A = arith.addi %mul3A_0, %arg0 : i32
    %c0_i32 = arith.constant 0 : i32
    %c0_i32_1 = arith.constant 0 : i32
    return %add3A, %c0_i32 : i32, i32
  }
}

</mosaic_0001>

<sc_bundles>
// kernel: kernel.4.cloned.1.call-start
scs
__scs_entry_jumppad:
0x0: {  	(pc) =	sbr.rel $0x88, $3  }
0x1: {  	(tag) =	ssettag $0x0;
	lr =	simm.s32 $0x1  }
0x2: {  	[smem:$0x3F9D] =	sst lr;
	_ =	strace $0xD0000000  }
0x3: {  	_ = 	snop  }
0x4: {  	_ = 	snop  }
0x5: {  	_ = 	snop  }
0x6: {  	_ = 	snop  }
0x7: {  	_ = 	snop  }
__scs_overlays_trampoline_lowered:
0x8: {  	[smem:$0x3FAC] =	sst s0  }
0x9: {  	[smem:$0x3FAD] =	sst s1  }
0xa: {  	[smem:$0x3FAE] =	sst s2  }
0xb: {  	[smem:$0x3FAF] =	sst s3  }
0xc: {  	[smem:$0x3FB0] =	sst s4  }
0xd: {  	[smem:$0x3FB1] =	sst s5  }
0xe: {  	[smem:$0x3FB2] =	sst s6  }
0xf: {  	[smem:$0x3FB3] =	sst s7  }
0x10: {  	[smem:$0x3FB4] =	sst s8  }
0x11: {  	[smem:$0x3FB5] =	sst s9;
	s0 =	simm.s32 @!p0 $0x0  }
0x12: {  	s1 =	sld [smem:$0x3F9B];
	s0 =	simm.s32 @p0 $0x1  }
0x13: {  	[smem:$0x3FB6] =	sst s0;
	s0 =	simm.s32 @!p1 $0x0  }
0x14: {  	s2 =	sld [smem:$0x3F9A];
	s0 =	simm.s32 @p1 $0x1  }
0x15: {  	[smem:$0x3FB7] =	sst s0;
	s0 =	simm.s32 @!p2 $0x0  }
0x16: {  	s3 =	sld [smem:$0x3FDB];
	s0 =	simm.s32 @p2 $0x1  }
0x17: {  	s4 =	simm.s32 $0x1BF5;
	[smem:$0x3FB9] =	sst s0  }
0x18: {  	s0 =	sld [smem:$0x3F9C];
	_ =	swait.ge [sflag:s4], $0x0  }
0x19: {  	s7 =	sld [smem:$0x3F9D]  }
0x1a: {  	s8 =	sadd.s32 $0xFFFFE003, lr  }
0x1b: {  	s9 =	sadd.s32 $0xFFFFFEF7, lr;
	s5 =	simm.s32 $0xFFFFFFFF;
	p2 =	slt.u32 s8, $0xFFFFF086  }
0x1c: {  	p1 =	slt.u32 s9, $0xF7A;
	s5 =	simm.s32 @!p2 $0x0  }
0x1d: {  	s5 =	simm.s32 @p1 $0x1;
	p0 =	seq.s32 s7, s2  }
0x1e: {  	s7 =	smul.u32 @!p0 $0xF7A, s2;
	p2 =	seq.s32 @!p0 s5, $0x0  }
0x1f: {  	s9 =	smul.u32 $0xF7A, s1;
	s8 =	simm.s32 @!p0 $0x1BF5;
	p2 =	por !p2, p0  }
0x20: {  	[sflag:s8] =	ssyncset.s32 @!p0 $0xFFFFF086;
	s6 =	sadd.s32 @!p0 s3, s7;
	s7 =	simm.s32 @!p0 $0x108  }
0x21: {  	s3 =	sadd.s32 s3, s9;
	s6 =	sadd.s32 @!p0 $0x88, s6;
	s7 =	simm.s32 @p2 $0x1082  }
0x22: {  	[simem:s7], [sflag:s8] =	dma.local @!p0 [hbm:s6], $0xF7A  }
0x23: {  	s9 =	sor.u32 $0xD0000000, s2;
	s6 =	simm.s32 $0x108;
	_ =	swait.ge @!p0 [sflag:s8], $0x0  }
0x24: {  	s3 =	sadd.s32 $0x88, s3;
	s6 =	simm.s32 @!p1 $0x1082;
	[sflag:s4] =	ssyncset.s32 $0xFFFFF086  }
0x25: {  	[simem:s6], [sflag:s4] =	dma.local [hbm:s3], $0xF7A  }
0x26: {  	[smem:$0x3F9D] =	sst s1;
	(tag) =	ssettag s2;
	_ =	strace s9  }
0x27: {  	s1 =	sld [smem:$0x3FAD]  }
0x28: {  	s2 =	sld [smem:$0x3FAE]  }
0x29: {  	s4 =	sld [smem:$0x3FB0]  }
0x2a: {  	p0 =	seq.s32 s5, $0x0;
	s5 =	sld [smem:$0x3FB1]  }
0x2b: {  	s6 =	sld [smem:$0x3FB2]  }
0x2c: {  	s7 =	sld [smem:$0x3FB3]  }
0x2d: {  	s3 =	simm.s32 $0x108;
	s8 =	sld [smem:$0x3FB4]  }
0x2e: {  	s3 =	simm.s32 @!p0 $0x1082;
	s9 =	sld [smem:$0x3FB5]  }
0x2f: {  	lr =	sadd.s32 s0, s3;
	s0 =	sld [smem:$0x3FAC]  }
0x30: {  	s3 =	sld [smem:$0x3FAF]  }
0x31: {  	[smem:$0x3FB8] =	sst s10  }
0x32: {  	s10 =	sld [smem:$0x3FB6];
	_ =	sdelay $0x3  }
0x33: {  	p0 =	seq.s32 s10, $0x1;
	s10 =	sld [smem:$0x3FB8];
	_ =	sdelay $0x3  }
0x34: {  	[smem:$0x3FB8] =	sst s10  }
0x35: {  	s10 =	sld [smem:$0x3FB7];
	_ =	sdelay $0x3  }
0x36: {  	p1 =	seq.s32 s10, $0x1;
	s10 =	sld [smem:$0x3FB8];
	_ =	sdelay $0x3  }
0x37: {  	[smem:$0x3FB8] =	sst s10  }
0x38: {  	s10 =	sld [smem:$0x3FB9]  }
0x39: {  	_ = 	snop;
	(pc) =	sbr.ind lr, $3  }
0x3a: {  	_ = 	snop  }
0x3b: {  	_ = 	snop  }
0x3c: {  	p2 =	seq.s32 s10, $0x1;
	s10 =	sld [smem:$0x3FB8]  }
0x3d: {  	_ =	shalt  }
0x3e: {  	_ =	shalt  }
0x3f: {  	_ =	shalt  }
0x40: {  	_ =	shalt  }
0x41: {  	_ =	shalt  }
0x42: {  	_ =	shalt  }
0x43: {  	_ =	shalt  }
0x44: {  	_ =	shalt  }
0x45: {  	_ =	shalt  }
0x46: {  	_ =	shalt  }
0x47: {  	_ =	shalt  }
0x48: {  	_ =	shalt  }
0x49: {  	_ =	shalt  }
0x4a: {  	_ =	shalt  }
0x4b: {  	_ =	shalt  }
0x4c: {  	_ =	shalt  }
0x4d: {  	_ =	shalt  }
0x4e: {  	_ =	shalt  }
0x4f: {  	_ =	shalt  }
0x50: {  	_ =	shalt  }
0x51: {  	_ =	shalt  }
0x52: {  	_ =	shalt  }
0x53: {  	_ =	shalt  }
0x54: {  	_ =	shalt  }
0x55: {  	_ =	shalt  }
0x56: {  	_ =	shalt  }
0x57: {  	_ =	shalt  }
0x58: {  	_ =	shalt  }
0x59: {  	_ =	shalt  }
0x5a: {  	_ =	shalt  }
0x5b: {  	_ =	shalt  }
0x5c: {  	_ =	shalt  }
0x5d: {  	_ =	shalt  }
0x5e: {  	_ =	shalt  }
0x5f: {  	_ =	shalt  }
0x60: {  	_ =	shalt  }
0x61: {  	_ =	shalt  }
0x62: {  	_ =	shalt  }
0x63: {  	_ =	shalt  }
0x64: {  	_ =	shalt  }
0x65: {  	_ =	shalt  }
0x66: {  	_ =	shalt  }
0x67: {  	_ =	shalt  }
0x68: {  	_ =	shalt  }
0x69: {  	_ =	shalt  }
0x6a: {  	_ =	shalt  }
0x6b: {  	_ =	shalt  }
0x6c: {  	_ =	shalt  }
0x6d: {  	_ =	shalt  }
0x6e: {  	_ =	shalt  }
0x6f: {  	_ =	shalt  }
0x70: {  	_ =	shalt  }
0x71: {  	_ =	shalt  }
0x72: {  	_ =	shalt  }
0x73: {  	_ =	shalt  }
0x74: {  	_ =	shalt  }
0x75: {  	_ =	shalt  }
0x76: {  	_ =	shalt  }
0x77: {  	_ =	shalt  }
0x78: {  	_ =	shalt  }
0x79: {  	_ =	shalt  }
0x7a: {  	_ =	shalt  }
0x7b: {  	_ =	shalt  }
0x7c: {  	_ =	shalt  }
0x7d: {  	_ =	shalt  }
0x7e: {  	_ =	shalt  }
0x7f: {  	_ =	shalt  }
0x80: {  	_ =	shalt  }
0x81: {  	_ =	shalt  }
0x82: {  	_ =	shalt  }
0x83: {  	_ =	shalt  }
0x84: {  	_ =	shalt  }
0x85: {  	_ =	shalt  }
0x86: {  	_ =	shalt  }
0x87: {  	_ =	shalt  }
.Lfunc_end0:
.L_simem_size_0:
called_computation_lowered:
.L_overlay_start_0:
0x88: {  	s2 =	sld [smem:$0x3FD9]  }
0x89: {  	s3 =	sld [smem:$0x3FFE];
	_ =	sdelay $0x1  }
0x8a: {  	s1 =	srdreg.scid  }
0x8b: {  	s0 =	sand.u32 $0x1, s1  }
0x8c: {  	s17 =	sshll.u32 s0, $0xA;
	s2 =	sadd.s32 s3, s2  }
0x8d: {  	s2 =	sadd.s32 s2, s17  }
0x8e: {  	[smem:$0x3FC4] =	sst s2  }
0x8f: {  	_ = 	snop  }
0x90: {  	s2 =	sld [smem:$0x3FD0];
	(tm) =	ssettm $0x1  }
0x91: {  	s18 =	sld [smem:$0x3FFB];
	_ =	sdelay $0x3  }
0x92: {  	_ =	strace s18  }
0x93: {  	s3 =	sld [smem:$0x3FFC];
	_ =	sdelay $0x3  }
0x94: {  	_ =	strace s3  }
0x95: {  	s3 =	sld [smem:$0x3FFD];
	_ =	sdelay $0x3  }
0x96: {  	_ =	strace s3  }
0x97: {  	_ =	strace $0x8FFFFFFF  }
0x98: {  	s19 =	sld [smem:$0x3FDB];
	_ =	sdelay $0x1  }
0x99: {  	s4 =	simm.s32 $_scs_section_size  }
0x9a: {  	s5 =	simm.s32 $_size__tile_overlayer_lowered;
	s6 =	simm.s32 $_tile_overlayer_lowered  }
0x9b: {  	s22 =	simm.s32 $0x1BFF;
	s21 =	sshll.u32 s6, $0x1;
	s3 =	sadd.s32 s4, s19  }
0x9c: {  	s7 =	simm.s32 $0x0;
	s20 =	sshll.u32 s5, $0x1;
	s5 =	sadd.s32 s21, s3  }
0x9d: {  	[timem:s7], [sflag:s22] =	dma.local [hbm:s5], s20  }
0x9e: {  	_ =	swait.ge [sflag:s22], s20  }
0x9f: {  	s4 =	ssub.s32 $0x0, s20;
	[sflag:s22] =	ssyncset.done $0x0  }
0xa0: {  	[sflag:s22] =	ssyncadd.s32 s4;
	_ =	sdelay $0x1  }
0xa1: {  	s23 =	simm.s32 $0x1B8B  }
0xa2: {  	_ =	swait.ge [sflag:s23], $0x1  }
0xa3: {  	[sflag:s23] =	ssyncset.done $0x0  }
0xa4: {  	s25 =	simm.s32 $0x1B8E;
	s24 =	sld [smem:$0x3FFE];
	[sflag:s23] =	ssyncadd.s32 $0xFFFFFFFF  }
0xa5: {  	s26 =	simm.s32 $execute0_lowered;
	[smem:$0x3FD2] =	sst s25  }
0xa6: {  	s5 =	sshll.u32 s26, $0x1;
	_ =	strace $0x80000046;
	[dreg:$0x1] =	wrdreg $0xFFFFFFFF  }
0xa7: {  	s28 =	simm.s32 $_size_execute0_lowered;
	s3 =	sadd.s32 s3, s5;
	[dreg:$0x0] =	wrdreg $0x0  }
0xa8: {  	s5 =	sshll.u32 s28, $0x1;
	[dreg:$0x2] =	wrdreg s3  }
0xa9: {  	[dreg:$0x3] =	wrdreg s5  }
0xaa: {  	[dreg:$0x4] =	wrdreg $0xC0  }
0xab: {  	_ =	task [dreg:s7], $0x5FFFF  }
0xac: {  	[dreg:$0x1] =	wrdreg $0xFFFFFFFF  }
0xad: {  	[dreg:$0x0] =	wrdreg $0x60  }
0xae: {  	[dreg:$0x2] =	wrdreg s24  }
0xaf: {  	[dreg:$0x3] =	wrdreg s2  }
0xb0: {  	[dreg:$0x4] =	wrdreg $0x9  }
0xb1: {  	_ =	task.clear_ibuf [dreg:s7], $0x5FFFF;
	_ =	strace $0x90000046  }
0xb2: {  	s29 =	simm.s32 $0x9;
	_ =	strace $0x80000048  }
0xb3: {  	_ =	swait.ge [sflag:s29], $0x1  }
0xb4: {  	[sflag:s29] =	ssyncadd.s32 $0xFFFFFFFF  }
0xb5: {  	_ =	strace $0x90000048  }
0xb6: {  	_ =	sfence  }
0xb7: {  	s30 =	sld [smem:$0x0];
	_ =	sdelay $0x2  }
0xb8: {  	s31 =	sshll.u32 s1, $0xD;
	s1 =	sshrl.u32 s1, $0x2  }
0xb9: {  	s3 =	sand.u32 $0x4000, s31;
	s1 =	sadd.s32 s1, s30  }
0xba: {  	s0 =	sor.u32 s3, s0;
	s1 =	sshll.u32 s1, $0x11  }
0xbb: {  	s0 =	sor.u32 s1, s0  }
0xbc: {  	s0 =	sadd.s32 $0x8F2B, s0  }
0xbd: {  	[sflag:s0] =	ssyncadd.remote.s32 $0x1  }
0xbe: {  	_ =	sfence.sel $0xFFFF  }
0xbf: {  	[dreg:$0x0] =	wrdreg $0xFFFFFFFF;
	(pc) =	sbr.abs _section_cstart, $3  }
0xc0: {  	[dreg:$0x1] =	wrdreg $0xFFFFFFFF  }
0xc1: {  	_ =	task.clear_ibuf [dreg:s7], $0x2FFFF;
	_ =	strace $0x9FFFFFFF  }
0xc2: {  	(tm) =	ssettm $0x7FFFFFFF  }
0xc3: {  	_ =	shalt  }
tec
execute0_lowered:
.L_overlay_start_1:
0x0: {  	(tag) =	ssettag $0x1  }
0x1: {  	s0 =	srdreg.scid  }
0x2: {  	s1 =	stileid.u32;
	s5 =	rddreg [dreg:$0x0]  }
0x3: {  	s7 =	rddreg [dreg:$0x1];
	s3 =	simm.s32 $0x0;
	s10 =	simm.s32 $0x5  }
0x4: {  	s12 =	simm.s32 $0x20;
	s14 =	simm.s32 $0x50;
	s22 =	simm.s32 $0x5500  }
0x5: {  	s23 =	simm.s32 $0x10500;
	s24 =	simm.s32 $0x12D00;
	s25 =	simm.s32 $0x15500  }
0x6: {  	s26 =	simm.s32 $0x17D00;
	s28 =	simm.s32 $0x1;
	s29 =	simm.s32 $0x1A500  }
0x7: {  	s30 =	simm.s32 $0x2;
	s0 =	sand.u32 $0x1, s0;
	s1 =	sshll.u32 s1, $0x1  }
0x8: {  	s31 =	simm.s32 $0x1B500;
	s13 =	simm.s32 $0x0;
	s1 =	sor.u32 s0, s1  }
0x9: {  	[smem:$0x7FF] =	sst s3;
	s0 =	ssub.s32 $0x2, s0;
	s2 =	smul.u32 $0x640, s1  }
0xa: {  	_ =	strace $0x80000047;
	s8 =	sshrl.u32 s0, $0x1;
	s9 =	smul.u32 $0x7D0, s1  }
0xb: {  	s0 =	ssub.s32 s0, s8;
	s8 =	smul.u32 $0x32000, s1;
	s4 =	sshrl.u32 s2, $0x3  }
0xc: {  	s1 =	simm.s32 $0x3;
	s7 =	sadd.s32 s7, s9;
	s6 =	sadd.s32 s4, s5  }
0xd: {  	s9 =	smax.u32 s0, $0x1;
	s0 =	simm.s32 $0x4;
	s6 =	sadd.s32 $0x600, s6  }
0xe: {  	s4 =	sadd.s32 $0x2000, s5;
	s5 =	sadd.s32 $0x188A00, s5;
	[dreg:$0x3] =	wrdreg s6  }
.LBB2_1:
0xf: {  	s6 =	rddreg [dreg:$0x3]  }
0x10: {  	[tilespmem:s3], [sflag:$0x5] =	stream.linear.gather [hbm4b:s6+s3], $0x640, $0x38;
	[tilespmem:$0x1C500] =	vst v63  }
0x11: {  	_ =	swait.ge [sflag:s10], $0x640  }
0x12: {  	[sflag:s10] =	ssyncset.done $0x0  }
0x13: {  	s21 =	simm.s32 $0x680;
	[sflag:s10] =	ssyncadd.s32 $0xFFFFF9C0  }
0x14: {  	[tilespmem:s21], [sflag:$0x5] =	stream.linear.gather [hbm4b:s7+s3], $0x3E80, $0x38;
	[tilespmem:$0x1C500] =	vst v63  }
0x15: {  	_ =	swait.ge [sflag:s10], $0x3E80  }
0x16: {  	[sflag:s10] =	ssyncset.done $0x0  }
0x17: {  	s11 =	simm.s32 $0x4500;
	[sflag:s10] =	ssyncadd.s32 $0xFFFFC180  }
0x18: {  	[tilespmem:s11], [sflag:$0x1] =	stream.indirect.gather [hbm4b:s4+s12], $0x80, s3, s12, $0xb8;
	[tilespmem:$0x1C500] =	vst v63  }
0x19: {  	s15 =	simm.s32 $0x6500  }
0x1a: {  	[tilespmem:s15], [sflag:$0x1] =	stream.indirect.gather [hbm4b:s4+s14], $0x80, s21, s14, $0xb8;
	[tilespmem:$0x1C500] =	vst v63  }
0x1b: {  	s16 =	simm.s32 $0x6D0;
	s17 =	simm.s32 $0x8D00  }
0x1c: {  	[tilespmem:s17], [sflag:$0x1] =	stream.indirect.gather [hbm4b:s4+s14], $0x80, s16, s14, $0xb8;
	[tilespmem:$0x1C500] =	vst v63  }
0x1d: {  	s18 =	simm.s32 $0x720;
	s19 =	simm.s32 $0xB500  }
0x1e: {  	[tilespmem:s19], [sflag:$0x1] =	stream.indirect.gather [hbm4b:s4+s14], $0x80, s18, s14, $0xb8;
	[tilespmem:$0x1C500] =	vst v63  }
0x1f: {  	s20 =	simm.s32 $0x770;
	s21 =	simm.s32 $0xDD00;
	s15 =	simm.s32 $0x0  }
0x20: {  	[tilespmem:s21], [sflag:$0x1] =	stream.indirect.gather [hbm4b:s4+s14], $0x80, s20, s14, $0xb8;
	[tilespmem:$0x1C500] =	vst v63  }
.LBB2_2:
0x21: {  	p0 =	seq.s32 s15, $0x0;
	s17 =	sshll.u32 s15, $0x1  }
0x22: {  	s11 =	simm.s32 @!p0 $0x4;
	s18 =	sor.u32 $0x1, s17  }
0x23: {  	_ =	swait.ge @!p0 [sflag:s11], $0x1000;
	s16 =	sshll.u32 s18, $0x5;
	s18 =	smul.u32 $0x500, s18  }
0x24: {  	[sflag:s11] =	ssyncset.done @!p0 $0x0  }
0x25: {  	[sflag:s11] =	ssyncadd.s32 @!p0 $0xFFFFF000;
	s11 =	sshra.s32 s18, $0x2  }
0x26: {  	[tilespmem:s22], [sflag:$0x2] =	stream.indirect.gather [hbm4b:s4+s12], $0x80, s16, s12, $0xb8;
	[tilespmem:$0x1C500] =	vst v63  }
0x27: {  	s19 =	sadd.s32 $0x680, s11  }
0x28: {  	[tilespmem:s23], [sflag:$0x2] =	stream.indirect.gather [hbm4b:s4+s14], $0x80, s19, s14, $0xb8;
	[tilespmem:$0x1C500] =	vst v63  }
0x29: {  	s20 =	sadd.s32 $0x6D0, s11  }
0x2a: {  	[tilespmem:s24], [sflag:$0x2] =	stream.indirect.gather [hbm4b:s4+s14], $0x80, s20, s14, $0xb8;
	[tilespmem:$0x1C500] =	vst v63  }
0x2b: {  	s21 =	sadd.s32 $0x720, s11  }
0x2c: {  	[tilespmem:s25], [sflag:$0x2] =	stream.indirect.gather [hbm4b:s4+s14], $0x80, s21, s14, $0xb8;
	[tilespmem:$0x1C500] =	vst v63  }
0x2d: {  	s11 =	sadd.s32 $0x770, s11  }
0x2e: {  	[tilespmem:s26], [sflag:$0x2] =	stream.indirect.gather [hbm4b:s4+s14], $0x80, s11, s14, $0xb8;
	[tilespmem:$0x1C500] =	vst v63  }
0x2f: {  	_ =	swait.ge [sflag:s28], $0x1000  }
0x30: {  	[sflag:s28] =	ssyncset.done $0x0  }
0x31: {  	[sflag:s28] =	ssyncadd.s32 $0xFFFFF000  }
0x32: {  	_ =	swait.ge [sflag:s28], $0x2800  }
0x33: {  	[sflag:s28] =	ssyncset.done $0x0  }
0x34: {  	[sflag:s28] =	ssyncadd.s32 $0xFFFFD800  }
0x35: {  	_ =	swait.ge [sflag:s28], $0x2800  }
0x36: {  	[sflag:s28] =	ssyncset.done $0x0  }
0x37: {  	[sflag:s28] =	ssyncadd.s32 $0xFFFFD800  }
0x38: {  	_ =	swait.ge [sflag:s28], $0x2800  }
0x39: {  	[sflag:s28] =	ssyncset.done $0x0  }
0x3a: {  	[sflag:s28] =	ssyncadd.s32 $0xFFFFD800  }
0x3b: {  	_ =	swait.ge [sflag:s28], $0x2800  }
0x3c: {  	[sflag:s28] =	ssyncset.done $0x0  }
0x3d: {  	s11 =	simm.s32 @!p0 $0x3;
	[sflag:s28] =	ssyncadd.s32 $0xFFFFD800  }
0x3e: {  	_ =	swait.ge @!p0 [sflag:s11], $0x1000  }
0x3f: {  	[sflag:s11] =	ssyncset.done @!p0 $0x0  }
0x40: {  	s18 =	simm.s32 $0x0;
	[sflag:s11] =	ssyncadd.s32 @!p0 $0xFFFFF000  }
0x41: {  	s19 =	simm.s32 $0x6780;
	v0 =	vld [tilespmem:s18+$0x4500]  }
0x42: {  	v1 =	vld [tilespmem:s19+$0xFFFFFD80];
	_ =	sdelay $0x1  }
0x43: {  	v2 =	vld [tilespmem:s19+$0xFFFFFE00];
	_ =	sdelay $0x1  }
0x44: {  	v3 =	vld [tilespmem:s19+$0xFFFFFE80]  }
0x45: {  	v0 =	vadd.f32 v1, v0  }
0x46: {  	v1 =	vld [tilespmem:s19+$0xFFFFFF00]  }
0x47: {  	v0 =	vadd.f32 v2, v0  }
0x48: {  	v2 =	vld [tilespmem:s19+$0xFFFFFF80]  }
0x49: {  	v0 =	vadd.f32 v3, v0  }
0x4a: {  	v3 =	vld [tilespmem:s19+$0x0]  }
0x4b: {  	v0 =	vadd.f32 v1, v0  }
0x4c: {  	v1 =	vld [tilespmem:s19+$0x80]  }
0x4d: {  	v0 =	vadd.f32 v2, v0  }
0x4e: {  	v2 =	vld [tilespmem:s19+$0x100]  }
0x4f: {  	v0 =	vadd.f32 v3, v0  }
0x50: {  	v3 =	vld [tilespmem:s19+$0x180]  }
0x51: {  	v0 =	vadd.f32 v1, v0  }
0x52: {  	v1 =	vld [tilespmem:s19+$0x200]  }
0x53: {  	v0 =	vadd.f32 v2, v0;
	_ =	sdelay $0x1  }
0x54: {  	v0 =	vadd.f32 v3, v0;
	_ =	sdelay $0x1  }
0x55: {  	v0 =	vadd.f32 v1, v0;
	_ =	sdelay $0x1  }
0x56: {  	v0 =	vmax.f32 v0, $0.0e+00  }
0x57: {  	[tilespmem:s18+$0x1A500] =	vst v0;
	v0 =	vld [tilespmem:s18+$0x4510]  }
0x58: {  	v1 =	vld [tilespmem:s19+$0xFFFFFD90];
	_ =	sdelay $0x1  }
0x59: {  	v2 =	vld [tilespmem:s19+$0xFFFFFE10];
	_ =	sdelay $0x1  }
0x5a: {  	v3 =	vld [tilespmem:s19+$0xFFFFFE90]  }
0x5b: {  	v0 =	vadd.f32 v1, v0  }
0x5c: {  	v1 =	vld [tilespmem:s19+$0xFFFFFF10]  }
0x5d: {  	v0 =	vadd.f32 v2, v0  }
0x5e: {  	v2 =	vld [tilespmem:s19+$0xFFFFFF90]  }
0x5f: {  	v0 =	vadd.f32 v3, v0  }
0x60: {  	v3 =	vld [tilespmem:s19+$0x10]  }
0x61: {  	v0 =	vadd.f32 v1, v0  }
0x62: {  	v1 =	vld [tilespmem:s19+$0x90]  }
0x63: {  	v0 =	vadd.f32 v2, v0  }
0x64: {  	v2 =	vld [tilespmem:s19+$0x110]  }
0x65: {  	v0 =	vadd.f32 v3, v0  }
0x66: {  	v3 =	vld [tilespmem:s19+$0x190]  }
0x67: {  	v0 =	vadd.f32 v1, v0  }
0x68: {  	v1 =	vld [tilespmem:s19+$0x210]  }
0x69: {  	v0 =	vadd.f32 v2, v0;
	_ =	sdelay $0x1  }
0x6a: {  	v0 =	vadd.f32 v3, v0;
	_ =	sdelay $0x1  }
0x6b: {  	v0 =	vadd.f32 v1, v0;
	_ =	sdelay $0x1  }
0x6c: {  	v0 =	vmax.f32 v0, $0.0e+00  }
0x6d: {  	[tilespmem:s18+$0x1A510] =	vst v0;
	v0 =	vld [tilespmem:s18+$0x4520]  }
0x6e: {  	v1 =	vld [tilespmem:s19+$0xFFFFFDA0];
	_ =	sdelay $0x1  }
0x6f: {  	v2 =	vld [tilespmem:s19+$0xFFFFFE20];
	_ =	sdelay $0x1  }
0x70: {  	v3 =	vld [tilespmem:s19+$0xFFFFFEA0]  }
0x71: {  	v0 =	vadd.f32 v1, v0  }
0x72: {  	v1 =	vld [tilespmem:s19+$0xFFFFFF20]  }
0x73: {  	v0 =	vadd.f32 v2, v0  }
0x74: {  	v2 =	vld [tilespmem:s19+$0xFFFFFFA0]  }
0x75: {  	v0 =	vadd.f32 v3, v0  }
0x76: {  	v3 =	vld [tilespmem:s19+$0x20]  }
0x77: {  	v0 =	vadd.f32 v1, v0  }
0x78: {  	v1 =	vld [tilespmem:s19+$0xA0]  }
0x79: {  	v0 =	vadd.f32 v2, v0  }
0x7a: {  	v2 =	vld [tilespmem:s19+$0x120]  }
0x7b: {  	v0 =	vadd.f32 v3, v0  }
0x7c: {  	v3 =	vld [tilespmem:s19+$0x1A0]  }
0x7d: {  	v0 =	vadd.f32 v1, v0  }
0x7e: {  	v1 =	vld [tilespmem:s19+$0x220]  }
0x7f: {  	v0 =	vadd.f32 v2, v0;
	_ =	sdelay $0x1  }
0x80: {  	v0 =	vadd.f32 v3, v0;
	_ =	sdelay $0x1  }
0x81: {  	v0 =	vadd.f32 v1, v0;
	_ =	sdelay $0x1  }
0x82: {  	v0 =	vmax.f32 v0, $0.0e+00  }
0x83: {  	[tilespmem:s18+$0x1A520] =	vst v0;
	v0 =	vld [tilespmem:s18+$0x4530]  }
0x84: {  	v1 =	vld [tilespmem:s19+$0xFFFFFDB0];
	_ =	sdelay $0x1  }
0x85: {  	v2 =	vld [tilespmem:s19+$0xFFFFFE30];
	_ =	sdelay $0x1  }
0x86: {  	v3 =	vld [tilespmem:s19+$0xFFFFFEB0]  }
0x87: {  	v0 =	vadd.f32 v1, v0  }
0x88: {  	v1 =	vld [tilespmem:s19+$0xFFFFFF30]  }
0x89: {  	v0 =	vadd.f32 v2, v0  }
0x8a: {  	v2 =	vld [tilespmem:s19+$0xFFFFFFB0]  }
0x8b: {  	v0 =	vadd.f32 v3, v0  }
0x8c: {  	v3 =	vld [tilespmem:s19+$0x30]  }
0x8d: {  	v0 =	vadd.f32 v1, v0  }
0x8e: {  	v1 =	vld [tilespmem:s19+$0xB0]  }
0x8f: {  	v0 =	vadd.f32 v2, v0  }
0x90: {  	v2 =	vld [tilespmem:s19+$0x130]  }
0x91: {  	v0 =	vadd.f32 v3, v0  }
0x92: {  	v3 =	vld [tilespmem:s19+$0x1B0]  }
0x93: {  	v0 =	vadd.f32 v1, v0  }
0x94: {  	v1 =	vld [tilespmem:s19+$0x230]  }
0x95: {  	v0 =	vadd.f32 v2, v0;
	_ =	sdelay $0x1  }
0x96: {  	v0 =	vadd.f32 v3, v0;
	_ =	sdelay $0x1  }
0x97: {  	v0 =	vadd.f32 v1, v0;
	_ =	sdelay $0x1  }
0x98: {  	v0 =	vmax.f32 v0, $0.0e+00  }
0x99: {  	[tilespmem:s18+$0x1A530] =	vst v0;
	v0 =	vld [tilespmem:s18+$0x4540]  }
0x9a: {  	v1 =	vld [tilespmem:s19+$0xFFFFFDC0];
	_ =	sdelay $0x1  }
0x9b: {  	v2 =	vld [tilespmem:s19+$0xFFFFFE40];
	_ =	sdelay $0x1  }
0x9c: {  	v3 =	vld [tilespmem:s19+$0xFFFFFEC0]  }
0x9d: {  	v0 =	vadd.f32 v1, v0  }
0x9e: {  	v1 =	vld [tilespmem:s19+$0xFFFFFF40]  }
0x9f: {  	v0 =	vadd.f32 v2, v0  }
0xa0: {  	v2 =	vld [tilespmem:s19+$0xFFFFFFC0]  }
0xa1: {  	v0 =	vadd.f32 v3, v0  }
0xa2: {  	v3 =	vld [tilespmem:s19+$0x40]  }
0xa3: {  	v0 =	vadd.f32 v1, v0  }
0xa4: {  	v1 =	vld [tilespmem:s19+$0xC0]  }
0xa5: {  	v0 =	vadd.f32 v2, v0  }
0xa6: {  	v2 =	vld [tilespmem:s19+$0x140]  }
0xa7: {  	v0 =	vadd.f32 v3, v0  }
0xa8: {  	v3 =	vld [tilespmem:s19+$0x1C0]  }
0xa9: {  	v0 =	vadd.f32 v1, v0  }
0xaa: {  	v1 =	vld [tilespmem:s19+$0x240]  }
0xab: {  	v0 =	vadd.f32 v2, v0;
	_ =	sdelay $0x1  }
0xac: {  	v0 =	vadd.f32 v3, v0;
	_ =	sdelay $0x1  }
0xad: {  	v0 =	vadd.f32 v1, v0;
	_ =	sdelay $0x1  }
0xae: {  	v0 =	vmax.f32 v0, $0.0e+00  }
0xaf: {  	[tilespmem:s18+$0x1A540] =	vst v0;
	v0 =	vld [tilespmem:s18+$0x4550]  }
0xb0: {  	v1 =	vld [tilespmem:s19+$0xFFFFFDD0];
	_ =	sdelay $0x1  }
0xb1: {  	v2 =	vld [tilespmem:s19+$0xFFFFFE50];
	_ =	sdelay $0x1  }
0xb2: {  	v3 =	vld [tilespmem:s19+$0xFFFFFED0]  }
0xb3: {  	v0 =	vadd.f32 v1, v0  }
0xb4: {  	v1 =	vld [tilespmem:s19+$0xFFFFFF50]  }
0xb5: {  	v0 =	vadd.f32 v2, v0  }
0xb6: {  	v2 =	vld [tilespmem:s19+$0xFFFFFFD0]  }
0xb7: {  	v0 =	vadd.f32 v3, v0  }
0xb8: {  	v3 =	vld [tilespmem:s19+$0x50]  }
0xb9: {  	v0 =	vadd.f32 v1, v0  }
0xba: {  	v1 =	vld [tilespmem:s19+$0xD0]  }
0xbb: {  	v0 =	vadd.f32 v2, v0  }
0xbc: {  	v2 =	vld [tilespmem:s19+$0x150]  }
0xbd: {  	v0 =	vadd.f32 v3, v0  }
0xbe: {  	v3 =	vld [tilespmem:s19+$0x1D0]  }
0xbf: {  	v0 =	vadd.f32 v1, v0  }
0xc0: {  	v1 =	vld [tilespmem:s19+$0x250]  }
0xc1: {  	v0 =	vadd.f32 v2, v0;
	_ =	sdelay $0x1  }
0xc2: {  	v0 =	vadd.f32 v3, v0;
	_ =	sdelay $0x1  }
0xc3: {  	v0 =	vadd.f32 v1, v0;
	_ =	sdelay $0x1  }
0xc4: {  	v0 =	vmax.f32 v0, $0.0e+00  }
0xc5: {  	[tilespmem:s18+$0x1A550] =	vst v0;
	v0 =	vld [tilespmem:s18+$0x4560]  }
0xc6: {  	v1 =	vld [tilespmem:s19+$0xFFFFFDE0];
	_ =	sdelay $0x1  }
0xc7: {  	v2 =	vld [tilespmem:s19+$0xFFFFFE60];
	_ =	sdelay $0x1  }
0xc8: {  	v3 =	vld [tilespmem:s19+$0xFFFFFEE0]  }
0xc9: {  	v0 =	vadd.f32 v1, v0  }
0xca: {  	v1 =	vld [tilespmem:s19+$0xFFFFFF60]  }
0xcb: {  	v0 =	vadd.f32 v2, v0  }
0xcc: {  	v2 =	vld [tilespmem:s19+$0xFFFFFFE0]  }
0xcd: {  	v0 =	vadd.f32 v3, v0  }
0xce: {  	v3 =	vld [tilespmem:s19+$0x60]  }
0xcf: {  	v0 =	vadd.f32 v1, v0  }
0xd0: {  	v1 =	vld [tilespmem:s19+$0xE0]  }
0xd1: {  	v0 =	vadd.f32 v2, v0  }
0xd2: {  	v2 =	vld [tilespmem:s19+$0x160]  }
0xd3: {  	v0 =	vadd.f32 v3, v0  }
0xd4: {  	v3 =	vld [tilespmem:s19+$0x1E0]  }
0xd5: {  	v0 =	vadd.f32 v1, v0  }
0xd6: {  	v1 =	vld [tilespmem:s19+$0x260]  }
0xd7: {  	v0 =	vadd.f32 v2, v0;
	_ =	sdelay $0x1  }
0xd8: {  	v0 =	vadd.f32 v3, v0;
	_ =	sdelay $0x1  }
0xd9: {  	v0 =	vadd.f32 v1, v0;
	_ =	sdelay $0x1  }
0xda: {  	v0 =	vmax.f32 v0, $0.0e+00  }
0xdb: {  	[tilespmem:s18+$0x1A560] =	vst v0;
	v0 =	vld [tilespmem:s18+$0x4570]  }
0xdc: {  	v1 =	vld [tilespmem:s19+$0xFFFFFDF0];
	_ =	sdelay $0x1  }
0xdd: {  	v2 =	vld [tilespmem:s19+$0xFFFFFE70];
	_ =	sdelay $0x1  }
0xde: {  	v3 =	vld [tilespmem:s19+$0xFFFFFEF0]  }
0xdf: {  	v0 =	vadd.f32 v1, v0  }
0xe0: {  	v1 =	vld [tilespmem:s19+$0xFFFFFF70]  }
0xe1: {  	v0 =	vadd.f32 v2, v0  }
0xe2: {  	v2 =	vld [tilespmem:s19+$0xFFFFFFF0]  }
0xe3: {  	v0 =	vadd.f32 v3, v0  }
0xe4: {  	v3 =	vld [tilespmem:s19+$0x70]  }
0xe5: {  	v0 =	vadd.f32 v1, v0  }
0xe6: {  	v1 =	vld [tilespmem:s19+$0xF0]  }
0xe7: {  	v0 =	vadd.f32 v2, v0  }
0xe8: {  	v2 =	vld [tilespmem:s19+$0x170]  }
0xe9: {  	v0 =	vadd.f32 v3, v0  }
0xea: {  	v3 =	vld [tilespmem:s19+$0x1F0]  }
0xeb: {  	v0 =	vadd.f32 v1, v0  }
0xec: {  	v1 =	vld [tilespmem:s19+$0x270]  }
0xed: {  	v0 =	vadd.f32 v2, v0;
	_ =	sdelay $0x1  }
0xee: {  	v0 =	vadd.f32 v3, v0;
	_ =	sdelay $0x1  }
0xef: {  	s20 =	simm.s32 $0x200;
	s21 =	simm.s32 $0x400;
	v0 =	vadd.f32 v1, v0  }
.LBB2_3:
0xf0: {  	s6 =	sshra.s32 s20, $0x2  }
0xf1: {  	s19 =	sadd.s32 $0x500, s19;
	s20 =	smov.u32 s21;
	s11 =	sadd.s32 $0x200, s21;
	v0 =	vmax.f32 v0, $0.0e+00  }
0xf2: {  	p0 =	sne.s32 s21, $0x3E00;
	v1 =	vld [tilespmem:s6+$0x4500];
	[tilespmem:s18+$0x1A570] =	vst v0;
	s18 =	smov.u32 s6  }
0xf3: {  	v0 =	vld [tilespmem:s19+$0xFFFFFD80]  }
0xf4: {  	v2 =	vld [tilespmem:s19+$0xFFFFFE00];
	_ =	sdelay $0x1  }
0xf5: {  	v3 =	vld [tilespmem:s19+$0xFFFFFE80];
	_ =	sdelay $0x1  }
0xf6: {  	v0 =	vadd.f32 v0, v1;
	v1 =	vld [tilespmem:s19+$0xFFFFFF00];
	_ =	sdelay $0x1  }
0xf7: {  	v0 =	vadd.f32 v2, v0;
	v2 =	vld [tilespmem:s19+$0xFFFFFF80];
	_ =	sdelay $0x1  }
0xf8: {  	v0 =	vadd.f32 v3, v0;
	v3 =	vld [tilespmem:s19+$0x0];
	_ =	sdelay $0x1  }
0xf9: {  	v0 =	vadd.f32 v1, v0;
	v1 =	vld [tilespmem:s19+$0x80];
	_ =	sdelay $0x1  }
0xfa: {  	v0 =	vadd.f32 v2, v0;
	v2 =	vld [tilespmem:s19+$0x100];
	_ =	sdelay $0x1  }
0xfb: {  	v0 =	vadd.f32 v3, v0;
	v3 =	vld [tilespmem:s19+$0x180];
	_ =	sdelay $0x1  }
0xfc: {  	v0 =	vadd.f32 v1, v0;
	v1 =	vld [tilespmem:s19+$0x200];
	_ =	sdelay $0x1  }
0xfd: {  	v0 =	vadd.f32 v2, v0;
	_ =	sdelay $0x1  }
0xfe: {  	v0 =	vadd.f32 v3, v0;
	_ =	sdelay $0x1  }
0xff: {  	v0 =	vadd.f32 v1, v0;
	_ =	sdelay $0x1  }
0x100: {  	v0 =	vmax.f32 v0, $0.0e+00  }
0x101: {  	[tilespmem:s18+$0x1A500] =	vst v0;
	v0 =	vld [tilespmem:s18+$0x4510]  }
0x102: {  	v1 =	vld [tilespmem:s19+$0xFFFFFD90]  }
0x103: {  	v2 =	vld [tilespmem:s19+$0xFFFFFE10];
	_ =	sdelay $0x1  }
0x104: {  	v3 =	vld [tilespmem:s19+$0xFFFFFE90];
	_ =	sdelay $0x1  }
0x105: {  	v0 =	vadd.f32 v1, v0;
	v1 =	vld [tilespmem:s19+$0xFFFFFF10];
	_ =	sdelay $0x1  }
0x106: {  	v0 =	vadd.f32 v2, v0;
	v2 =	vld [tilespmem:s19+$0xFFFFFF90];
	_ =	sdelay $0x1  }
0x107: {  	v0 =	vadd.f32 v3, v0;
	v3 =	vld [tilespmem:s19+$0x10];
	_ =	sdelay $0x1  }
0x108: {  	v0 =	vadd.f32 v1, v0;
	v1 =	vld [tilespmem:s19+$0x90];
	_ =	sdelay $0x1  }
0x109: {  	v0 =	vadd.f32 v2, v0;
	v2 =	vld [tilespmem:s19+$0x110];
	_ =	sdelay $0x1  }
0x10a: {  	v0 =	vadd.f32 v3, v0;
	v3 =	vld [tilespmem:s19+$0x190];
	_ =	sdelay $0x1  }
0x10b: {  	v0 =	vadd.f32 v1, v0;
	v1 =	vld [tilespmem:s19+$0x210];
	_ =	sdelay $0x1  }
0x10c: {  	v0 =	vadd.f32 v2, v0;
	_ =	sdelay $0x1  }
0x10d: {  	v0 =	vadd.f32 v3, v0;
	_ =	sdelay $0x1  }
0x10e: {  	v0 =	vadd.f32 v1, v0;
	_ =	sdelay $0x1  }
0x10f: {  	v0 =	vmax.f32 v0, $0.0e+00  }
0x110: {  	[tilespmem:s18+$0x1A510] =	vst v0;
	v0 =	vld [tilespmem:s18+$0x4520]  }
0x111: {  	v1 =	vld [tilespmem:s19+$0xFFFFFDA0]  }
0x112: {  	v2 =	vld [tilespmem:s19+$0xFFFFFE20];
	_ =	sdelay $0x1  }
0x113: {  	v3 =	vld [tilespmem:s19+$0xFFFFFEA0];
	_ =	sdelay $0x1  }
0x114: {  	v0 =	vadd.f32 v1, v0;
	v1 =	vld [tilespmem:s19+$0xFFFFFF20];
	_ =	sdelay $0x1  }
0x115: {  	v0 =	vadd.f32 v2, v0;
	v2 =	vld [tilespmem:s19+$0xFFFFFFA0];
	_ =	sdelay $0x1  }
0x116: {  	v0 =	vadd.f32 v3, v0;
	v3 =	vld [tilespmem:s19+$0x20];
	_ =	sdelay $0x1  }
0x117: {  	v0 =	vadd.f32 v1, v0;
	v1 =	vld [tilespmem:s19+$0xA0];
	_ =	sdelay $0x1  }
0x118: {  	v0 =	vadd.f32 v2, v0;
	v2 =	vld [tilespmem:s19+$0x120];
	_ =	sdelay $0x1  }
0x119: {  	v0 =	vadd.f32 v3, v0;
	v3 =	vld [tilespmem:s19+$0x1A0];
	_ =	sdelay $0x1  }
0x11a: {  	v0 =	vadd.f32 v1, v0;
	v1 =	vld [tilespmem:s19+$0x220];
	_ =	sdelay $0x1  }
0x11b: {  	v0 =	vadd.f32 v2, v0;
	_ =	sdelay $0x1  }
0x11c: {  	v0 =	vadd.f32 v3, v0;
	_ =	sdelay $0x1  }
0x11d: {  	v0 =	vadd.f32 v1, v0;
	_ =	sdelay $0x1  }
0x11e: {  	v0 =	vmax.f32 v0, $0.0e+00  }
0x11f: {  	[tilespmem:s18+$0x1A520] =	vst v0;
	v0 =	vld [tilespmem:s18+$0x4530]  }
0x120: {  	v1 =	vld [tilespmem:s19+$0xFFFFFDB0]  }
0x121: {  	v2 =	vld [tilespmem:s19+$0xFFFFFE30];
	_ =	sdelay $0x1  }
0x122: {  	v3 =	vld [tilespmem:s19+$0xFFFFFEB0];
	_ =	sdelay $0x1  }
0x123: {  	v0 =	vadd.f32 v1, v0;
	v1 =	vld [tilespmem:s19+$0xFFFFFF30];
	_ =	sdelay $0x1  }
0x124: {  	v0 =	vadd.f32 v2, v0;
	v2 =	vld [tilespmem:s19+$0xFFFFFFB0];
	_ =	sdelay $0x1  }
0x125: {  	v0 =	vadd.f32 v3, v0;
	v3 =	vld [tilespmem:s19+$0x30];
	_ =	sdelay $0x1  }
0x126: {  	v0 =	vadd.f32 v1, v0;
	v1 =	vld [tilespmem:s19+$0xB0];
	_ =	sdelay $0x1  }
0x127: {  	v0 =	vadd.f32 v2, v0;
	v2 =	vld [tilespmem:s19+$0x130];
	_ =	sdelay $0x1  }
0x128: {  	v0 =	vadd.f32 v3, v0;
	v3 =	vld [tilespmem:s19+$0x1B0];
	_ =	sdelay $0x1  }
0x129: {  	v0 =	vadd.f32 v1, v0;
	v1 =	vld [tilespmem:s19+$0x230];
	_ =	sdelay $0x1  }
0x12a: {  	v0 =	vadd.f32 v2, v0;
	_ =	sdelay $0x1  }
0x12b: {  	v0 =	vadd.f32 v3, v0;
	_ =	sdelay $0x1  }
0x12c: {  	v0 =	vadd.f32 v1, v0;
	_ =	sdelay $0x1  }
0x12d: {  	v0 =	vmax.f32 v0, $0.0e+00  }
0x12e: {  	[tilespmem:s18+$0x1A530] =	vst v0;
	v0 =	vld [tilespmem:s18+$0x4540]  }
0x12f: {  	v1 =	vld [tilespmem:s19+$0xFFFFFDC0]  }
0x130: {  	v2 =	vld [tilespmem:s19+$0xFFFFFE40];
	_ =	sdelay $0x1  }
0x131: {  	v3 =	vld [tilespmem:s19+$0xFFFFFEC0];
	_ =	sdelay $0x1  }
0x132: {  	v0 =	vadd.f32 v1, v0;
	v1 =	vld [tilespmem:s19+$0xFFFFFF40];
	_ =	sdelay $0x1  }
0x133: {  	v0 =	vadd.f32 v2, v0;
	v2 =	vld [tilespmem:s19+$0xFFFFFFC0];
	_ =	sdelay $0x1  }
0x134: {  	v0 =	vadd.f32 v3, v0;
	v3 =	vld [tilespmem:s19+$0x40];
	_ =	sdelay $0x1  }
0x135: {  	v0 =	vadd.f32 v1, v0;
	v1 =	vld [tilespmem:s19+$0xC0];
	_ =	sdelay $0x1  }
0x136: {  	v0 =	vadd.f32 v2, v0;
	v2 =	vld [tilespmem:s19+$0x140];
	_ =	sdelay $0x1  }
0x137: {  	v0 =	vadd.f32 v3, v0;
	v3 =	vld [tilespmem:s19+$0x1C0];
	_ =	sdelay $0x1  }
0x138: {  	v0 =	vadd.f32 v1, v0;
	v1 =	vld [tilespmem:s19+$0x240];
	_ =	sdelay $0x1  }
0x139: {  	v0 =	vadd.f32 v2, v0;
	_ =	sdelay $0x1  }
0x13a: {  	v0 =	vadd.f32 v3, v0;
	_ =	sdelay $0x1  }
0x13b: {  	v0 =	vadd.f32 v1, v0;
	_ =	sdelay $0x1  }
0x13c: {  	v0 =	vmax.f32 v0, $0.0e+00  }
0x13d: {  	[tilespmem:s18+$0x1A540] =	vst v0;
	v0 =	vld [tilespmem:s18+$0x4550]  }
0x13e: {  	v1 =	vld [tilespmem:s19+$0xFFFFFDD0]  }
0x13f: {  	v2 =	vld [tilespmem:s19+$0xFFFFFE50]  }
0x140: {  	v3 =	vld [tilespmem:s19+$0xFFFFFED0]  }
0x141: {  	v4 =	vld [tilespmem:s19+$0xFFFFFF50]  }
0x142: {  	v5 =	vld [tilespmem:s19+$0xFFFFFFD0]  }
0x143: {  	v0 =	vadd.f32 v1, v0;
	v1 =	vld [tilespmem:s19+$0x50]  }
0x144: {  	v6 =	vld [tilespmem:s19+$0xD0]  }
0x145: {  	v0 =	vadd.f32 v2, v0;
	v2 =	vld [tilespmem:s19+$0x150]  }
0x146: {  	v7 =	vld [tilespmem:s19+$0x1D0]  }
0x147: {  	v0 =	vadd.f32 v3, v0;
	v3 =	vld [tilespmem:s19+$0x250];
	_ =	sdelay $0x1  }
0x148: {  	v0 =	vadd.f32 v4, v0;
	_ =	sdelay $0x1  }
0x149: {  	v0 =	vadd.f32 v5, v0;
	_ =	sdelay $0x1  }
0x14a: {  	v0 =	vadd.f32 v1, v0;
	_ =	sdelay $0x1  }
0x14b: {  	v0 =	vadd.f32 v6, v0;
	_ =	sdelay $0x1  }
0x14c: {  	v0 =	vadd.f32 v2, v0;
	_ =	sdelay $0x1  }
0x14d: {  	v0 =	vadd.f32 v7, v0;
	_ =	sdelay $0x1  }
0x14e: {  	v0 =	vadd.f32 v3, v0;
	_ =	sdelay $0x1  }
0x14f: {  	v0 =	vmax.f32 v0, $0.0e+00  }
0x150: {  	[tilespmem:s18+$0x1A550] =	vst v0;
	v0 =	vld [tilespmem:s18+$0x4560]  }
0x151: {  	v1 =	vld [tilespmem:s19+$0xFFFFFDE0]  }
0x152: {  	v2 =	vld [tilespmem:s19+$0xFFFFFE60]  }
0x153: {  	v3 =	vld [tilespmem:s19+$0xFFFFFEE0]  }
0x154: {  	v4 =	vld [tilespmem:s19+$0xFFFFFF60]  }
0x155: {  	v5 =	vld [tilespmem:s19+$0xFFFFFFE0]  }
0x156: {  	v0 =	vadd.f32 v1, v0;
	v1 =	vld [tilespmem:s19+$0x60]  }
0x157: {  	v6 =	vld [tilespmem:s19+$0xE0]  }
0x158: {  	v0 =	vadd.f32 v2, v0;
	v2 =	vld [tilespmem:s19+$0x160]  }
0x159: {  	v7 =	vld [tilespmem:s19+$0x1E0]  }
0x15a: {  	v0 =	vadd.f32 v3, v0;
	v3 =	vld [tilespmem:s19+$0x260];
	_ =	sdelay $0x1  }
0x15b: {  	v0 =	vadd.f32 v4, v0;
	_ =	sdelay $0x1  }
0x15c: {  	v0 =	vadd.f32 v5, v0;
	_ =	sdelay $0x1  }
0x15d: {  	v0 =	vadd.f32 v1, v0;
	_ =	sdelay $0x1  }
0x15e: {  	v0 =	vadd.f32 v6, v0;
	_ =	sdelay $0x1  }
0x15f: {  	v0 =	vadd.f32 v2, v0;
	_ =	sdelay $0x1  }
0x160: {  	v0 =	vadd.f32 v7, v0;
	_ =	sdelay $0x1  }
0x161: {  	v0 =	vadd.f32 v3, v0;
	_ =	sdelay $0x1  }
0x162: {  	v0 =	vmax.f32 v0, $0.0e+00  }
0x163: {  	[tilespmem:s18+$0x1A560] =	vst v0;
	v0 =	vld [tilespmem:s18+$0x4570]  }
0x164: {  	v1 =	vld [tilespmem:s19+$0xFFFFFDF0]  }
0x165: {  	v2 =	vld [tilespmem:s19+$0xFFFFFE70]  }
0x166: {  	v3 =	vld [tilespmem:s19+$0xFFFFFEF0]  }
0x167: {  	v4 =	vld [tilespmem:s19+$0xFFFFFF70]  }
0x168: {  	v5 =	vld [tilespmem:s19+$0xFFFFFFF0]  }
0x169: {  	v0 =	vadd.f32 v1, v0;
	v1 =	vld [tilespmem:s19+$0x70]  }
0x16a: {  	v6 =	vld [tilespmem:s19+$0xF0]  }
0x16b: {  	v0 =	vadd.f32 v2, v0;
	v2 =	vld [tilespmem:s19+$0x170]  }
0x16c: {  	v7 =	vld [tilespmem:s19+$0x1F0]  }
0x16d: {  	v0 =	vadd.f32 v3, v0;
	v3 =	vld [tilespmem:s19+$0x270];
	_ =	sdelay $0x1  }
0x16e: {  	v0 =	vadd.f32 v4, v0;
	_ =	sdelay $0x1  }
0x16f: {  	v0 =	vadd.f32 v5, v0;
	_ =	sdelay $0x1  }
0x170: {  	v0 =	vadd.f32 v1, v0;
	_ =	sdelay $0x1  }
0x171: {  	v0 =	vadd.f32 v6, v0;
	_ =	sdelay $0x1  }
.Ltmp0:
0x172: {  	v0 =	vadd.f32 v2, v0;
	(pc) =	sbr.rel @p0 .LBB2_3-.Ltmp0, $3  }
0x173: {  	_ = 	snop  }
0x174: {  	v0 =	vadd.f32 v7, v0;
	_ =	sdelay $0x1  }
0x175: {  	s21 =	smov.u32 s11;
	v0 =	vadd.f32 v3, v0  }
0x176: {  	_ = 	snop  }
0x177: {  	s20 =	sshra.s32 s20, $0x2;
	v0 =	vmax.f32 v0, $0.0e+00  }
0x178: {  	s19 =	sadd.s32 $0x500, s19;
	v1 =	vld [tilespmem:s20+$0x4500];
	[tilespmem:s18+$0x1A570] =	vst v0  }
0x179: {  	v0 =	vld [tilespmem:s19+$0xFFFFFD80];
	_ =	sdelay $0x1  }
0x17a: {  	v2 =	vld [tilespmem:s19+$0xFFFFFE00];
	_ =	sdelay $0x1  }
0x17b: {  	v3 =	vld [tilespmem:s19+$0xFFFFFE80]  }
0x17c: {  	v0 =	vadd.f32 v0, v1  }
0x17d: {  	v1 =	vld [tilespmem:s19+$0xFFFFFF00]  }
0x17e: {  	v0 =	vadd.f32 v2, v0  }
0x17f: {  	v2 =	vld [tilespmem:s19+$0xFFFFFF80]  }
0x180: {  	v0 =	vadd.f32 v3, v0  }
0x181: {  	v3 =	vld [tilespmem:s19+$0x0]  }
0x182: {  	v0 =	vadd.f32 v1, v0  }
0x183: {  	v1 =	vld [tilespmem:s19+$0x80]  }
0x184: {  	v0 =	vadd.f32 v2, v0  }
0x185: {  	v2 =	vld [tilespmem:s19+$0x100]  }
0x186: {  	v0 =	vadd.f32 v3, v0  }
0x187: {  	v3 =	vld [tilespmem:s19+$0x180]  }
0x188: {  	v0 =	vadd.f32 v1, v0  }
0x189: {  	v1 =	vld [tilespmem:s19+$0x200]  }
0x18a: {  	v0 =	vadd.f32 v2, v0;
	_ =	sdelay $0x1  }
0x18b: {  	v0 =	vadd.f32 v3, v0;
	_ =	sdelay $0x1  }
0x18c: {  	v0 =	vadd.f32 v1, v0;
	_ =	sdelay $0x1  }
0x18d: {  	v0 =	vmax.f32 v0, $0.0e+00  }
0x18e: {  	[tilespmem:s20+$0x1A500] =	vst v0;
	v0 =	vld [tilespmem:s20+$0x4510]  }
0x18f: {  	v1 =	vld [tilespmem:s19+$0xFFFFFD90];
	_ =	sdelay $0x1  }
0x190: {  	v2 =	vld [tilespmem:s19+$0xFFFFFE10];
	_ =	sdelay $0x1  }
0x191: {  	v3 =	vld [tilespmem:s19+$0xFFFFFE90]  }
0x192: {  	v0 =	vadd.f32 v1, v0  }
0x193: {  	v1 =	vld [tilespmem:s19+$0xFFFFFF10]  }
0x194: {  	v0 =	vadd.f32 v2, v0  }
0x195: {  	v2 =	vld [tilespmem:s19+$0xFFFFFF90]  }
0x196: {  	v0 =	vadd.f32 v3, v0  }
0x197: {  	v3 =	vld [tilespmem:s19+$0x10]  }
0x198: {  	v0 =	vadd.f32 v1, v0  }
0x199: {  	v1 =	vld [tilespmem:s19+$0x90]  }
0x19a: {  	v0 =	vadd.f32 v2, v0  }
0x19b: {  	v2 =	vld [tilespmem:s19+$0x110]  }
0x19c: {  	v0 =	vadd.f32 v3, v0  }
0x19d: {  	v3 =	vld [tilespmem:s19+$0x190]  }
0x19e: {  	v0 =	vadd.f32 v1, v0  }
0x19f: {  	v1 =	vld [tilespmem:s19+$0x210]  }
0x1a0: {  	v0 =	vadd.f32 v2, v0;
	_ =	sdelay $0x1  }
0x1a1: {  	v0 =	vadd.f32 v3, v0;
	_ =	sdelay $0x1  }
0x1a2: {  	v0 =	vadd.f32 v1, v0;
	_ =	sdelay $0x1  }
0x1a3: {  	v0 =	vmax.f32 v0, $0.0e+00  }
0x1a4: {  	[tilespmem:s20+$0x1A510] =	vst v0;
	v0 =	vld [tilespmem:s20+$0x4520]  }
0x1a5: {  	v1 =	vld [tilespmem:s19+$0xFFFFFDA0];
	_ =	sdelay $0x1  }
0x1a6: {  	v2 =	vld [tilespmem:s19+$0xFFFFFE20];
	_ =	sdelay $0x1  }
0x1a7: {  	v3 =	vld [tilespmem:s19+$0xFFFFFEA0]  }
0x1a8: {  	v0 =	vadd.f32 v1, v0  }
0x1a9: {  	v1 =	vld [tilespmem:s19+$0xFFFFFF20]  }
0x1aa: {  	v0 =	vadd.f32 v2, v0  }
0x1ab: {  	v2 =	vld [tilespmem:s19+$0xFFFFFFA0]  }
0x1ac: {  	v0 =	vadd.f32 v3, v0  }
0x1ad: {  	v3 =	vld [tilespmem:s19+$0x20]  }
0x1ae: {  	v0 =	vadd.f32 v1, v0  }
0x1af: {  	v1 =	vld [tilespmem:s19+$0xA0]  }
0x1b0: {  	v0 =	vadd.f32 v2, v0  }
0x1b1: {  	v2 =	vld [tilespmem:s19+$0x120]  }
0x1b2: {  	v0 =	vadd.f32 v3, v0  }
0x1b3: {  	v3 =	vld [tilespmem:s19+$0x1A0]  }
0x1b4: {  	v0 =	vadd.f32 v1, v0  }
0x1b5: {  	v1 =	vld [tilespmem:s19+$0x220]  }
0x1b6: {  	v0 =	vadd.f32 v2, v0;
	_ =	sdelay $0x1  }
0x1b7: {  	v0 =	vadd.f32 v3, v0;
	_ =	sdelay $0x1  }
0x1b8: {  	v0 =	vadd.f32 v1, v0;
	_ =	sdelay $0x1  }
0x1b9: {  	v0 =	vmax.f32 v0, $0.0e+00  }
0x1ba: {  	[tilespmem:s20+$0x1A520] =	vst v0;
	v0 =	vld [tilespmem:s20+$0x4530]  }
0x1bb: {  	v1 =	vld [tilespmem:s19+$0xFFFFFDB0];
	_ =	sdelay $0x1  }
0x1bc: {  	v2 =	vld [tilespmem:s19+$0xFFFFFE30];
	_ =	sdelay $0x1  }
0x1bd: {  	v3 =	vld [tilespmem:s19+$0xFFFFFEB0]  }
0x1be: {  	v0 =	vadd.f32 v1, v0  }
0x1bf: {  	v1 =	vld [tilespmem:s19+$0xFFFFFF30]  }
0x1c0: {  	v0 =	vadd.f32 v2, v0  }
0x1c1: {  	v2 =	vld [tilespmem:s19+$0xFFFFFFB0]  }
0x1c2: {  	v0 =	vadd.f32 v3, v0  }
0x1c3: {  	v3 =	vld [tilespmem:s19+$0x30]  }
0x1c4: {  	v0 =	vadd.f32 v1, v0  }
0x1c5: {  	v1 =	vld [tilespmem:s19+$0xB0]  }
0x1c6: {  	v0 =	vadd.f32 v2, v0  }
0x1c7: {  	v2 =	vld [tilespmem:s19+$0x130]  }
0x1c8: {  	v0 =	vadd.f32 v3, v0  }
0x1c9: {  	v3 =	vld [tilespmem:s19+$0x1B0]  }
0x1ca: {  	v0 =	vadd.f32 v1, v0  }
0x1cb: {  	v1 =	vld [tilespmem:s19+$0x230]  }
0x1cc: {  	v0 =	vadd.f32 v2, v0;
	_ =	sdelay $0x1  }
0x1cd: {  	v0 =	vadd.f32 v3, v0;
	_ =	sdelay $0x1  }
0x1ce: {  	v0 =	vadd.f32 v1, v0;
	_ =	sdelay $0x1  }
0x1cf: {  	v0 =	vmax.f32 v0, $0.0e+00  }
0x1d0: {  	[tilespmem:s20+$0x1A530] =	vst v0;
	v0 =	vld [tilespmem:s20+$0x4540]  }
0x1d1: {  	v1 =	vld [tilespmem:s19+$0xFFFFFDC0];
	_ =	sdelay $0x1  }
0x1d2: {  	v2 =	vld [tilespmem:s19+$0xFFFFFE40];
	_ =	sdelay $0x1  }
0x1d3: {  	v3 =	vld [tilespmem:s19+$0xFFFFFEC0]  }
0x1d4: {  	v0 =	vadd.f32 v1, v0  }
0x1d5: {  	v1 =	vld [tilespmem:s19+$0xFFFFFF40]  }
0x1d6: {  	v0 =	vadd.f32 v2, v0  }
0x1d7: {  	v2 =	vld [tilespmem:s19+$0xFFFFFFC0]  }
0x1d8: {  	v0 =	vadd.f32 v3, v0  }
0x1d9: {  	v3 =	vld [tilespmem:s19+$0x40]  }
0x1da: {  	v0 =	vadd.f32 v1, v0  }
0x1db: {  	v1 =	vld [tilespmem:s19+$0xC0]  }
0x1dc: {  	v0 =	vadd.f32 v2, v0  }
0x1dd: {  	v2 =	vld [tilespmem:s19+$0x140]  }
0x1de: {  	v0 =	vadd.f32 v3, v0  }
0x1df: {  	v3 =	vld [tilespmem:s19+$0x1C0]  }
0x1e0: {  	v0 =	vadd.f32 v1, v0  }
0x1e1: {  	v1 =	vld [tilespmem:s19+$0x240]  }
0x1e2: {  	v0 =	vadd.f32 v2, v0;
	_ =	sdelay $0x1  }
0x1e3: {  	v0 =	vadd.f32 v3, v0;
	_ =	sdelay $0x1  }
0x1e4: {  	v0 =	vadd.f32 v1, v0;
	_ =	sdelay $0x1  }
0x1e5: {  	v0 =	vmax.f32 v0, $0.0e+00  }
0x1e6: {  	[tilespmem:s20+$0x1A540] =	vst v0;
	v0 =	vld [tilespmem:s20+$0x4550]  }
0x1e7: {  	v1 =	vld [tilespmem:s19+$0xFFFFFDD0];
	_ =	sdelay $0x1  }
0x1e8: {  	v2 =	vld [tilespmem:s19+$0xFFFFFE50];
	_ =	sdelay $0x1  }
0x1e9: {  	v3 =	vld [tilespmem:s19+$0xFFFFFED0]  }
0x1ea: {  	v0 =	vadd.f32 v1, v0  }
0x1eb: {  	v1 =	vld [tilespmem:s19+$0xFFFFFF50]  }
0x1ec: {  	v0 =	vadd.f32 v2, v0  }
0x1ed: {  	v2 =	vld [tilespmem:s19+$0xFFFFFFD0]  }
0x1ee: {  	v0 =	vadd.f32 v3, v0  }
0x1ef: {  	v3 =	vld [tilespmem:s19+$0x50]  }
0x1f0: {  	v0 =	vadd.f32 v1, v0  }
0x1f1: {  	v1 =	vld [tilespmem:s19+$0xD0]  }
0x1f2: {  	v0 =	vadd.f32 v2, v0  }
0x1f3: {  	v2 =	vld [tilespmem:s19+$0x150]  }
0x1f4: {  	v0 =	vadd.f32 v3, v0  }
0x1f5: {  	v3 =	vld [tilespmem:s19+$0x1D0]  }
0x1f6: {  	v0 =	vadd.f32 v1, v0  }
0x1f7: {  	v1 =	vld [tilespmem:s19+$0x250]  }
0x1f8: {  	v0 =	vadd.f32 v2, v0;
	_ =	sdelay $0x1  }
0x1f9: {  	v0 =	vadd.f32 v3, v0;
	_ =	sdelay $0x1  }
0x1fa: {  	v0 =	vadd.f32 v1, v0;
	_ =	sdelay $0x1  }
0x1fb: {  	v0 =	vmax.f32 v0, $0.0e+00  }
0x1fc: {  	[tilespmem:s20+$0x1A550] =	vst v0;
	v0 =	vld [tilespmem:s20+$0x4560]  }
0x1fd: {  	v1 =	vld [tilespmem:s19+$0xFFFFFDE0];
	_ =	sdelay $0x1  }
0x1fe: {  	v2 =	vld [tilespmem:s19+$0xFFFFFE60];
	_ =	sdelay $0x1  }
0x1ff: {  	v3 =	vld [tilespmem:s19+$0xFFFFFEE0]  }
0x200: {  	v0 =	vadd.f32 v1, v0  }
0x201: {  	v1 =	vld [tilespmem:s19+$0xFFFFFF60]  }
0x202: {  	v0 =	vadd.f32 v2, v0  }
0x203: {  	v2 =	vld [tilespmem:s19+$0xFFFFFFE0]  }
0x204: {  	v0 =	vadd.f32 v3, v0  }
0x205: {  	v3 =	vld [tilespmem:s19+$0x60]  }
0x206: {  	v0 =	vadd.f32 v1, v0  }
0x207: {  	v1 =	vld [tilespmem:s19+$0xE0]  }
0x208: {  	v0 =	vadd.f32 v2, v0  }
0x209: {  	v2 =	vld [tilespmem:s19+$0x160]  }
0x20a: {  	v0 =	vadd.f32 v3, v0  }
0x20b: {  	v3 =	vld [tilespmem:s19+$0x1E0]  }
0x20c: {  	v0 =	vadd.f32 v1, v0  }
0x20d: {  	v1 =	vld [tilespmem:s19+$0x260]  }
0x20e: {  	v0 =	vadd.f32 v2, v0;
	_ =	sdelay $0x1  }
0x20f: {  	v0 =	vadd.f32 v3, v0;
	_ =	sdelay $0x1  }
0x210: {  	v0 =	vadd.f32 v1, v0;
	_ =	sdelay $0x1  }
0x211: {  	v0 =	vmax.f32 v0, $0.0e+00  }
0x212: {  	[tilespmem:s20+$0x1A560] =	vst v0;
	v0 =	vld [tilespmem:s20+$0x4570]  }
0x213: {  	v1 =	vld [tilespmem:s19+$0xFFFFFDF0];
	_ =	sdelay $0x1  }
0x214: {  	v2 =	vld [tilespmem:s19+$0xFFFFFE70];
	_ =	sdelay $0x1  }
0x215: {  	v3 =	vld [tilespmem:s19+$0xFFFFFEF0]  }
0x216: {  	v0 =	vadd.f32 v1, v0  }
0x217: {  	v1 =	vld [tilespmem:s19+$0xFFFFFF70]  }
0x218: {  	v0 =	vadd.f32 v2, v0  }
0x219: {  	v2 =	vld [tilespmem:s19+$0xFFFFFFF0]  }
0x21a: {  	v0 =	vadd.f32 v3, v0  }
0x21b: {  	v3 =	vld [tilespmem:s19+$0x70]  }
0x21c: {  	v0 =	vadd.f32 v1, v0  }
0x21d: {  	v1 =	vld [tilespmem:s19+$0xF0]  }
0x21e: {  	v0 =	vadd.f32 v2, v0  }
0x21f: {  	v2 =	vld [tilespmem:s19+$0x170]  }
0x220: {  	v0 =	vadd.f32 v3, v0  }
0x221: {  	v3 =	vld [tilespmem:s19+$0x1F0]  }
0x222: {  	v0 =	vadd.f32 v1, v0  }
0x223: {  	v1 =	vld [tilespmem:s19+$0x270]  }
0x224: {  	v0 =	vadd.f32 v2, v0;
	_ =	sdelay $0x1  }
0x225: {  	v0 =	vadd.f32 v3, v0;
	_ =	sdelay $0x1  }
0x226: {  	s6 =	sshll.u32 s15, $0xD;
	v0 =	vadd.f32 v1, v0  }
0x227: {  	s6 =	sadd.s32 s8, s6  }
0x228: {  	s6 =	sshrl.u32 s6, $0x3;
	v0 =	vmax.f32 v0, $0.0e+00  }
0x229: {  	p0 =	seq.s32 s15, $0x18;
	s6 =	sadd.s32 s5, s6;
	[tilespmem:s20+$0x1A570] =	vst v0  }
0x22a: {  	[hbm4b:s6+s3] =	stream.linear.scatter [tilespmem:s29], [sflag:$0x3], $0x1000, $0x38;
	[tilespmem:$0x1C500] =	vst v63  }
0x22b: {  	s6 =	sadd.s32 @!p0 $0x2, s17  }
0x22c: {  	s18 =	simm.s32 @!p0 $0x4500;
	s11 =	sshll.u32 @!p0 s6, $0x5  }
0x22d: {  	s17 =	simm.s32 @!p0 $0x20;
	s6 =	smul.u32 @!p0 $0x500, s6;
	s11 =	sand.u32 @!p0 $0x3FFFFFE0, s11  }
0x22e: {  	[tilespmem:s18], [sflag:$0x1] =	stream.indirect.gather @!p0 [hbm4b:s4+s17], $0x80, s11, s17, $0xb8;
	[tilespmem:$0x1C500] =	vst v63  }
0x22f: {  	s6 =	sshra.s32 @!p0 s6, $0x2  }
0x230: {  	s17 =	simm.s32 @!p0 $0x50;
	s18 =	simm.s32 @!p0 $0x6500;
	s11 =	sadd.s32 @!p0 $0x680, s6  }
0x231: {  	[tilespmem:s18], [sflag:$0x1] =	stream.indirect.gather @!p0 [hbm4b:s4+s17], $0x80, s11, s17, $0xb8;
	[tilespmem:$0x1C500] =	vst v63  }
0x232: {  	s11 =	sadd.s32 @!p0 $0x6D0, s6;
	s18 =	simm.s32 @!p0 $0x8D00  }
0x233: {  	[tilespmem:s18], [sflag:$0x1] =	stream.indirect.gather @!p0 [hbm4b:s4+s17], $0x80, s11, s17, $0xb8;
	[tilespmem:$0x1C500] =	vst v63  }
0x234: {  	s11 =	sadd.s32 @!p0 $0x720, s6;
	s18 =	simm.s32 @!p0 $0xB500  }
0x235: {  	[tilespmem:s18], [sflag:$0x1] =	stream.indirect.gather @!p0 [hbm4b:s4+s17], $0x80, s11, s17, $0xb8;
	[tilespmem:$0x1C500] =	vst v63  }
0x236: {  	s6 =	sadd.s32 @!p0 $0x770, s6;
	s11 =	simm.s32 @!p0 $0xDD00  }
0x237: {  	[tilespmem:s11], [sflag:$0x1] =	stream.indirect.gather @!p0 [hbm4b:s4+s17], $0x80, s6, s17, $0xb8;
	[tilespmem:$0x1C500] =	vst v63  }
0x238: {  	_ =	swait.ge [sflag:s30], $0x1000  }
0x239: {  	[sflag:s30] =	ssyncset.done $0x0  }
0x23a: {  	[sflag:s30] =	ssyncadd.s32 $0xFFFFF000  }
0x23b: {  	_ =	swait.ge [sflag:s30], $0x2800  }
0x23c: {  	[sflag:s30] =	ssyncset.done $0x0  }
0x23d: {  	[sflag:s30] =	ssyncadd.s32 $0xFFFFD800  }
0x23e: {  	_ =	swait.ge [sflag:s30], $0x2800  }
0x23f: {  	[sflag:s30] =	ssyncset.done $0x0  }
0x240: {  	[sflag:s30] =	ssyncadd.s32 $0xFFFFD800  }
0x241: {  	_ =	swait.ge [sflag:s30], $0x2800  }
0x242: {  	[sflag:s30] =	ssyncset.done $0x0  }
0x243: {  	[sflag:s30] =	ssyncadd.s32 $0xFFFFD800  }
0x244: {  	_ =	swait.ge [sflag:s30], $0x2800  }
0x245: {  	[sflag:s30] =	ssyncset.done $0x0  }
0x246: {  	s17 =	simm.s32 $0x0;
	[sflag:s30] =	ssyncadd.s32 $0xFFFFD800  }
0x247: {  	s18 =	simm.s32 $0x10780;
	v0 =	vld [tilespmem:s17+$0x5500]  }
0x248: {  	v1 =	vld [tilespmem:s18+$0xFFFFFD80];
	_ =	sdelay $0x1  }
0x249: {  	v2 =	vld [tilespmem:s18+$0xFFFFFE00];
	_ =	sdelay $0x1  }
0x24a: {  	v3 =	vld [tilespmem:s18+$0xFFFFFE80]  }
0x24b: {  	v0 =	vadd.f32 v1, v0  }
0x24c: {  	v1 =	vld [tilespmem:s18+$0xFFFFFF00]  }
0x24d: {  	v0 =	vadd.f32 v2, v0  }
0x24e: {  	v2 =	vld [tilespmem:s18+$0xFFFFFF80]  }
0x24f: {  	v0 =	vadd.f32 v3, v0  }
0x250: {  	v3 =	vld [tilespmem:s18+$0x0]  }
0x251: {  	v0 =	vadd.f32 v1, v0  }
0x252: {  	v1 =	vld [tilespmem:s18+$0x80]  }
0x253: {  	v0 =	vadd.f32 v2, v0  }
0x254: {  	v2 =	vld [tilespmem:s18+$0x100]  }
0x255: {  	v0 =	vadd.f32 v3, v0  }
0x256: {  	v3 =	vld [tilespmem:s18+$0x180]  }
0x257: {  	v0 =	vadd.f32 v1, v0  }
0x258: {  	v1 =	vld [tilespmem:s18+$0x200]  }
0x259: {  	v0 =	vadd.f32 v2, v0;
	_ =	sdelay $0x1  }
0x25a: {  	v0 =	vadd.f32 v3, v0;
	_ =	sdelay $0x1  }
0x25b: {  	v0 =	vadd.f32 v1, v0;
	_ =	sdelay $0x1  }
0x25c: {  	v0 =	vmax.f32 v0, $0.0e+00  }
0x25d: {  	[tilespmem:s17+$0x1B500] =	vst v0;
	v0 =	vld [tilespmem:s17+$0x5510]  }
0x25e: {  	v1 =	vld [tilespmem:s18+$0xFFFFFD90];
	_ =	sdelay $0x1  }
0x25f: {  	v2 =	vld [tilespmem:s18+$0xFFFFFE10];
	_ =	sdelay $0x1  }
0x260: {  	v3 =	vld [tilespmem:s18+$0xFFFFFE90]  }
0x261: {  	v0 =	vadd.f32 v1, v0  }
0x262: {  	v1 =	vld [tilespmem:s18+$0xFFFFFF10]  }
0x263: {  	v0 =	vadd.f32 v2, v0  }
0x264: {  	v2 =	vld [tilespmem:s18+$0xFFFFFF90]  }
0x265: {  	v0 =	vadd.f32 v3, v0  }
0x266: {  	v3 =	vld [tilespmem:s18+$0x10]  }
0x267: {  	v0 =	vadd.f32 v1, v0  }
0x268: {  	v1 =	vld [tilespmem:s18+$0x90]  }
0x269: {  	v0 =	vadd.f32 v2, v0  }
0x26a: {  	v2 =	vld [tilespmem:s18+$0x110]  }
0x26b: {  	v0 =	vadd.f32 v3, v0  }
0x26c: {  	v3 =	vld [tilespmem:s18+$0x190]  }
0x26d: {  	v0 =	vadd.f32 v1, v0  }
0x26e: {  	v1 =	vld [tilespmem:s18+$0x210]  }
0x26f: {  	v0 =	vadd.f32 v2, v0;
	_ =	sdelay $0x1  }
0x270: {  	v0 =	vadd.f32 v3, v0;
	_ =	sdelay $0x1  }
0x271: {  	v0 =	vadd.f32 v1, v0;
	_ =	sdelay $0x1  }
0x272: {  	v0 =	vmax.f32 v0, $0.0e+00  }
0x273: {  	[tilespmem:s17+$0x1B510] =	vst v0;
	v0 =	vld [tilespmem:s17+$0x5520]  }
0x274: {  	v1 =	vld [tilespmem:s18+$0xFFFFFDA0];
	_ =	sdelay $0x1  }
0x275: {  	v2 =	vld [tilespmem:s18+$0xFFFFFE20];
	_ =	sdelay $0x1  }
0x276: {  	v3 =	vld [tilespmem:s18+$0xFFFFFEA0]  }
0x277: {  	v0 =	vadd.f32 v1, v0  }
0x278: {  	v1 =	vld [tilespmem:s18+$0xFFFFFF20]  }
0x279: {  	v0 =	vadd.f32 v2, v0  }
0x27a: {  	v2 =	vld [tilespmem:s18+$0xFFFFFFA0]  }
0x27b: {  	v0 =	vadd.f32 v3, v0  }
0x27c: {  	v3 =	vld [tilespmem:s18+$0x20]  }
0x27d: {  	v0 =	vadd.f32 v1, v0  }
0x27e: {  	v1 =	vld [tilespmem:s18+$0xA0]  }
0x27f: {  	v0 =	vadd.f32 v2, v0  }
0x280: {  	v2 =	vld [tilespmem:s18+$0x120]  }
0x281: {  	v0 =	vadd.f32 v3, v0  }
0x282: {  	v3 =	vld [tilespmem:s18+$0x1A0]  }
0x283: {  	v0 =	vadd.f32 v1, v0  }
0x284: {  	v1 =	vld [tilespmem:s18+$0x220]  }
0x285: {  	v0 =	vadd.f32 v2, v0;
	_ =	sdelay $0x1  }
0x286: {  	v0 =	vadd.f32 v3, v0;
	_ =	sdelay $0x1  }
0x287: {  	v0 =	vadd.f32 v1, v0;
	_ =	sdelay $0x1  }
0x288: {  	v0 =	vmax.f32 v0, $0.0e+00  }
0x289: {  	[tilespmem:s17+$0x1B520] =	vst v0;
	v0 =	vld [tilespmem:s17+$0x5530]  }
0x28a: {  	v1 =	vld [tilespmem:s18+$0xFFFFFDB0];
	_ =	sdelay $0x1  }
0x28b: {  	v2 =	vld [tilespmem:s18+$0xFFFFFE30];
	_ =	sdelay $0x1  }
0x28c: {  	v3 =	vld [tilespmem:s18+$0xFFFFFEB0]  }
0x28d: {  	v0 =	vadd.f32 v1, v0  }
0x28e: {  	v1 =	vld [tilespmem:s18+$0xFFFFFF30]  }
0x28f: {  	v0 =	vadd.f32 v2, v0  }
0x290: {  	v2 =	vld [tilespmem:s18+$0xFFFFFFB0]  }
0x291: {  	v0 =	vadd.f32 v3, v0  }
0x292: {  	v3 =	vld [tilespmem:s18+$0x30]  }
0x293: {  	v0 =	vadd.f32 v1, v0  }
0x294: {  	v1 =	vld [tilespmem:s18+$0xB0]  }
0x295: {  	v0 =	vadd.f32 v2, v0  }
0x296: {  	v2 =	vld [tilespmem:s18+$0x130]  }
0x297: {  	v0 =	vadd.f32 v3, v0  }
0x298: {  	v3 =	vld [tilespmem:s18+$0x1B0]  }
0x299: {  	v0 =	vadd.f32 v1, v0  }
0x29a: {  	v1 =	vld [tilespmem:s18+$0x230]  }
0x29b: {  	v0 =	vadd.f32 v2, v0;
	_ =	sdelay $0x1  }
0x29c: {  	v0 =	vadd.f32 v3, v0;
	_ =	sdelay $0x1  }
0x29d: {  	v0 =	vadd.f32 v1, v0;
	_ =	sdelay $0x1  }
0x29e: {  	v0 =	vmax.f32 v0, $0.0e+00  }
0x29f: {  	[tilespmem:s17+$0x1B530] =	vst v0;
	v0 =	vld [tilespmem:s17+$0x5540]  }
0x2a0: {  	v1 =	vld [tilespmem:s18+$0xFFFFFDC0];
	_ =	sdelay $0x1  }
0x2a1: {  	v2 =	vld [tilespmem:s18+$0xFFFFFE40];
	_ =	sdelay $0x1  }
0x2a2: {  	v3 =	vld [tilespmem:s18+$0xFFFFFEC0]  }
0x2a3: {  	v0 =	vadd.f32 v1, v0  }
0x2a4: {  	v1 =	vld [tilespmem:s18+$0xFFFFFF40]  }
0x2a5: {  	v0 =	vadd.f32 v2, v0  }
0x2a6: {  	v2 =	vld [tilespmem:s18+$0xFFFFFFC0]  }
0x2a7: {  	v0 =	vadd.f32 v3, v0  }
0x2a8: {  	v3 =	vld [tilespmem:s18+$0x40]  }
0x2a9: {  	v0 =	vadd.f32 v1, v0  }
0x2aa: {  	v1 =	vld [tilespmem:s18+$0xC0]  }
0x2ab: {  	v0 =	vadd.f32 v2, v0  }
0x2ac: {  	v2 =	vld [tilespmem:s18+$0x140]  }
0x2ad: {  	v0 =	vadd.f32 v3, v0  }
0x2ae: {  	v3 =	vld [tilespmem:s18+$0x1C0]  }
0x2af: {  	v0 =	vadd.f32 v1, v0  }
0x2b0: {  	v1 =	vld [tilespmem:s18+$0x240]  }
0x2b1: {  	v0 =	vadd.f32 v2, v0;
	_ =	sdelay $0x1  }
0x2b2: {  	v0 =	vadd.f32 v3, v0;
	_ =	sdelay $0x1  }
0x2b3: {  	v0 =	vadd.f32 v1, v0;
	_ =	sdelay $0x1  }
0x2b4: {  	v0 =	vmax.f32 v0, $0.0e+00  }
0x2b5: {  	[tilespmem:s17+$0x1B540] =	vst v0;
	v0 =	vld [tilespmem:s17+$0x5550]  }
0x2b6: {  	v1 =	vld [tilespmem:s18+$0xFFFFFDD0];
	_ =	sdelay $0x1  }
0x2b7: {  	v2 =	vld [tilespmem:s18+$0xFFFFFE50];
	_ =	sdelay $0x1  }
0x2b8: {  	v3 =	vld [tilespmem:s18+$0xFFFFFED0]  }
0x2b9: {  	v0 =	vadd.f32 v1, v0  }
0x2ba: {  	v1 =	vld [tilespmem:s18+$0xFFFFFF50]  }
0x2bb: {  	v0 =	vadd.f32 v2, v0  }
0x2bc: {  	v2 =	vld [tilespmem:s18+$0xFFFFFFD0]  }
0x2bd: {  	v0 =	vadd.f32 v3, v0  }
0x2be: {  	v3 =	vld [tilespmem:s18+$0x50]  }
0x2bf: {  	v0 =	vadd.f32 v1, v0  }
0x2c0: {  	v1 =	vld [tilespmem:s18+$0xD0]  }
0x2c1: {  	v0 =	vadd.f32 v2, v0  }
0x2c2: {  	v2 =	vld [tilespmem:s18+$0x150]  }
0x2c3: {  	v0 =	vadd.f32 v3, v0  }
0x2c4: {  	v3 =	vld [tilespmem:s18+$0x1D0]  }
0x2c5: {  	v0 =	vadd.f32 v1, v0  }
0x2c6: {  	v1 =	vld [tilespmem:s18+$0x250]  }
0x2c7: {  	v0 =	vadd.f32 v2, v0;
	_ =	sdelay $0x1  }
0x2c8: {  	v0 =	vadd.f32 v3, v0;
	_ =	sdelay $0x1  }
0x2c9: {  	v0 =	vadd.f32 v1, v0;
	_ =	sdelay $0x1  }
0x2ca: {  	v0 =	vmax.f32 v0, $0.0e+00  }
0x2cb: {  	[tilespmem:s17+$0x1B550] =	vst v0;
	v0 =	vld [tilespmem:s17+$0x5560]  }
0x2cc: {  	v1 =	vld [tilespmem:s18+$0xFFFFFDE0];
	_ =	sdelay $0x1  }
0x2cd: {  	v2 =	vld [tilespmem:s18+$0xFFFFFE60];
	_ =	sdelay $0x1  }
0x2ce: {  	v3 =	vld [tilespmem:s18+$0xFFFFFEE0]  }
0x2cf: {  	v0 =	vadd.f32 v1, v0  }
0x2d0: {  	v1 =	vld [tilespmem:s18+$0xFFFFFF60]  }
0x2d1: {  	v0 =	vadd.f32 v2, v0  }
0x2d2: {  	v2 =	vld [tilespmem:s18+$0xFFFFFFE0]  }
0x2d3: {  	v0 =	vadd.f32 v3, v0  }
0x2d4: {  	v3 =	vld [tilespmem:s18+$0x60]  }
0x2d5: {  	v0 =	vadd.f32 v1, v0  }
0x2d6: {  	v1 =	vld [tilespmem:s18+$0xE0]  }
0x2d7: {  	v0 =	vadd.f32 v2, v0  }
0x2d8: {  	v2 =	vld [tilespmem:s18+$0x160]  }
0x2d9: {  	v0 =	vadd.f32 v3, v0  }
0x2da: {  	v3 =	vld [tilespmem:s18+$0x1E0]  }
0x2db: {  	v0 =	vadd.f32 v1, v0  }
0x2dc: {  	v1 =	vld [tilespmem:s18+$0x260]  }
0x2dd: {  	v0 =	vadd.f32 v2, v0;
	_ =	sdelay $0x1  }
0x2de: {  	v0 =	vadd.f32 v3, v0;
	_ =	sdelay $0x1  }
0x2df: {  	v0 =	vadd.f32 v1, v0;
	_ =	sdelay $0x1  }
0x2e0: {  	v0 =	vmax.f32 v0, $0.0e+00  }
0x2e1: {  	[tilespmem:s17+$0x1B560] =	vst v0;
	v0 =	vld [tilespmem:s17+$0x5570]  }
0x2e2: {  	v1 =	vld [tilespmem:s18+$0xFFFFFDF0];
	_ =	sdelay $0x1  }
0x2e3: {  	v2 =	vld [tilespmem:s18+$0xFFFFFE70];
	_ =	sdelay $0x1  }
0x2e4: {  	v3 =	vld [tilespmem:s18+$0xFFFFFEF0]  }
0x2e5: {  	v0 =	vadd.f32 v1, v0  }
0x2e6: {  	v1 =	vld [tilespmem:s18+$0xFFFFFF70]  }
0x2e7: {  	v0 =	vadd.f32 v2, v0  }
0x2e8: {  	v2 =	vld [tilespmem:s18+$0xFFFFFFF0]  }
0x2e9: {  	v0 =	vadd.f32 v3, v0  }
0x2ea: {  	v3 =	vld [tilespmem:s18+$0x70]  }
0x2eb: {  	v0 =	vadd.f32 v1, v0  }
0x2ec: {  	v1 =	vld [tilespmem:s18+$0xF0]  }
0x2ed: {  	v0 =	vadd.f32 v2, v0  }
0x2ee: {  	v2 =	vld [tilespmem:s18+$0x170]  }
0x2ef: {  	v0 =	vadd.f32 v3, v0  }
0x2f0: {  	v3 =	vld [tilespmem:s18+$0x1F0]  }
0x2f1: {  	v0 =	vadd.f32 v1, v0  }
0x2f2: {  	v1 =	vld [tilespmem:s18+$0x270]  }
0x2f3: {  	v0 =	vadd.f32 v2, v0;
	_ =	sdelay $0x1  }
0x2f4: {  	v0 =	vadd.f32 v3, v0;
	_ =	sdelay $0x1  }
0x2f5: {  	s19 =	simm.s32 $0x200;
	s11 =	simm.s32 $0x400;
	v0 =	vadd.f32 v1, v0  }
.LBB2_5:
0x2f6: {  	s6 =	sshra.s32 s19, $0x2  }
0x2f7: {  	s18 =	sadd.s32 $0x500, s18;
	s19 =	smov.u32 s11;
	s20 =	sadd.s32 $0x200, s11;
	v0 =	vmax.f32 v0, $0.0e+00  }
0x2f8: {  	p0 =	sne.s32 s11, $0x3E00;
	v1 =	vld [tilespmem:s6+$0x5500];
	[tilespmem:s17+$0x1B570] =	vst v0;
	s17 =	smov.u32 s6  }
0x2f9: {  	v0 =	vld [tilespmem:s18+$0xFFFFFD80]  }
0x2fa: {  	v2 =	vld [tilespmem:s18+$0xFFFFFE00];
	_ =	sdelay $0x1  }
0x2fb: {  	v3 =	vld [tilespmem:s18+$0xFFFFFE80];
	_ =	sdelay $0x1  }
0x2fc: {  	v0 =	vadd.f32 v0, v1;
	v1 =	vld [tilespmem:s18+$0xFFFFFF00];
	_ =	sdelay $0x1  }
0x2fd: {  	v0 =	vadd.f32 v2, v0;
	v2 =	vld [tilespmem:s18+$0xFFFFFF80];
	_ =	sdelay $0x1  }
0x2fe: {  	v0 =	vadd.f32 v3, v0;
	v3 =	vld [tilespmem:s18+$0x0];
	_ =	sdelay $0x1  }
0x2ff: {  	v0 =	vadd.f32 v1, v0;
	v1 =	vld [tilespmem:s18+$0x80];
	_ =	sdelay $0x1  }
0x300: {  	v0 =	vadd.f32 v2, v0;
	v2 =	vld [tilespmem:s18+$0x100];
	_ =	sdelay $0x1  }
0x301: {  	v0 =	vadd.f32 v3, v0;
	v3 =	vld [tilespmem:s18+$0x180];
	_ =	sdelay $0x1  }
0x302: {  	v0 =	vadd.f32 v1, v0;
	v1 =	vld [tilespmem:s18+$0x200];
	_ =	sdelay $0x1  }
0x303: {  	v0 =	vadd.f32 v2, v0;
	_ =	sdelay $0x1  }
0x304: {  	v0 =	vadd.f32 v3, v0;
	_ =	sdelay $0x1  }
0x305: {  	v0 =	vadd.f32 v1, v0;
	_ =	sdelay $0x1  }
0x306: {  	v0 =	vmax.f32 v0, $0.0e+00  }
0x307: {  	[tilespmem:s17+$0x1B500] =	vst v0;
	v0 =	vld [tilespmem:s17+$0x5510]  }
0x308: {  	v1 =	vld [tilespmem:s18+$0xFFFFFD90]  }
0x309: {  	v2 =	vld [tilespmem:s18+$0xFFFFFE10];
	_ =	sdelay $0x1  }
0x30a: {  	v3 =	vld [tilespmem:s18+$0xFFFFFE90];
	_ =	sdelay $0x1  }
0x30b: {  	v0 =	vadd.f32 v1, v0;
	v1 =	vld [tilespmem:s18+$0xFFFFFF10];
	_ =	sdelay $0x1  }
0x30c: {  	v0 =	vadd.f32 v2, v0;
	v2 =	vld [tilespmem:s18+$0xFFFFFF90];
	_ =	sdelay $0x1  }
0x30d: {  	v0 =	vadd.f32 v3, v0;
	v3 =	vld [tilespmem:s18+$0x10];
	_ =	sdelay $0x1  }
0x30e: {  	v0 =	vadd.f32 v1, v0;
	v1 =	vld [tilespmem:s18+$0x90];
	_ =	sdelay $0x1  }
0x30f: {  	v0 =	vadd.f32 v2, v0;
	v2 =	vld [tilespmem:s18+$0x110];
	_ =	sdelay $0x1  }
0x310: {  	v0 =	vadd.f32 v3, v0;
	v3 =	vld [tilespmem:s18+$0x190];
	_ =	sdelay $0x1  }
0x311: {  	v0 =	vadd.f32 v1, v0;
	v1 =	vld [tilespmem:s18+$0x210];
	_ =	sdelay $0x1  }
0x312: {  	v0 =	vadd.f32 v2, v0;
	_ =	sdelay $0x1  }
0x313: {  	v0 =	vadd.f32 v3, v0;
	_ =	sdelay $0x1  }
0x314: {  	v0 =	vadd.f32 v1, v0;
	_ =	sdelay $0x1  }
0x315: {  	v0 =	vmax.f32 v0, $0.0e+00  }
0x316: {  	[tilespmem:s17+$0x1B510] =	vst v0;
	v0 =	vld [tilespmem:s17+$0x5520]  }
0x317: {  	v1 =	vld [tilespmem:s18+$0xFFFFFDA0]  }
0x318: {  	v2 =	vld [tilespmem:s18+$0xFFFFFE20];
	_ =	sdelay $0x1  }
0x319: {  	v3 =	vld [tilespmem:s18+$0xFFFFFEA0];
	_ =	sdelay $0x1  }
0x31a: {  	v0 =	vadd.f32 v1, v0;
	v1 =	vld [tilespmem:s18+$0xFFFFFF20];
	_ =	sdelay $0x1  }
0x31b: {  	v0 =	vadd.f32 v2, v0;
	v2 =	vld [tilespmem:s18+$0xFFFFFFA0];
	_ =	sdelay $0x1  }
0x31c: {  	v0 =	vadd.f32 v3, v0;
	v3 =	vld [tilespmem:s18+$0x20];
	_ =	sdelay $0x1  }
0x31d: {  	v0 =	vadd.f32 v1, v0;
	v1 =	vld [tilespmem:s18+$0xA0];
	_ =	sdelay $0x1  }
0x31e: {  	v0 =	vadd.f32 v2, v0;
	v2 =	vld [tilespmem:s18+$0x120];
	_ =	sdelay $0x1  }
0x31f: {  	v0 =	vadd.f32 v3, v0;
	v3 =	vld [tilespmem:s18+$0x1A0];
	_ =	sdelay $0x1  }
0x320: {  	v0 =	vadd.f32 v1, v0;
	v1 =	vld [tilespmem:s18+$0x220];
	_ =	sdelay $0x1  }
0x321: {  	v0 =	vadd.f32 v2, v0;
	_ =	sdelay $0x1  }
0x322: {  	v0 =	vadd.f32 v3, v0;
	_ =	sdelay $0x1  }
0x323: {  	v0 =	vadd.f32 v1, v0;
	_ =	sdelay $0x1  }
0x324: {  	v0 =	vmax.f32 v0, $0.0e+00  }
0x325: {  	[tilespmem:s17+$0x1B520] =	vst v0;
	v0 =	vld [tilespmem:s17+$0x5530]  }
0x326: {  	v1 =	vld [tilespmem:s18+$0xFFFFFDB0]  }
0x327: {  	v2 =	vld [tilespmem:s18+$0xFFFFFE30];
	_ =	sdelay $0x1  }
0x328: {  	v3 =	vld [tilespmem:s18+$0xFFFFFEB0];
	_ =	sdelay $0x1  }
0x329: {  	v0 =	vadd.f32 v1, v0;
	v1 =	vld [tilespmem:s18+$0xFFFFFF30];
	_ =	sdelay $0x1  }
0x32a: {  	v0 =	vadd.f32 v2, v0;
	v2 =	vld [tilespmem:s18+$0xFFFFFFB0];
	_ =	sdelay $0x1  }
0x32b: {  	v0 =	vadd.f32 v3, v0;
	v3 =	vld [tilespmem:s18+$0x30];
	_ =	sdelay $0x1  }
0x32c: {  	v0 =	vadd.f32 v1, v0;
	v1 =	vld [tilespmem:s18+$0xB0];
	_ =	sdelay $0x1  }
0x32d: {  	v0 =	vadd.f32 v2, v0;
	v2 =	vld [tilespmem:s18+$0x130];
	_ =	sdelay $0x1  }
0x32e: {  	v0 =	vadd.f32 v3, v0;
	v3 =	vld [tilespmem:s18+$0x1B0];
	_ =	sdelay $0x1  }
0x32f: {  	v0 =	vadd.f32 v1, v0;
	v1 =	vld [tilespmem:s18+$0x230];
	_ =	sdelay $0x1  }
0x330: {  	v0 =	vadd.f32 v2, v0;
	_ =	sdelay $0x1  }
0x331: {  	v0 =	vadd.f32 v3, v0;
	_ =	sdelay $0x1  }
0x332: {  	v0 =	vadd.f32 v1, v0;
	_ =	sdelay $0x1  }
0x333: {  	v0 =	vmax.f32 v0, $0.0e+00  }
0x334: {  	[tilespmem:s17+$0x1B530] =	vst v0;
	v0 =	vld [tilespmem:s17+$0x5540]  }
0x335: {  	v1 =	vld [tilespmem:s18+$0xFFFFFDC0]  }
0x336: {  	v2 =	vld [tilespmem:s18+$0xFFFFFE40];
	_ =	sdelay $0x1  }
0x337: {  	v3 =	vld [tilespmem:s18+$0xFFFFFEC0];
	_ =	sdelay $0x1  }
0x338: {  	v0 =	vadd.f32 v1, v0;
	v1 =	vld [tilespmem:s18+$0xFFFFFF40];
	_ =	sdelay $0x1  }
0x339: {  	v0 =	vadd.f32 v2, v0;
	v2 =	vld [tilespmem:s18+$0xFFFFFFC0];
	_ =	sdelay $0x1  }
0x33a: {  	v0 =	vadd.f32 v3, v0;
	v3 =	vld [tilespmem:s18+$0x40];
	_ =	sdelay $0x1  }
0x33b: {  	v0 =	vadd.f32 v1, v0;
	v1 =	vld [tilespmem:s18+$0xC0];
	_ =	sdelay $0x1  }
0x33c: {  	v0 =	vadd.f32 v2, v0;
	v2 =	vld [tilespmem:s18+$0x140];
	_ =	sdelay $0x1  }
0x33d: {  	v0 =	vadd.f32 v3, v0;
	v3 =	vld [tilespmem:s18+$0x1C0];
	_ =	sdelay $0x1  }
0x33e: {  	v0 =	vadd.f32 v1, v0;
	v1 =	vld [tilespmem:s18+$0x240];
	_ =	sdelay $0x1  }
0x33f: {  	v0 =	vadd.f32 v2, v0;
	_ =	sdelay $0x1  }
0x340: {  	v0 =	vadd.f32 v3, v0;
	_ =	sdelay $0x1  }
0x341: {  	v0 =	vadd.f32 v1, v0;
	_ =	sdelay $0x1  }
0x342: {  	v0 =	vmax.f32 v0, $0.0e+00  }
0x343: {  	[tilespmem:s17+$0x1B540] =	vst v0;
	v0 =	vld [tilespmem:s17+$0x5550]  }
0x344: {  	v1 =	vld [tilespmem:s18+$0xFFFFFDD0]  }
0x345: {  	v2 =	vld [tilespmem:s18+$0xFFFFFE50]  }
0x346: {  	v3 =	vld [tilespmem:s18+$0xFFFFFED0]  }
0x347: {  	v4 =	vld [tilespmem:s18+$0xFFFFFF50]  }
0x348: {  	v5 =	vld [tilespmem:s18+$0xFFFFFFD0]  }
0x349: {  	v0 =	vadd.f32 v1, v0;
	v1 =	vld [tilespmem:s18+$0x50]  }
0x34a: {  	v6 =	vld [tilespmem:s18+$0xD0]  }
0x34b: {  	v0 =	vadd.f32 v2, v0;
	v2 =	vld [tilespmem:s18+$0x150]  }
0x34c: {  	v7 =	vld [tilespmem:s18+$0x1D0]  }
0x34d: {  	v0 =	vadd.f32 v3, v0;
	v3 =	vld [tilespmem:s18+$0x250];
	_ =	sdelay $0x1  }
0x34e: {  	v0 =	vadd.f32 v4, v0;
	_ =	sdelay $0x1  }
0x34f: {  	v0 =	vadd.f32 v5, v0;
	_ =	sdelay $0x1  }
0x350: {  	v0 =	vadd.f32 v1, v0;
	_ =	sdelay $0x1  }
0x351: {  	v0 =	vadd.f32 v6, v0;
	_ =	sdelay $0x1  }
0x352: {  	v0 =	vadd.f32 v2, v0;
	_ =	sdelay $0x1  }
0x353: {  	v0 =	vadd.f32 v7, v0;
	_ =	sdelay $0x1  }
0x354: {  	v0 =	vadd.f32 v3, v0;
	_ =	sdelay $0x1  }
0x355: {  	v0 =	vmax.f32 v0, $0.0e+00  }
0x356: {  	[tilespmem:s17+$0x1B550] =	vst v0;
	v0 =	vld [tilespmem:s17+$0x5560]  }
0x357: {  	v1 =	vld [tilespmem:s18+$0xFFFFFDE0]  }
0x358: {  	v2 =	vld [tilespmem:s18+$0xFFFFFE60]  }
0x359: {  	v3 =	vld [tilespmem:s18+$0xFFFFFEE0]  }
0x35a: {  	v4 =	vld [tilespmem:s18+$0xFFFFFF60]  }
0x35b: {  	v5 =	vld [tilespmem:s18+$0xFFFFFFE0]  }
0x35c: {  	v0 =	vadd.f32 v1, v0;
	v1 =	vld [tilespmem:s18+$0x60]  }
0x35d: {  	v6 =	vld [tilespmem:s18+$0xE0]  }
0x35e: {  	v0 =	vadd.f32 v2, v0;
	v2 =	vld [tilespmem:s18+$0x160]  }
0x35f: {  	v7 =	vld [tilespmem:s18+$0x1E0]  }
0x360: {  	v0 =	vadd.f32 v3, v0;
	v3 =	vld [tilespmem:s18+$0x260];
	_ =	sdelay $0x1  }
0x361: {  	v0 =	vadd.f32 v4, v0;
	_ =	sdelay $0x1  }
0x362: {  	v0 =	vadd.f32 v5, v0;
	_ =	sdelay $0x1  }
0x363: {  	v0 =	vadd.f32 v1, v0;
	_ =	sdelay $0x1  }
0x364: {  	v0 =	vadd.f32 v6, v0;
	_ =	sdelay $0x1  }
0x365: {  	v0 =	vadd.f32 v2, v0;
	_ =	sdelay $0x1  }
0x366: {  	v0 =	vadd.f32 v7, v0;
	_ =	sdelay $0x1  }
0x367: {  	v0 =	vadd.f32 v3, v0;
	_ =	sdelay $0x1  }
0x368: {  	v0 =	vmax.f32 v0, $0.0e+00  }
0x369: {  	[tilespmem:s17+$0x1B560] =	vst v0;
	v0 =	vld [tilespmem:s17+$0x5570]  }
0x36a: {  	v1 =	vld [tilespmem:s18+$0xFFFFFDF0]  }
0x36b: {  	v2 =	vld [tilespmem:s18+$0xFFFFFE70]  }
0x36c: {  	v3 =	vld [tilespmem:s18+$0xFFFFFEF0]  }
0x36d: {  	v4 =	vld [tilespmem:s18+$0xFFFFFF70]  }
0x36e: {  	v5 =	vld [tilespmem:s18+$0xFFFFFFF0]  }
0x36f: {  	v0 =	vadd.f32 v1, v0;
	v1 =	vld [tilespmem:s18+$0x70]  }
0x370: {  	v6 =	vld [tilespmem:s18+$0xF0]  }
0x371: {  	v0 =	vadd.f32 v2, v0;
	v2 =	vld [tilespmem:s18+$0x170]  }
0x372: {  	v7 =	vld [tilespmem:s18+$0x1F0]  }
0x373: {  	v0 =	vadd.f32 v3, v0;
	v3 =	vld [tilespmem:s18+$0x270];
	_ =	sdelay $0x1  }
0x374: {  	v0 =	vadd.f32 v4, v0;
	_ =	sdelay $0x1  }
0x375: {  	v0 =	vadd.f32 v5, v0;
	_ =	sdelay $0x1  }
0x376: {  	v0 =	vadd.f32 v1, v0;
	_ =	sdelay $0x1  }
0x377: {  	v0 =	vadd.f32 v6, v0;
	_ =	sdelay $0x1  }
.Ltmp1:
0x378: {  	v0 =	vadd.f32 v2, v0;
	(pc) =	sbr.rel @p0 .LBB2_5-.Ltmp1, $3  }
0x379: {  	_ = 	snop  }
0x37a: {  	v0 =	vadd.f32 v7, v0;
	_ =	sdelay $0x1  }
0x37b: {  	s11 =	smov.u32 s20;
	v0 =	vadd.f32 v3, v0  }
0x37c: {  	_ = 	snop  }
0x37d: {  	s19 =	sshra.s32 s19, $0x2;
	v0 =	vmax.f32 v0, $0.0e+00  }
0x37e: {  	s18 =	sadd.s32 $0x500, s18;
	v1 =	vld [tilespmem:s19+$0x5500];
	[tilespmem:s17+$0x1B570] =	vst v0  }
0x37f: {  	v0 =	vld [tilespmem:s18+$0xFFFFFD80];
	_ =	sdelay $0x1  }
0x380: {  	v2 =	vld [tilespmem:s18+$0xFFFFFE00];
	_ =	sdelay $0x1  }
0x381: {  	v3 =	vld [tilespmem:s18+$0xFFFFFE80]  }
0x382: {  	v0 =	vadd.f32 v0, v1  }
0x383: {  	v38 =	vld [tilespmem:s18+$0xFFFFFF00]  }
0x384: {  	v0 =	vadd.f32 v2, v0  }
0x385: {  	v39 =	vld [tilespmem:s18+$0xFFFFFF80]  }
0x386: {  	v0 =	vadd.f32 v3, v0  }
0x387: {  	v40 =	vld [tilespmem:s18+$0x0]  }
0x388: {  	v0 =	vadd.f32 v38, v0  }
0x389: {  	v41 =	vld [tilespmem:s18+$0x80]  }
0x38a: {  	v0 =	vadd.f32 v39, v0  }
0x38b: {  	v42 =	vld [tilespmem:s18+$0x100]  }
0x38c: {  	v0 =	vadd.f32 v40, v0  }
0x38d: {  	v43 =	vld [tilespmem:s18+$0x180]  }
0x38e: {  	v0 =	vadd.f32 v41, v0  }
0x38f: {  	v44 =	vld [tilespmem:s18+$0x200]  }
0x390: {  	v0 =	vadd.f32 v42, v0;
	_ =	sdelay $0x1  }
0x391: {  	v0 =	vadd.f32 v43, v0;
	_ =	sdelay $0x1  }
0x392: {  	v0 =	vadd.f32 v44, v0;
	_ =	sdelay $0x1  }
0x393: {  	v0 =	vmax.f32 v0, $0.0e+00  }
0x394: {  	v45 =	vld [tilespmem:s19+$0x5510];
	[tilespmem:s19+$0x1B500] =	vst v0  }
0x395: {  	v46 =	vld [tilespmem:s18+$0xFFFFFD90];
	_ =	sdelay $0x1  }
0x396: {  	v47 =	vld [tilespmem:s18+$0xFFFFFE10];
	_ =	sdelay $0x1  }
0x397: {  	v48 =	vld [tilespmem:s18+$0xFFFFFE90]  }
0x398: {  	v0 =	vadd.f32 v46, v45  }
0x399: {  	v49 =	vld [tilespmem:s18+$0xFFFFFF10]  }
0x39a: {  	v0 =	vadd.f32 v47, v0  }
0x39b: {  	v50 =	vld [tilespmem:s18+$0xFFFFFF90]  }
0x39c: {  	v0 =	vadd.f32 v48, v0  }
0x39d: {  	v51 =	vld [tilespmem:s18+$0x10]  }
0x39e: {  	v0 =	vadd.f32 v49, v0  }
0x39f: {  	v52 =	vld [tilespmem:s18+$0x90]  }
0x3a0: {  	v0 =	vadd.f32 v50, v0  }
0x3a1: {  	v53 =	vld [tilespmem:s18+$0x110]  }
0x3a2: {  	v0 =	vadd.f32 v51, v0  }
0x3a3: {  	v54 =	vld [tilespmem:s18+$0x190]  }
0x3a4: {  	v0 =	vadd.f32 v52, v0  }
0x3a5: {  	v55 =	vld [tilespmem:s18+$0x210]  }
0x3a6: {  	v0 =	vadd.f32 v53, v0;
	_ =	sdelay $0x1  }
0x3a7: {  	v0 =	vadd.f32 v54, v0;
	_ =	sdelay $0x1  }
0x3a8: {  	v0 =	vadd.f32 v55, v0;
	_ =	sdelay $0x1  }
0x3a9: {  	v0 =	vmax.f32 v0, $0.0e+00  }
0x3aa: {  	v56 =	vld [tilespmem:s19+$0x5520];
	[tilespmem:s19+$0x1B510] =	vst v0  }
0x3ab: {  	v57 =	vld [tilespmem:s18+$0xFFFFFDA0];
	_ =	sdelay $0x1  }
0x3ac: {  	v58 =	vld [tilespmem:s18+$0xFFFFFE20];
	_ =	sdelay $0x1  }
0x3ad: {  	v59 =	vld [tilespmem:s18+$0xFFFFFEA0]  }
0x3ae: {  	v0 =	vadd.f32 v57, v56  }
0x3af: {  	v60 =	vld [tilespmem:s18+$0xFFFFFF20]  }
0x3b0: {  	v0 =	vadd.f32 v58, v0  }
0x3b1: {  	v61 =	vld [tilespmem:s18+$0xFFFFFFA0]  }
0x3b2: {  	v0 =	vadd.f32 v59, v0  }
0x3b3: {  	v62 =	vld [tilespmem:s18+$0x20]  }
0x3b4: {  	v0 =	vadd.f32 v60, v0  }
0x3b5: {  	v63 =	vld [tilespmem:s18+$0xA0]  }
0x3b6: {  	v0 =	vadd.f32 v61, v0  }
0x3b7: {  	v6 =	vld [tilespmem:s18+$0x120]  }
0x3b8: {  	v0 =	vadd.f32 v62, v0  }
0x3b9: {  	v7 =	vld [tilespmem:s18+$0x1A0]  }
0x3ba: {  	v0 =	vadd.f32 v63, v0  }
0x3bb: {  	v8 =	vld [tilespmem:s18+$0x220]  }
0x3bc: {  	v0 =	vadd.f32 v6, v0;
	_ =	sdelay $0x1  }
0x3bd: {  	v0 =	vadd.f32 v7, v0;
	_ =	sdelay $0x1  }
0x3be: {  	v0 =	vadd.f32 v8, v0;
	_ =	sdelay $0x1  }
0x3bf: {  	v0 =	vmax.f32 v0, $0.0e+00  }
0x3c0: {  	v9 =	vld [tilespmem:s19+$0x5530];
	[tilespmem:s19+$0x1B520] =	vst v0  }
0x3c1: {  	v10 =	vld [tilespmem:s18+$0xFFFFFDB0];
	_ =	sdelay $0x1  }
0x3c2: {  	v11 =	vld [tilespmem:s18+$0xFFFFFE30];
	_ =	sdelay $0x1  }
0x3c3: {  	v12 =	vld [tilespmem:s18+$0xFFFFFEB0]  }
0x3c4: {  	v0 =	vadd.f32 v10, v9  }
0x3c5: {  	v13 =	vld [tilespmem:s18+$0xFFFFFF30]  }
0x3c6: {  	v0 =	vadd.f32 v11, v0  }
0x3c7: {  	v14 =	vld [tilespmem:s18+$0xFFFFFFB0]  }
0x3c8: {  	v0 =	vadd.f32 v12, v0  }
0x3c9: {  	v15 =	vld [tilespmem:s18+$0x30]  }
0x3ca: {  	v0 =	vadd.f32 v13, v0  }
0x3cb: {  	v16 =	vld [tilespmem:s18+$0xB0]  }
0x3cc: {  	v0 =	vadd.f32 v14, v0  }
0x3cd: {  	v17 =	vld [tilespmem:s18+$0x130]  }
0x3ce: {  	v0 =	vadd.f32 v15, v0  }
0x3cf: {  	v18 =	vld [tilespmem:s18+$0x1B0]  }
0x3d0: {  	v0 =	vadd.f32 v16, v0  }
0x3d1: {  	v19 =	vld [tilespmem:s18+$0x230]  }
0x3d2: {  	v0 =	vadd.f32 v17, v0;
	_ =	sdelay $0x1  }
0x3d3: {  	v0 =	vadd.f32 v18, v0;
	_ =	sdelay $0x1  }
0x3d4: {  	v0 =	vadd.f32 v19, v0;
	_ =	sdelay $0x1  }
0x3d5: {  	v0 =	vmax.f32 v0, $0.0e+00  }
0x3d6: {  	v20 =	vld [tilespmem:s19+$0x5540];
	[tilespmem:s19+$0x1B530] =	vst v0  }
0x3d7: {  	v21 =	vld [tilespmem:s18+$0xFFFFFDC0];
	_ =	sdelay $0x1  }
0x3d8: {  	v22 =	vld [tilespmem:s18+$0xFFFFFE40];
	_ =	sdelay $0x1  }
0x3d9: {  	v23 =	vld [tilespmem:s18+$0xFFFFFEC0]  }
0x3da: {  	v0 =	vadd.f32 v21, v20  }
0x3db: {  	v24 =	vld [tilespmem:s18+$0xFFFFFF40]  }
0x3dc: {  	v0 =	vadd.f32 v22, v0  }
0x3dd: {  	v25 =	vld [tilespmem:s18+$0xFFFFFFC0]  }
0x3de: {  	v0 =	vadd.f32 v23, v0  }
0x3df: {  	v26 =	vld [tilespmem:s18+$0x40]  }
0x3e0: {  	v0 =	vadd.f32 v24, v0  }
0x3e1: {  	v27 =	vld [tilespmem:s18+$0xC0]  }
0x3e2: {  	v0 =	vadd.f32 v25, v0  }
0x3e3: {  	v28 =	vld [tilespmem:s18+$0x140]  }
0x3e4: {  	v0 =	vadd.f32 v26, v0  }
0x3e5: {  	v29 =	vld [tilespmem:s18+$0x1C0]  }
0x3e6: {  	v0 =	vadd.f32 v27, v0  }
0x3e7: {  	v30 =	vld [tilespmem:s18+$0x240]  }
0x3e8: {  	v0 =	vadd.f32 v28, v0;
	_ =	sdelay $0x1  }
0x3e9: {  	v0 =	vadd.f32 v29, v0;
	_ =	sdelay $0x1  }
0x3ea: {  	v0 =	vadd.f32 v30, v0;
	_ =	sdelay $0x1  }
0x3eb: {  	v0 =	vmax.f32 v0, $0.0e+00  }
0x3ec: {  	v31 =	vld [tilespmem:s19+$0x5550];
	[tilespmem:s19+$0x1B540] =	vst v0  }
0x3ed: {  	v32 =	vld [tilespmem:s18+$0xFFFFFDD0];
	_ =	sdelay $0x1  }
0x3ee: {  	v33 =	vld [tilespmem:s18+$0xFFFFFE50];
	_ =	sdelay $0x1  }
0x3ef: {  	v34 =	vld [tilespmem:s18+$0xFFFFFED0]  }
0x3f0: {  	v0 =	vadd.f32 v32, v31  }
0x3f1: {  	v35 =	vld [tilespmem:s18+$0xFFFFFF50]  }
0x3f2: {  	v0 =	vadd.f32 v33, v0  }
0x3f3: {  	v36 =	vld [tilespmem:s18+$0xFFFFFFD0]  }
0x3f4: {  	v0 =	vadd.f32 v34, v0  }
0x3f5: {  	v37 =	vld [tilespmem:s18+$0x50]  }
0x3f6: {  	v0 =	vadd.f32 v35, v0  }
0x3f7: {  	v38 =	vld [tilespmem:s18+$0xD0]  }
0x3f8: {  	v0 =	vadd.f32 v36, v0  }
0x3f9: {  	v39 =	vld [tilespmem:s18+$0x150]  }
0x3fa: {  	v0 =	vadd.f32 v37, v0  }
0x3fb: {  	v40 =	vld [tilespmem:s18+$0x1D0]  }
0x3fc: {  	v0 =	vadd.f32 v38, v0  }
0x3fd: {  	v41 =	vld [tilespmem:s18+$0x250]  }
0x3fe: {  	v0 =	vadd.f32 v39, v0;
	_ =	sdelay $0x1  }
0x3ff: {  	v0 =	vadd.f32 v40, v0;
	_ =	sdelay $0x1  }
0x400: {  	v0 =	vadd.f32 v41, v0;
	_ =	sdelay $0x1  }
0x401: {  	v0 =	vmax.f32 v0, $0.0e+00  }
0x402: {  	v42 =	vld [tilespmem:s19+$0x5560];
	[tilespmem:s19+$0x1B550] =	vst v0  }
0x403: {  	v43 =	vld [tilespmem:s18+$0xFFFFFDE0];
	_ =	sdelay $0x1  }
0x404: {  	v44 =	vld [tilespmem:s18+$0xFFFFFE60];
	_ =	sdelay $0x1  }
0x405: {  	v45 =	vld [tilespmem:s18+$0xFFFFFEE0]  }
0x406: {  	v0 =	vadd.f32 v43, v42  }
0x407: {  	v46 =	vld [tilespmem:s18+$0xFFFFFF60]  }
0x408: {  	v0 =	vadd.f32 v44, v0  }
0x409: {  	v47 =	vld [tilespmem:s18+$0xFFFFFFE0]  }
0x40a: {  	v0 =	vadd.f32 v45, v0  }
0x40b: {  	v48 =	vld [tilespmem:s18+$0x60]  }
0x40c: {  	v0 =	vadd.f32 v46, v0  }
0x40d: {  	v49 =	vld [tilespmem:s18+$0xE0]  }
0x40e: {  	v0 =	vadd.f32 v47, v0  }
0x40f: {  	v50 =	vld [tilespmem:s18+$0x160]  }
0x410: {  	v0 =	vadd.f32 v48, v0  }
0x411: {  	v51 =	vld [tilespmem:s18+$0x1E0]  }
0x412: {  	v0 =	vadd.f32 v49, v0  }
0x413: {  	v52 =	vld [tilespmem:s18+$0x260]  }
0x414: {  	v0 =	vadd.f32 v50, v0;
	_ =	sdelay $0x1  }
0x415: {  	v0 =	vadd.f32 v51, v0;
	_ =	sdelay $0x1  }
0x416: {  	v0 =	vadd.f32 v52, v0;
	_ =	sdelay $0x1  }
0x417: {  	v0 =	vmax.f32 v0, $0.0e+00  }
0x418: {  	v53 =	vld [tilespmem:s19+$0x5570];
	[tilespmem:s19+$0x1B560] =	vst v0  }
0x419: {  	v54 =	vld [tilespmem:s18+$0xFFFFFDF0];
	_ =	sdelay $0x1  }
0x41a: {  	v55 =	vld [tilespmem:s18+$0xFFFFFE70];
	_ =	sdelay $0x1  }
0x41b: {  	v56 =	vld [tilespmem:s18+$0xFFFFFEF0]  }
0x41c: {  	v0 =	vadd.f32 v54, v53  }
0x41d: {  	v57 =	vld [tilespmem:s18+$0xFFFFFF70]  }
0x41e: {  	v0 =	vadd.f32 v55, v0  }
0x41f: {  	v58 =	vld [tilespmem:s18+$0xFFFFFFF0]  }
0x420: {  	v0 =	vadd.f32 v56, v0  }
0x421: {  	v59 =	vld [tilespmem:s18+$0x70]  }
0x422: {  	v0 =	vadd.f32 v57, v0  }
0x423: {  	v60 =	vld [tilespmem:s18+$0xF0]  }
0x424: {  	v0 =	vadd.f32 v58, v0  }
0x425: {  	v61 =	vld [tilespmem:s18+$0x170]  }
0x426: {  	v0 =	vadd.f32 v59, v0  }
0x427: {  	v62 =	vld [tilespmem:s18+$0x1F0]  }
0x428: {  	v0 =	vadd.f32 v60, v0  }
0x429: {  	v63 =	vld [tilespmem:s18+$0x270]  }
0x42a: {  	v0 =	vadd.f32 v61, v0;
	_ =	sdelay $0x1  }
0x42b: {  	s15 =	sadd.s32 $0x1, s15;
	v0 =	vadd.f32 v62, v0  }
0x42c: {  	p0 =	sne.s32 s15, $0x19  }
.Ltmp2:
0x42d: {  	v0 =	vadd.f32 v63, v0;
	(pc) =	sbr.rel @p0 .LBB2_2-.Ltmp2, $4  }
0x42e: {  	s6 =	sadd.s32 s2, s16  }
0x42f: {  	s6 =	sshll.u32 s6, $0x4;
	v0 =	vmax.f32 v0, $0.0e+00  }
0x430: {  	s6 =	sadd.s32 s5, s6;
	[tilespmem:s19+$0x1B570] =	vst v0  }
0x431: {  	[hbm4b:s6+s3] =	stream.linear.scatter [tilespmem:s31], [sflag:$0x4], $0x1000, $0x38;
	[tilespmem:$0x1C500] =	vst v63  }
0x432: {  	s13 =	sadd.s32 $0x1, s13  }
0x433: {  	_ =	swait.ge [sflag:s1], $0x1000;
	p0 =	sne.s32 s13, s9  }
.Ltmp3:
0x434: {  	[sflag:s1] =	ssyncset.done $0x0;
	(pc) =	sbr.rel @p0 .LBB2_1-.Ltmp3, $4  }
0x435: {  	[sflag:s1] =	ssyncadd.s32 $0xFFFFF000  }
0x436: {  	_ =	swait.ge [sflag:s0], $0x1000  }
0x437: {  	[sflag:s0] =	ssyncset.done $0x0  }
0x438: {  	[sflag:s0] =	ssyncadd.s32 $0xFFFFF000  }
0x439: {  	_ =	sfence.sel $0x180000  }
0x43a: {  	[bflag:$0x0] =	sbarrier.arrive $0xFFFF  }
0x43b: {  	_ =	strace $0x90000047  }
0x43c: {  	s0 =	stileid.u32;
	[bflag:$0x2] =	sbarrier.arrive $0xFFFF  }
0x43d: {  	p0 =	sne.s32 s0, $0x0;
	s0 =	rddreg [dreg:$0x2]  }
0x43e: {  	s0 =	sadd.s32 @!p0 $0x100000, s0  }
0x43f: {  	[sflag:s0] =	ssyncadd.tile.s32 @!p0 $0x1;
	_ =	shalt  }
.Lfunc_end2:
_tile_overlayer_lowered:
.L_overlay_start_2:
0x440: {  	(tag) =	ssettag $0x2  }
0x441: {  	s0 =	rddreg [dreg:$0x0];
	s2 =	stileid.u32  }
0x442: {  	s1 =	rddreg [dreg:$0x1];
	p0 =	sne.s32 s2, $0x0  }
0x443: {  	s3 =	rddreg [dreg:$0x2];
	[bflag:$0x3] =	sbarrier.arrive $0xFFFF;
	s2 =	simm.s32 @!p0 $0x1C05  }
0x444: {  	[timem:s3], [sflag:s2] =	dma.local @!p0 [hbm:s0], s1  }
0x445: {  	s0 =	simm.s32 @!p0 $0x5  }
0x446: {  	_ =	swait.ge @!p0 [sflag:s0], s1  }
0x447: {  	s1 =	ssub.s32 @!p0 $0x0, s1;
	[sflag:s0] =	ssyncset.done @!p0 $0x0  }
0x448: {  	[sflag:s0] =	ssyncadd.s32 @!p0 s1  }
0x449: {  	[bflag:$0x3] =	sbarrier.arrive $0xFFFF  }
0x44a: {  	_ =	shalt  }

</sc_bundles>
